<compile_context>
chip_gen: v7x
topology: tpu7x:2x2x1
jax: 0.10.2.dev20260603
libtpu: 0.0.44.dev20260713+nightly
codegen_flags: <defaults>
</compile_context>

<pallas_src>
import functools

import jax
import jax.numpy as jnp
from jax import lax
from jax.experimental import pallas as pl
from jax.experimental.pallas import tpu as pltpu
from jax.experimental.pallas import tpu_sc as plsc

NC = 2
NS = 16
NW = NC * NS
CHUNK = 128
R = 512


def _sc_mesh():
    return plsc.VectorSubcoreMesh(core_axis_name="c", subcore_axis_name="s")


BI = 27
DEPTH_AGG = 2


DEG_BI = 27


def _make_deg_kernel(e_iters, n_pad):
    BI = DEG_BI
    iters = e_iters // NW
    nb = iters // BI
    rows_pt = n_pad // NS

    @functools.partial(
        pl.kernel,
        mesh=_sc_mesh(),
        out_type=jax.ShapeDtypeStruct((NC, NS, 1, rows_pt), jnp.float32),
        scratch_types=[
            pltpu.VMEM((BI, CHUNK), jnp.int32),
            pltpu.VMEM((CHUNK,), jnp.float32),
            pltpu.VMEM((rows_pt,), jnp.float32),
            pltpu.VMEM_SHARED((n_pad,), jnp.float32),
            pltpu.SemaphoreType.DMA,
            pltpu.SemaphoreType.DMA,
        ],
    )
    def deg_kernel(dst_hbm, out_hbm, dst_v, ones_v, stage_v, acc_sh, sem_a, sem_b):
        c = lax.axis_index("c")
        s = lax.axis_index("s")
        wid = c * NS + s

        def fill_ones(k, _):
            ones_v[pl.ds(k * 16, 16)] = jnp.ones((16,), jnp.float32)
            return 0

        lax.fori_loop(0, CHUNK // 16, fill_ones, 0)

        def zero_stage(k, _):
            stage_v[pl.ds(k * 16, 16)] = jnp.zeros((16,), jnp.float32)
            return 0

        lax.fori_loop(0, rows_pt // 16, zero_stage, 0)
        pltpu.sync_copy(stage_v, acc_sh.at[pl.ds(s * rows_pt, rows_pt)])
        plsc.subcore_barrier()

        def block(b, _):
            pltpu.sync_copy(dst_hbm.at[wid, b], dst_v)
            pltpu.async_copy(ones_v, acc_sh.at[dst_v.at[0]], sem_a, add=True)

            def body(t, __):
                j = 2 * t
                d1 = pltpu.async_copy(ones_v, acc_sh.at[dst_v.at[j + 1]],
                                      sem_b, add=True)
                pltpu.make_async_copy(ones_v, acc_sh.at[dst_v.at[j]], sem_a).wait()

                @pl.when(j + 2 < BI)
                def _():
                    pltpu.async_copy(ones_v, acc_sh.at[dst_v.at[j + 2]],
                                     sem_a, add=True)
                d1.wait()
                return 0

            lax.fori_loop(0, BI // 2, body, 0)
            if BI % 2 == 1:
                pltpu.make_async_copy(ones_v, acc_sh.at[dst_v.at[BI - 1]],
                                      sem_a).wait()
            return 0

        lax.fori_loop(0, nb, block, 0)
        plsc.subcore_barrier()

        pltpu.sync_copy(acc_sh.at[pl.ds(s * rows_pt, rows_pt)], stage_v)
        pltpu.sync_copy(stage_v, out_hbm.at[c, s, 0])

    return deg_kernel


def _make_agg_kernel(e_iters, n_pad, d):
    iters = e_iters // NW
    rows_pt = n_pad // NS
    out_chunks = rows_pt // CHUNK

    nb = iters // BI

    DEPTH = DEPTH_AGG

    @functools.partial(
        pl.kernel,
        mesh=_sc_mesh(),
        out_type=jax.ShapeDtypeStruct((NC, n_pad, d), jnp.float32),
        scratch_types=[
            pltpu.VMEM((BI, CHUNK), jnp.int32),
            pltpu.VMEM((BI, CHUNK), jnp.int32),
            pltpu.VMEM((DEPTH * CHUNK, d), jnp.float32),
            pltpu.VMEM_SHARED((n_pad, d), jnp.float32),
            pltpu.SemaphoreType.DMA((DEPTH,)),
        ],
    )
    def agg_kernel(g_hbm, src_hbm, dst_hbm, out_hbm,
                   src_v, dst_v, buf, acc_sh, sem):
        c = lax.axis_index("c")
        s = lax.axis_index("s")
        wid = c * NS + s
        r0 = s * rows_pt

        def zrow(r, _):
            def zcol(k, __):
                buf[r, pl.ds(k * 16, 16)] = jnp.zeros((16,), jnp.float32)
                return 0
            lax.fori_loop(0, d // 16, zcol, 0)
            return 0

        lax.fori_loop(0, CHUNK, zrow, 0)
        for k in range(out_chunks):
            pltpu.sync_copy(buf.at[pl.ds(0, CHUNK)],
                            acc_sh.at[pl.ds(r0 + k * CHUNK, CHUNK)])
        plsc.subcore_barrier()

        buf_a = buf.at[pl.ds(0, CHUNK)]
        buf_b = buf.at[pl.ds(CHUNK, CHUNK)]
        sem_a = sem.at[0]
        sem_b = sem.at[1]

        def block(b, _):
            pltpu.sync_copy(src_hbm.at[wid, b], src_v)
            pltpu.sync_copy(dst_hbm.at[wid, b], dst_v)
            pltpu.async_copy(g_hbm.at[src_v.at[0]], buf_a, sem_a)

            def body(t, __):
                j = 2 * t
                d1 = pltpu.async_copy(g_hbm.at[src_v.at[j + 1]], buf_b, sem_b)
                pltpu.make_async_copy(g_hbm.at[src_v.at[j]], buf_a, sem_a).wait()
                pltpu.sync_copy(buf_a, acc_sh.at[dst_v.at[j]], add=True)
                pltpu.async_copy(g_hbm.at[src_v.at[j + 2]], buf_a, sem_a)
                d1.wait()
                pltpu.sync_copy(buf_b, acc_sh.at[dst_v.at[j + 1]], add=True)
                return 0

            lax.fori_loop(0, (BI - 1) // 2, body, 0)
            pltpu.make_async_copy(g_hbm.at[src_v.at[BI - 1]], buf_a, sem_a).wait()
            pltpu.sync_copy(buf_a, acc_sh.at[dst_v.at[BI - 1]], add=True)
            return 0

        lax.fori_loop(0, nb, block, 0)
        plsc.subcore_barrier()

        for k in range(out_chunks):
            pltpu.sync_copy(acc_sh.at[pl.ds(r0 + k * CHUNK, CHUNK)],
                            buf.at[pl.ds(0, CHUNK)])
            pltpu.sync_copy(buf.at[pl.ds(0, CHUNK)],
                            out_hbm.at[c, pl.ds(r0 + k * CHUNK, CHUNK)])

    return agg_kernel


def _dis_from_parts(p_ref):
    deg = p_ref[0, :, :] + p_ref[1, :, :] + 1.0
    return lax.rsqrt(deg)


def _dense1_body(x_ref, w_ref, p_ref, o_ref):
    dis = _dis_from_parts(p_ref)
    h = jnp.dot(x_ref[...], w_ref[...], preferred_element_type=jnp.float32)
    o_ref[...] = h * dis


def _dense2_body(pp_ref, g_ref, p_ref, w_ref, b_ref, o_ref):
    dis = _dis_from_parts(p_ref)
    z = (pp_ref[0, :, :] + pp_ref[1, :, :] + g_ref[...]) * dis + b_ref[...]
    a = jnp.maximum(z, 0.0)
    o_ref[...] = jnp.dot(a, w_ref[...], preferred_element_type=jnp.float32) * dis


def _dense3_body(pp_ref, g_ref, p_ref, b_ref, wo_ref, bo_ref, o_ref):
    dis = _dis_from_parts(p_ref)
    z = (pp_ref[0, :, :] + pp_ref[1, :, :] + g_ref[...]) * dis + b_ref[...]
    a = jnp.maximum(z, 0.0)
    t = jnp.sum(a * wo_ref[...], axis=1, keepdims=True) + bo_ref[...]
    o_ref[...] = jax.nn.sigmoid(t)


def kernel(x, edge_index, W1, b1, W2, b2, Wo, bo):
    n, d = x.shape
    e = edge_index.shape[1]
    n_pad = -(-n // R) * R
    assert n_pad % (NS * CHUNK) == 0 and BI % 2 == 1
    unit = NW * CHUNK * BI
    e_pad = -(-e // unit) * unit
    iters = e_pad // (NW * CHUNK)
    nb = n_pad // R

    src1, dst1 = edge_index[0], edge_index[1]
    if e_pad > e:
        assert n_pad > n
        pad_idx = (n + jnp.arange(e_pad - e, dtype=jnp.int32) % (n_pad - n))
        src1 = jnp.concatenate([src1, pad_idx])
        dst1 = jnp.concatenate([dst1, pad_idx])
    assert iters % BI == 0 and iters % DEG_BI == 0
    src2 = src1.reshape(NW, iters // BI, BI, CHUNK)
    dst2 = dst1.reshape(NW, iters // BI, BI, CHUNK)
    dst3 = dst1.reshape(NW, iters // DEG_BI, DEG_BI, CHUNK)
    x_pad = jnp.pad(x, ((0, n_pad - n), (0, 0)))

    parts = _make_deg_kernel(e_pad // CHUNK, n_pad)(dst3)
    parts3 = parts.reshape(NC, n_pad, 1)
    agg = _make_agg_kernel(e_pad // CHUNK, n_pad, d)

    full = lambda *idx: (lambda i: idx)
    g1 = pl.pallas_call(
        _dense1_body,
        grid=(nb,),
        in_specs=[
            pl.BlockSpec((R, d), lambda i: (i, 0)),
            pl.BlockSpec((d, d), full(0, 0)),
            pl.BlockSpec((NC, R, 1), lambda i: (0, i, 0)),
        ],
        out_specs=pl.BlockSpec((R, d), lambda i: (i, 0)),
        out_shape=jax.ShapeDtypeStruct((n_pad, d), jnp.float32),
    )(x_pad, W1, parts3)

    p1 = agg(g1, src2, dst2)

    g2 = pl.pallas_call(
        _dense2_body,
        grid=(nb,),
        in_specs=[
            pl.BlockSpec((NC, R, d), lambda i: (0, i, 0)),
            pl.BlockSpec((R, d), lambda i: (i, 0)),
            pl.BlockSpec((NC, R, 1), lambda i: (0, i, 0)),
            pl.BlockSpec((d, d), full(0, 0)),
            pl.BlockSpec((1, d), full(0, 0)),
        ],
        out_specs=pl.BlockSpec((R, d), lambda i: (i, 0)),
        out_shape=jax.ShapeDtypeStruct((n_pad, d), jnp.float32),
    )(p1, g1, parts3, W2, b1.reshape(1, d))

    p2 = agg(g2, src2, dst2)

    out = pl.pallas_call(
        _dense3_body,
        grid=(nb,),
        in_specs=[
            pl.BlockSpec((NC, R, d), lambda i: (0, i, 0)),
            pl.BlockSpec((R, d), lambda i: (i, 0)),
            pl.BlockSpec((NC, R, 1), lambda i: (0, i, 0)),
            pl.BlockSpec((1, d), full(0, 0)),
            pl.BlockSpec((1, d), full(0, 0)),
            pl.BlockSpec((1, 1), full(0, 0)),
        ],
        out_specs=pl.BlockSpec((R, 1), lambda i: (i, 0)),
        out_shape=jax.ShapeDtypeStruct((n_pad, 1), jnp.float32),
    )(p2, g2, parts3, b2.reshape(1, d), Wo.reshape(1, d), bo.reshape(1, 1))

    return out[:n, 0]

# --- scband reference (transcript-rebuilt; emitter-appended) ---
"""Pipeline reference for scband-fire-gnn-16716012716378 (READ-ONLY COPY).

The authoritative reference and input builder live on the scoring server;
editing this copy changes nothing except your own understanding.
"""

import jax, jax.numpy as jnp
import numpy as np

N = 10000
E = 320000
D_IN = 128
D_H = 128


def setup_inputs(seed: int = 0) -> dict:
    key = jax.random.key(seed)
    ks = jax.random.split(key, 8)
    x = jax.random.normal(ks[0], (N, D_IN), dtype=jnp.float32)
    edge_index = jax.random.randint(ks[1], (2, E), 0, N, dtype=jnp.int32)
    W1 = jax.random.normal(ks[2], (D_IN, D_H), dtype=jnp.float32) * 0.05
    b1 = jnp.zeros((D_H,), dtype=jnp.float32)
    W2 = jax.random.normal(ks[3], (D_H, D_H), dtype=jnp.float32) * 0.05
    b2 = jnp.zeros((D_H,), dtype=jnp.float32)
    Wo = jax.random.normal(ks[4], (D_H, 1), dtype=jnp.float32) * 0.05
    bo = jnp.zeros((1,), dtype=jnp.float32)
    return {"x": x, "edge_index": edge_index, "W1": W1, "b1": b1, "W2": W2, "b2": b2, "Wo": Wo, "bo": bo}


def _gcn_conv(x, edge_index, W, b):
    # PyG-style GCNConv: add self-loops, symmetric degree normalization,
    # linear transform then scatter-add aggregation.
    n = x.shape[0]
    loops = jnp.arange(n, dtype=edge_index.dtype)
    src = jnp.concatenate([edge_index[0], loops])
    dst = jnp.concatenate([edge_index[1], loops])
    h = x @ W
    deg = jnp.zeros((n,), dtype=x.dtype).at[dst].add(1.0)
    deg_inv_sqrt = jnp.where(deg > 0, deg ** -0.5, 0.0)
    norm = deg_inv_sqrt[src] * deg_inv_sqrt[dst]
    msgs = h[src] * norm[:, None]
    out = jax.ops.segment_sum(msgs, dst, num_segments=n)
    return out + b


def reference(x, edge_index, W1, b1, W2, b2, Wo, bo):
    h = jax.nn.relu(_gcn_conv(x, edge_index, W1, b1))
    h = jax.nn.relu(_gcn_conv(h, edge_index, W2, b2))
    return jnp.squeeze(jax.nn.sigmoid(h @ Wo + bo))

if __name__ == "__main__":
    import jax
    _d = setup_inputs()
    print(jax.jit(kernel)(*tuple(_d.values())))

</pallas_src>

<mosaic_0001>
#map = affine_map<(d0, d1) -> (0, 0, 0, 0)>
module attributes {stable_mosaic.version = 14 : i64} {
  func.func @deg_kernel(%arg0: i32, %arg1: i32, %arg2: memref<32x3x27x128xi32, #tpu.memory_space<hbm>>, %arg3: memref<2x16x1x640xf32, #tpu.memory_space<hbm>>, %arg4: memref<27x128xi32, #tpu.memory_space<vmem>>, %arg5: memref<128xf32, #tpu.memory_space<vmem>>, %arg6: memref<640xf32, #tpu.memory_space<vmem>>, %arg7: memref<10240xf32, #tpu.memory_space<vmem_shared>>, %arg8: memref<!tpu.dma_semaphore, #tpu.memory_space<semaphore_mem>>, %arg9: memref<!tpu.dma_semaphore, #tpu.memory_space<semaphore_mem>>) attributes {dimension_semantics = [#tpu.dimension_semantics<core_parallel>, #tpu.dimension_semantics<subcore_parallel>], iteration_bounds = array<i64: 2, 16>, scalar_prefetch = 0 : i64, scratch_operands = 6 : i64, tpu.core_type = #tpu.core_type<sc_vector_subcore>, window_params = [{transform_indices = #map}, {transform_indices = #map}]} {
    %mul3A = arith.constant 16 : i32
    %mul3A_0 = arith.muli %arg0, %mul3A : i32
    %add3A = arith.addi %mul3A_0, %arg1 : i32
    %scan3A = arith.constant 0 : i32
    %scan3A_1 = arith.constant 0 : i32
    %scan3A_2 = arith.constant 8 : i32
    %scan3A_3 = arith.addi %scan3A_1, %scan3A_2 : i32
    %scan3A_4 = arith.constant 1 : i32
    %scan3A_5 = scf.for %scan3A_26 = %scan3A_1 to %scan3A_3 step %scan3A_4 iter_args(%scan3A_27 = %scan3A) -> (i32)  : i32 {
      %broadcast_in_dim3A = arith.constant 1.000000e+00 : f32
      %broadcast_in_dim3A_28 = vector.broadcast %broadcast_in_dim3A : f32 to vector<16xf32>
      %mul3A_29 = arith.constant 16 : i32
      %mul3A_30 = arith.muli %scan3A_26, %mul3A_29 : i32
      %swap3A = arith.index_cast %mul3A_30 : i32 to index
      %swap3A_31 = tpu.vector_load %arg5[%swap3A] {strides = array<i32>} : memref<128xf32, #tpu.memory_space<vmem>>, vector<16xf32>,
      %swap3A_32 = vector.shape_cast %swap3A_31 : vector<16xf32> to vector<16xf32>
      %swap3A_33 = vector.shape_cast %broadcast_in_dim3A_28 : vector<16xf32> to vector<16xf32>
      tpu.vector_store %arg5[%swap3A], %swap3A_33 {strides = array<i32>} : memref<128xf32, #tpu.memory_space<vmem>>, vector<16xf32>,
      %scan3A_34 = arith.constant 0 : i32
      scf.yield %scan3A_34 : i32
    }
    %scan3A_6 = arith.constant 8 : i32
    %scan3A_7 = arith.constant 0 : i32
    %scan3A_8 = arith.constant 0 : i32
    %scan3A_9 = arith.constant 40 : i32
    %scan3A_10 = arith.addi %scan3A_8, %scan3A_9 : i32
    %scan3A_11 = arith.constant 1 : i32
    %scan3A_12 = scf.for %scan3A_26 = %scan3A_8 to %scan3A_10 step %scan3A_11 iter_args(%scan3A_27 = %scan3A_7) -> (i32)  : i32 {
      %broadcast_in_dim3A = arith.constant 0.000000e+00 : f32
      %broadcast_in_dim3A_28 = vector.broadcast %broadcast_in_dim3A : f32 to vector<16xf32>
      %mul3A_29 = arith.constant 16 : i32
      %mul3A_30 = arith.muli %scan3A_26, %mul3A_29 : i32
      %swap3A = arith.index_cast %mul3A_30 : i32 to index
      %swap3A_31 = tpu.vector_load %arg6[%swap3A] {strides = array<i32>} : memref<640xf32, #tpu.memory_space<vmem>>, vector<16xf32>,
      %swap3A_32 = vector.shape_cast %swap3A_31 : vector<16xf32> to vector<16xf32>
      %swap3A_33 = vector.shape_cast %broadcast_in_dim3A_28 : vector<16xf32> to vector<16xf32>
      tpu.vector_store %arg6[%swap3A], %swap3A_33 {strides = array<i32>} : memref<640xf32, #tpu.memory_space<vmem>>, vector<16xf32>,
      %scan3A_34 = arith.constant 0 : i32
      scf.yield %scan3A_34 : i32
    }
    %scan3A_13 = arith.constant 40 : i32
    %mul3A_14 = arith.constant 640 : i32
    %mul3A_15 = arith.muli %arg1, %mul3A_14 : i32
    "tpu.region"() ({
      %run_scoped3A_26 = tpu.sem_alloc : memref<!tpu.dma_semaphore, #tpu.memory_space<semaphore_mem>>
      %dma_start3A = tpu.memref_slice %arg7[%mul3A_15] : memref<10240xf32, #tpu.memory_space<vmem_shared>> -> memref<640xf32, #tpu.memory_space<vmem_shared>>
      %dma_start3A_27 = tpu.memref_slice %arg7[%mul3A_15] : memref<10240xf32, #tpu.memory_space<vmem_shared>> -> memref<640xf32, #tpu.memory_space<vmem_shared>>
      tpu.enqueue_dma source(%arg6 : memref<640xf32, #tpu.memory_space<vmem>>) target(%dma_start3A_27 : memref<640xf32, #tpu.memory_space<vmem_shared>>) target_semaphore(%run_scoped3A_26 : memref<!tpu.dma_semaphore, #tpu.memory_space<semaphore_mem>>)
      %dma_wait3A = tpu.memref_slice %arg7[%mul3A_15] : memref<10240xf32, #tpu.memory_space<vmem_shared>> -> memref<640xf32, #tpu.memory_space<vmem_shared>>
      %dma_wait3A_28 = tpu.memref_slice %arg7[%mul3A_15] : memref<10240xf32, #tpu.memory_space<vmem_shared>> -> memref<640xf32, #tpu.memory_space<vmem_shared>>
      tpu.wait_dma2 semaphore(%run_scoped3A_26 : memref<!tpu.dma_semaphore, #tpu.memory_space<semaphore_mem>>) src(%arg6 : memref<640xf32, #tpu.memory_space<vmem>>) dst(%dma_wait3A_28 : memref<640xf32, #tpu.memory_space<vmem_shared>>)
      tpu.yield
    }) : () -> ()
    %barrier3A = arith.constant 0 : index
    tpu.barrier barrier_id(%barrier3A)
    %scan3A_16 = arith.constant 0 : i32
    %scan3A_17 = arith.constant 0 : i32
    %scan3A_18 = arith.constant 3 : i32
    %scan3A_19 = arith.addi %scan3A_17, %scan3A_18 : i32
    %scan3A_20 = arith.constant 1 : i32
    %scan3A_21 = scf.for %scan3A_26 = %scan3A_17 to %scan3A_19 step %scan3A_20 iter_args(%scan3A_27 = %scan3A_16) -> (i32)  : i32 {
      "tpu.region"() ({
        %run_scoped3A_46 = tpu.sem_alloc : memref<!tpu.dma_semaphore, #tpu.memory_space<semaphore_mem>>
        %dma_start3A_47 = arith.constant 0 : i32
        %dma_start3A_48 = arith.constant 0 : i32
        %dma_start3A_49 = tpu.memref_slice %arg2[%add3A, %scan3A_26, %dma_start3A_47, %dma_start3A_48] : memref<32x3x27x128xi32, #tpu.memory_space<hbm>> -> memref<1x1x27x128xi32, #tpu.memory_space<hbm>>
        %dma_start3A_50 = tpu.memref_squeeze %dma_start3A_49 : memref<1x1x27x128xi32, #tpu.memory_space<hbm>> -> memref<27x128xi32, #tpu.memory_space<hbm>>
        %dma_start3A_51 = arith.constant 0 : i32
        %dma_start3A_52 = arith.constant 0 : i32
        %dma_start3A_53 = tpu.memref_slice %arg2[%add3A, %scan3A_26, %dma_start3A_51, %dma_start3A_52] : memref<32x3x27x128xi32, #tpu.memory_space<hbm>> -> memref<1x1x27x128xi32, #tpu.memory_space<hbm>>
        %dma_start3A_54 = tpu.memref_squeeze %dma_start3A_53 : memref<1x1x27x128xi32, #tpu.memory_space<hbm>> -> memref<27x128xi32, #tpu.memory_space<hbm>>
        tpu.enqueue_dma source(%dma_start3A_54 : memref<27x128xi32, #tpu.memory_space<hbm>>) target(%arg4 : memref<27x128xi32, #tpu.memory_space<vmem>>) target_semaphore(%run_scoped3A_46 : memref<!tpu.dma_semaphore, #tpu.memory_space<semaphore_mem>>)
        %dma_wait3A_55 = arith.constant 0 : i32
        %dma_wait3A_56 = arith.constant 0 : i32
        %dma_wait3A_57 = tpu.memref_slice %arg2[%add3A, %scan3A_26, %dma_wait3A_55, %dma_wait3A_56] : memref<32x3x27x128xi32, #tpu.memory_space<hbm>> -> memref<1x1x27x128xi32, #tpu.memory_space<hbm>>
        %dma_wait3A_58 = tpu.memref_squeeze %dma_wait3A_57 : memref<1x1x27x128xi32, #tpu.memory_space<hbm>> -> memref<27x128xi32, #tpu.memory_space<hbm>>
        %dma_wait3A_59 = arith.constant 0 : i32
        %dma_wait3A_60 = arith.constant 0 : i32
        %dma_wait3A_61 = tpu.memref_slice %arg2[%add3A, %scan3A_26, %dma_wait3A_59, %dma_wait3A_60] : memref<32x3x27x128xi32, #tpu.memory_space<hbm>> -> memref<1x1x27x128xi32, #tpu.memory_space<hbm>>
        %dma_wait3A_62 = tpu.memref_squeeze %dma_wait3A_61 : memref<1x1x27x128xi32, #tpu.memory_space<hbm>> -> memref<27x128xi32, #tpu.memory_space<hbm>>
        tpu.wait_dma2 semaphore(%run_scoped3A_46 : memref<!tpu.dma_semaphore, #tpu.memory_space<semaphore_mem>>) src(%dma_wait3A_62 : memref<27x128xi32, #tpu.memory_space<hbm>>) dst(%arg4 : memref<27x128xi32, #tpu.memory_space<vmem>>)
        tpu.yield
      }) : () -> ()
      %dma_start3A = arith.constant 0 : i32
      %dma_start3A_28 = arith.constant 0 : i32
      %dma_start3A_29 = tpu.memref_slice %arg4[%dma_start3A, %dma_start3A_28] : memref<27x128xi32, #tpu.memory_space<vmem>> -> memref<1x128xi32, #tpu.memory_space<vmem>>
      %dma_start3A_30 = tpu.memref_squeeze %dma_start3A_29 : memref<1x128xi32, #tpu.memory_space<vmem>> -> memref<128xi32, #tpu.memory_space<vmem>>
      %dma_start3A_31 = arith.constant 0 : i32
      %dma_start3A_32 = tpu.memref_slice %arg7[%dma_start3A_31] : memref<10240xf32, #tpu.memory_space<vmem_shared>> -> memref<10240xf32, #tpu.memory_space<vmem_shared>>
      tpu.enqueue_indirect_dma source(%arg5 : memref<128xf32, #tpu.memory_space<vmem>>) target(%dma_start3A_32 : memref<10240xf32, #tpu.memory_space<vmem_shared>>) offsets(%dma_start3A_30 : memref<128xi32, #tpu.memory_space<vmem>>) semaphore(%arg8 : memref<!tpu.dma_semaphore, #tpu.memory_space<semaphore_mem>>) {add = true}
      %scan3A_33 = arith.constant 0 : i32
      %scan3A_34 = arith.constant 0 : i32
      %scan3A_35 = arith.constant 13 : i32
      %scan3A_36 = arith.addi %scan3A_34, %scan3A_35 : i32
      %scan3A_37 = arith.constant 1 : i32
      %scan3A_38 = scf.for %scan3A_46 = %scan3A_34 to %scan3A_36 step %scan3A_37 iter_args(%scan3A_47 = %scan3A_33) -> (i32)  : i32 {
        %mul3A_48 = arith.constant 2 : i32
        %mul3A_49 = arith.muli %mul3A_48, %scan3A_46 : i32
        %add3A_50 = arith.constant 1 : i32
        %add3A_51 = arith.addi %mul3A_49, %add3A_50 : i32
        %dma_start3A_52 = arith.constant 0 : i32
        %dma_start3A_53 = tpu.memref_slice %arg4[%add3A_51, %dma_start3A_52] : memref<27x128xi32, #tpu.memory_space<vmem>> -> memref<1x128xi32, #tpu.memory_space<vmem>>
        %dma_start3A_54 = tpu.memref_squeeze %dma_start3A_53 : memref<1x128xi32, #tpu.memory_space<vmem>> -> memref<128xi32, #tpu.memory_space<vmem>>
        %dma_start3A_55 = arith.constant 0 : i32
        %dma_start3A_56 = tpu.memref_slice %arg7[%dma_start3A_55] : memref<10240xf32, #tpu.memory_space<vmem_shared>> -> memref<10240xf32, #tpu.memory_space<vmem_shared>>
        tpu.enqueue_indirect_dma source(%arg5 : memref<128xf32, #tpu.memory_space<vmem>>) target(%dma_start3A_56 : memref<10240xf32, #tpu.memory_space<vmem_shared>>) offsets(%dma_start3A_54 : memref<128xi32, #tpu.memory_space<vmem>>) semaphore(%arg9 : memref<!tpu.dma_semaphore, #tpu.memory_space<semaphore_mem>>) {add = true}
        %dma_wait3A_57 = arith.constant 0 : i32
        %dma_wait3A_58 = tpu.memref_slice %arg4[%mul3A_49, %dma_wait3A_57] : memref<27x128xi32, #tpu.memory_space<vmem>> -> memref<1x128xi32, #tpu.memory_space<vmem>>
        %dma_wait3A_59 = tpu.memref_squeeze %dma_wait3A_58 : memref<1x128xi32, #tpu.memory_space<vmem>> -> memref<128xi32, #tpu.memory_space<vmem>>
        %dma_wait3A_60 = arith.constant 0 : i32
        %dma_wait3A_61 = tpu.memref_slice %arg7[%dma_wait3A_60] : memref<10240xf32, #tpu.memory_space<vmem_shared>> -> memref<10240xf32, #tpu.memory_space<vmem_shared>>
        tpu.wait_indirect_dma semaphore(%arg8 : memref<!tpu.dma_semaphore, #tpu.memory_space<semaphore_mem>>) src(%arg5 : memref<128xf32, #tpu.memory_space<vmem>>) dst(%dma_wait3A_61 : memref<10240xf32, #tpu.memory_space<vmem_shared>>)
        %add3A_62 = arith.constant 2 : i32
        %add3A_63 = arith.addi %mul3A_49, %add3A_62 : i32
        %lt3A = arith.constant 27 : i32
        %lt3A_64 = arith.cmpi slt, %add3A_63, %lt3A : i32
        %convert_element_type3A = arith.extui %lt3A_64 : i1 to i32
        %cond3A = arith.constant 0 : i32
        %cond3A_65 = arith.cmpi ne, %convert_element_type3A, %cond3A : i32
        scf.if %cond3A_65 {
          %add3A_72 = arith.constant 2 : i32
          %add3A_73 = arith.addi %mul3A_49, %add3A_72 : i32
          %dma_start3A_74 = arith.constant 0 : i32
          %dma_start3A_75 = tpu.memref_slice %arg4[%add3A_73, %dma_start3A_74] : memref<27x128xi32, #tpu.memory_space<vmem>> -> memref<1x128xi32, #tpu.memory_space<vmem>>
          %dma_start3A_76 = tpu.memref_squeeze %dma_start3A_75 : memref<1x128xi32, #tpu.memory_space<vmem>> -> memref<128xi32, #tpu.memory_space<vmem>>
          %dma_start3A_77 = arith.constant 0 : i32
          %dma_start3A_78 = tpu.memref_slice %arg7[%dma_start3A_77] : memref<10240xf32, #tpu.memory_space<vmem_shared>> -> memref<10240xf32, #tpu.memory_space<vmem_shared>>
          tpu.enqueue_indirect_dma source(%arg5 : memref<128xf32, #tpu.memory_space<vmem>>) target(%dma_start3A_78 : memref<10240xf32, #tpu.memory_space<vmem_shared>>) offsets(%dma_start3A_76 : memref<128xi32, #tpu.memory_space<vmem>>) semaphore(%arg8 : memref<!tpu.dma_semaphore, #tpu.memory_space<semaphore_mem>>) {add = true}
        } else {
        }
        %dma_wait3A_66 = arith.constant 0 : i32
        %dma_wait3A_67 = tpu.memref_slice %arg4[%add3A_51, %dma_wait3A_66] : memref<27x128xi32, #tpu.memory_space<vmem>> -> memref<1x128xi32, #tpu.memory_space<vmem>>
        %dma_wait3A_68 = tpu.memref_squeeze %dma_wait3A_67 : memref<1x128xi32, #tpu.memory_space<vmem>> -> memref<128xi32, #tpu.memory_space<vmem>>
        %dma_wait3A_69 = arith.constant 0 : i32
        %dma_wait3A_70 = tpu.memref_slice %arg7[%dma_wait3A_69] : memref<10240xf32, #tpu.memory_space<vmem_shared>> -> memref<10240xf32, #tpu.memory_space<vmem_shared>>
        tpu.wait_indirect_dma semaphore(%arg9 : memref<!tpu.dma_semaphore, #tpu.memory_space<semaphore_mem>>) src(%arg5 : memref<128xf32, #tpu.memory_space<vmem>>) dst(%dma_wait3A_70 : memref<10240xf32, #tpu.memory_space<vmem_shared>>)
        %scan3A_71 = arith.constant 0 : i32
        scf.yield %scan3A_71 : i32
      }
      %scan3A_39 = arith.constant 13 : i32
      %dma_wait3A = arith.constant 26 : i32
      %dma_wait3A_40 = arith.constant 0 : i32
      %dma_wait3A_41 = tpu.memref_slice %arg4[%dma_wait3A, %dma_wait3A_40] : memref<27x128xi32, #tpu.memory_space<vmem>> -> memref<1x128xi32, #tpu.memory_space<vmem>>
      %dma_wait3A_42 = tpu.memref_squeeze %dma_wait3A_41 : memref<1x128xi32, #tpu.memory_space<vmem>> -> memref<128xi32, #tpu.memory_space<vmem>>
      %dma_wait3A_43 = arith.constant 0 : i32
      %dma_wait3A_44 = tpu.memref_slice %arg7[%dma_wait3A_43] : memref<10240xf32, #tpu.memory_space<vmem_shared>> -> memref<10240xf32, #tpu.memory_space<vmem_shared>>
      tpu.wait_indirect_dma semaphore(%arg8 : memref<!tpu.dma_semaphore, #tpu.memory_space<semaphore_mem>>) src(%arg5 : memref<128xf32, #tpu.memory_space<vmem>>) dst(%dma_wait3A_44 : memref<10240xf32, #tpu.memory_space<vmem_shared>>)
      %scan3A_45 = arith.constant 0 : i32
      scf.yield %scan3A_45 : i32
    }
    %scan3A_22 = arith.constant 3 : i32
    %barrier3A_23 = arith.constant 0 : index
    tpu.barrier barrier_id(%barrier3A_23)
    %mul3A_24 = arith.constant 640 : i32
    %mul3A_25 = arith.muli %arg1, %mul3A_24 : i32
    "tpu.region"() ({
      %run_scoped3A_26 = tpu.sem_alloc : memref<!tpu.dma_semaphore, #tpu.memory_space<semaphore_mem>>
      %dma_start3A = tpu.memref_slice %arg7[%mul3A_25] : memref<10240xf32, #tpu.memory_space<vmem_shared>> -> memref<640xf32, #tpu.memory_space<vmem_shared>>
      %dma_start3A_27 = tpu.memref_slice %arg7[%mul3A_25] : memref<10240xf32, #tpu.memory_space<vmem_shared>> -> memref<640xf32, #tpu.memory_space<vmem_shared>>
      tpu.enqueue_dma source(%dma_start3A_27 : memref<640xf32, #tpu.memory_space<vmem_shared>>) target(%arg6 : memref<640xf32, #tpu.memory_space<vmem>>) target_semaphore(%run_scoped3A_26 : memref<!tpu.dma_semaphore, #tpu.memory_space<semaphore_mem>>)
      %dma_wait3A = tpu.memref_slice %arg7[%mul3A_25] : memref<10240xf32, #tpu.memory_space<vmem_shared>> -> memref<640xf32, #tpu.memory_space<vmem_shared>>
      %dma_wait3A_28 = tpu.memref_slice %arg7[%mul3A_25] : memref<10240xf32, #tpu.memory_space<vmem_shared>> -> memref<640xf32, #tpu.memory_space<vmem_shared>>
      tpu.wait_dma2 semaphore(%run_scoped3A_26 : memref<!tpu.dma_semaphore, #tpu.memory_space<semaphore_mem>>) src(%dma_wait3A_28 : memref<640xf32, #tpu.memory_space<vmem_shared>>) dst(%arg6 : memref<640xf32, #tpu.memory_space<vmem>>)
      tpu.yield
    }) : () -> ()
    %run_scoped3A = arith.constant 0 : i32
    "tpu.region"() ({
      %run_scoped3A_26 = tpu.sem_alloc : memref<!tpu.dma_semaphore, #tpu.memory_space<semaphore_mem>>
      %dma_start3A = arith.constant 0 : i32
      %dma_start3A_27 = tpu.memref_slice %arg3[%arg0, %arg1, %run_scoped3A, %dma_start3A] : memref<2x16x1x640xf32, #tpu.memory_space<hbm>> -> memref<1x1x1x640xf32, #tpu.memory_space<hbm>>
      %dma_start3A_28 = tpu.memref_squeeze %dma_start3A_27 : memref<1x1x1x640xf32, #tpu.memory_space<hbm>> -> memref<640xf32, #tpu.memory_space<hbm>>
      %dma_start3A_29 = arith.constant 0 : i32
      %dma_start3A_30 = tpu.memref_slice %arg3[%arg0, %arg1, %run_scoped3A, %dma_start3A_29] : memref<2x16x1x640xf32, #tpu.memory_space<hbm>> -> memref<1x1x1x640xf32, #tpu.memory_space<hbm>>
      %dma_start3A_31 = tpu.memref_squeeze %dma_start3A_30 : memref<1x1x1x640xf32, #tpu.memory_space<hbm>> -> memref<640xf32, #tpu.memory_space<hbm>>
      tpu.enqueue_dma source(%arg6 : memref<640xf32, #tpu.memory_space<vmem>>) target(%dma_start3A_31 : memref<640xf32, #tpu.memory_space<hbm>>) target_semaphore(%run_scoped3A_26 : memref<!tpu.dma_semaphore, #tpu.memory_space<semaphore_mem>>)
      %dma_wait3A = arith.constant 0 : i32
      %dma_wait3A_32 = tpu.memref_slice %arg3[%arg0, %arg1, %run_scoped3A, %dma_wait3A] : memref<2x16x1x640xf32, #tpu.memory_space<hbm>> -> memref<1x1x1x640xf32, #tpu.memory_space<hbm>>
      %dma_wait3A_33 = tpu.memref_squeeze %dma_wait3A_32 : memref<1x1x1x640xf32, #tpu.memory_space<hbm>> -> memref<640xf32, #tpu.memory_space<hbm>>
      %dma_wait3A_34 = arith.constant 0 : i32
      %dma_wait3A_35 = tpu.memref_slice %arg3[%arg0, %arg1, %run_scoped3A, %dma_wait3A_34] : memref<2x16x1x640xf32, #tpu.memory_space<hbm>> -> memref<1x1x1x640xf32, #tpu.memory_space<hbm>>
      %dma_wait3A_36 = tpu.memref_squeeze %dma_wait3A_35 : memref<1x1x1x640xf32, #tpu.memory_space<hbm>> -> memref<640xf32, #tpu.memory_space<hbm>>
      tpu.wait_dma2 semaphore(%run_scoped3A_26 : memref<!tpu.dma_semaphore, #tpu.memory_space<semaphore_mem>>) src(%arg6 : memref<640xf32, #tpu.memory_space<vmem>>) dst(%dma_wait3A_36 : memref<640xf32, #tpu.memory_space<hbm>>)
      tpu.yield
    }) : () -> ()
    return
  }
}

#map = affine_map<(d0, d1) -> (0, 0)>
#map1 = affine_map<(d0, d1) -> (0, 0, 0, 0)>
#map2 = affine_map<(d0, d1) -> (0, 0, 0)>
module attributes {stable_mosaic.version = 14 : i64} {
  func.func @agg_kernel(%arg0: i32, %arg1: i32, %arg2: memref<10240x128xf32, #tpu.memory_space<hbm>>, %arg3: memref<32x3x27x128xi32, #tpu.memory_space<hbm>>, %arg4: memref<32x3x27x128xi32, #tpu.memory_space<hbm>>, %arg5: memref<2x10240x128xf32, #tpu.memory_space<hbm>>, %arg6: memref<27x128xi32, #tpu.memory_space<vmem>>, %arg7: memref<27x128xi32, #tpu.memory_space<vmem>>, %arg8: memref<256x128xf32, #tpu.memory_space<vmem>>, %arg9: memref<10240x128xf32, #tpu.memory_space<vmem_shared>>, %arg10: memref<2x!tpu.dma_semaphore, #tpu.memory_space<semaphore_mem>>) attributes {dimension_semantics = [#tpu.dimension_semantics<core_parallel>, #tpu.dimension_semantics<subcore_parallel>], iteration_bounds = array<i64: 2, 16>, scalar_prefetch = 0 : i64, scratch_operands = 5 : i64, tpu.core_type = #tpu.core_type<sc_vector_subcore>, window_params = [{transform_indices = #map}, {transform_indices = #map1}, {transform_indices = #map1}, {transform_indices = #map2}]} {
    %mul3A = arith.constant 16 : i32
    %mul3A_0 = arith.muli %arg0, %mul3A : i32
    %add3A = arith.addi %mul3A_0, %arg1 : i32
    %mul3A_1 = arith.constant 640 : i32
    %mul3A_2 = arith.muli %arg1, %mul3A_1 : i32
    %scan3A = arith.constant 0 : i32
    %scan3A_3 = arith.constant 0 : i32
    %scan3A_4 = arith.constant 128 : i32
    %scan3A_5 = arith.addi %scan3A_3, %scan3A_4 : i32
    %scan3A_6 = arith.constant 1 : i32
    %scan3A_7 = scf.for %scan3A_49 = %scan3A_3 to %scan3A_5 step %scan3A_6 iter_args(%scan3A_50 = %scan3A) -> (i32)  : i32 {
      %scan3A_51 = arith.constant 0 : i32
      %scan3A_52 = arith.constant 0 : i32
      %scan3A_53 = arith.constant 8 : i32
      %scan3A_54 = arith.addi %scan3A_52, %scan3A_53 : i32
      %scan3A_55 = arith.constant 1 : i32
      %scan3A_56 = scf.for %scan3A_59 = %scan3A_52 to %scan3A_54 step %scan3A_55 iter_args(%scan3A_60 = %scan3A_51) -> (i32)  : i32 {
        %broadcast_in_dim3A = arith.constant 0.000000e+00 : f32
        %broadcast_in_dim3A_61 = vector.broadcast %broadcast_in_dim3A : f32 to vector<16xf32>
        %mul3A_62 = arith.constant 16 : i32
        %mul3A_63 = arith.muli %scan3A_59, %mul3A_62 : i32
        %swap3A = arith.index_cast %scan3A_49 : i32 to index
        %swap3A_64 = arith.index_cast %mul3A_63 : i32 to index
        %swap3A_65 = tpu.vector_load %arg8[%swap3A, %swap3A_64] {strides = array<i32>} : memref<256x128xf32, #tpu.memory_space<vmem>>, vector<1x16xf32>,
        %swap3A_66 = vector.shape_cast %swap3A_65 : vector<1x16xf32> to vector<16xf32>
        %swap3A_67 = vector.shape_cast %broadcast_in_dim3A_61 : vector<16xf32> to vector<1x16xf32>
        tpu.vector_store %arg8[%swap3A, %swap3A_64], %swap3A_67 {strides = array<i32>} : memref<256x128xf32, #tpu.memory_space<vmem>>, vector<1x16xf32>,
        %scan3A_68 = arith.constant 0 : i32
        scf.yield %scan3A_68 : i32
      }
      %scan3A_57 = arith.constant 8 : i32
      %scan3A_58 = arith.constant 0 : i32
      scf.yield %scan3A_58 : i32
    }
    %scan3A_8 = arith.constant 128 : i32
    %add3A_9 = arith.constant 0 : i32
    %add3A_10 = arith.addi %mul3A_2, %add3A_9 : i32
    "tpu.region"() ({
      %run_scoped3A = tpu.sem_alloc : memref<!tpu.dma_semaphore, #tpu.memory_space<semaphore_mem>>
      %dma_start3A = arith.constant 0 : i32
      %dma_start3A_49 = arith.constant 0 : i32
      %dma_start3A_50 = tpu.memref_slice %arg8[%dma_start3A, %dma_start3A_49] : memref<256x128xf32, #tpu.memory_space<vmem>> -> memref<128x128xf32, #tpu.memory_space<vmem>>
      %dma_start3A_51 = arith.constant 0 : i32
      %dma_start3A_52 = tpu.memref_slice %arg9[%add3A_10, %dma_start3A_51] : memref<10240x128xf32, #tpu.memory_space<vmem_shared>> -> memref<128x128xf32, #tpu.memory_space<vmem_shared>>
      %dma_start3A_53 = arith.constant 0 : i32
      %dma_start3A_54 = tpu.memref_slice %arg9[%add3A_10, %dma_start3A_53] : memref<10240x128xf32, #tpu.memory_space<vmem_shared>> -> memref<128x128xf32, #tpu.memory_space<vmem_shared>>
      %dma_start3A_55 = arith.constant 0 : i32
      %dma_start3A_56 = arith.constant 0 : i32
      %dma_start3A_57 = tpu.memref_slice %arg8[%dma_start3A_55, %dma_start3A_56] : memref<256x128xf32, #tpu.memory_space<vmem>> -> memref<128x128xf32, #tpu.memory_space<vmem>>
      tpu.enqueue_dma source(%dma_start3A_57 : memref<128x128xf32, #tpu.memory_space<vmem>>) target(%dma_start3A_54 : memref<128x128xf32, #tpu.memory_space<vmem_shared>>) target_semaphore(%run_scoped3A : memref<!tpu.dma_semaphore, #tpu.memory_space<semaphore_mem>>)
      %dma_wait3A = arith.constant 0 : i32
      %dma_wait3A_58 = arith.constant 0 : i32
      %dma_wait3A_59 = tpu.memref_slice %arg8[%dma_wait3A, %dma_wait3A_58] : memref<256x128xf32, #tpu.memory_space<vmem>> -> memref<128x128xf32, #tpu.memory_space<vmem>>
      %dma_wait3A_60 = arith.constant 0 : i32
      %dma_wait3A_61 = tpu.memref_slice %arg9[%add3A_10, %dma_wait3A_60] : memref<10240x128xf32, #tpu.memory_space<vmem_shared>> -> memref<128x128xf32, #tpu.memory_space<vmem_shared>>
      %dma_wait3A_62 = arith.constant 0 : i32
      %dma_wait3A_63 = tpu.memref_slice %arg9[%add3A_10, %dma_wait3A_62] : memref<10240x128xf32, #tpu.memory_space<vmem_shared>> -> memref<128x128xf32, #tpu.memory_space<vmem_shared>>
      %dma_wait3A_64 = arith.constant 0 : i32
      %dma_wait3A_65 = arith.constant 0 : i32
      %dma_wait3A_66 = tpu.memref_slice %arg8[%dma_wait3A_64, %dma_wait3A_65] : memref<256x128xf32, #tpu.memory_space<vmem>> -> memref<128x128xf32, #tpu.memory_space<vmem>>
      tpu.wait_dma2 semaphore(%run_scoped3A : memref<!tpu.dma_semaphore, #tpu.memory_space<semaphore_mem>>) src(%dma_wait3A_66 : memref<128x128xf32, #tpu.memory_space<vmem>>) dst(%dma_wait3A_63 : memref<128x128xf32, #tpu.memory_space<vmem_shared>>)
      tpu.yield
    }) : () -> ()
    %add3A_11 = arith.constant 128 : i32
    %add3A_12 = arith.addi %mul3A_2, %add3A_11 : i32
    "tpu.region"() ({
      %run_scoped3A = tpu.sem_alloc : memref<!tpu.dma_semaphore, #tpu.memory_space<semaphore_mem>>
      %dma_start3A = arith.constant 0 : i32
      %dma_start3A_49 = arith.constant 0 : i32
      %dma_start3A_50 = tpu.memref_slice %arg8[%dma_start3A, %dma_start3A_49] : memref<256x128xf32, #tpu.memory_space<vmem>> -> memref<128x128xf32, #tpu.memory_space<vmem>>
      %dma_start3A_51 = arith.constant 0 : i32
      %dma_start3A_52 = tpu.memref_slice %arg9[%add3A_12, %dma_start3A_51] : memref<10240x128xf32, #tpu.memory_space<vmem_shared>> -> memref<128x128xf32, #tpu.memory_space<vmem_shared>>
      %dma_start3A_53 = arith.constant 0 : i32
      %dma_start3A_54 = tpu.memref_slice %arg9[%add3A_12, %dma_start3A_53] : memref<10240x128xf32, #tpu.memory_space<vmem_shared>> -> memref<128x128xf32, #tpu.memory_space<vmem_shared>>
      %dma_start3A_55 = arith.constant 0 : i32
      %dma_start3A_56 = arith.constant 0 : i32
      %dma_start3A_57 = tpu.memref_slice %arg8[%dma_start3A_55, %dma_start3A_56] : memref<256x128xf32, #tpu.memory_space<vmem>> -> memref<128x128xf32, #tpu.memory_space<vmem>>
      tpu.enqueue_dma source(%dma_start3A_57 : memref<128x128xf32, #tpu.memory_space<vmem>>) target(%dma_start3A_54 : memref<128x128xf32, #tpu.memory_space<vmem_shared>>) target_semaphore(%run_scoped3A : memref<!tpu.dma_semaphore, #tpu.memory_space<semaphore_mem>>)
      %dma_wait3A = arith.constant 0 : i32
      %dma_wait3A_58 = arith.constant 0 : i32
      %dma_wait3A_59 = tpu.memref_slice %arg8[%dma_wait3A, %dma_wait3A_58] : memref<256x128xf32, #tpu.memory_space<vmem>> -> memref<128x128xf32, #tpu.memory_space<vmem>>
      %dma_wait3A_60 = arith.constant 0 : i32
      %dma_wait3A_61 = tpu.memref_slice %arg9[%add3A_12, %dma_wait3A_60] : memref<10240x128xf32, #tpu.memory_space<vmem_shared>> -> memref<128x128xf32, #tpu.memory_space<vmem_shared>>
      %dma_wait3A_62 = arith.constant 0 : i32
      %dma_wait3A_63 = tpu.memref_slice %arg9[%add3A_12, %dma_wait3A_62] : memref<10240x128xf32, #tpu.memory_space<vmem_shared>> -> memref<128x128xf32, #tpu.memory_space<vmem_shared>>
      %dma_wait3A_64 = arith.constant 0 : i32
      %dma_wait3A_65 = arith.constant 0 : i32
      %dma_wait3A_66 = tpu.memref_slice %arg8[%dma_wait3A_64, %dma_wait3A_65] : memref<256x128xf32, #tpu.memory_space<vmem>> -> memref<128x128xf32, #tpu.memory_space<vmem>>
      tpu.wait_dma2 semaphore(%run_scoped3A : memref<!tpu.dma_semaphore, #tpu.memory_space<semaphore_mem>>) src(%dma_wait3A_66 : memref<128x128xf32, #tpu.memory_space<vmem>>) dst(%dma_wait3A_63 : memref<128x128xf32, #tpu.memory_space<vmem_shared>>)
      tpu.yield
    }) : () -> ()
    %add3A_13 = arith.constant 256 : i32
    %add3A_14 = arith.addi %mul3A_2, %add3A_13 : i32
    "tpu.region"() ({
      %run_scoped3A = tpu.sem_alloc : memref<!tpu.dma_semaphore, #tpu.memory_space<semaphore_mem>>
      %dma_start3A = arith.constant 0 : i32
      %dma_start3A_49 = arith.constant 0 : i32
      %dma_start3A_50 = tpu.memref_slice %arg8[%dma_start3A, %dma_start3A_49] : memref<256x128xf32, #tpu.memory_space<vmem>> -> memref<128x128xf32, #tpu.memory_space<vmem>>
      %dma_start3A_51 = arith.constant 0 : i32
      %dma_start3A_52 = tpu.memref_slice %arg9[%add3A_14, %dma_start3A_51] : memref<10240x128xf32, #tpu.memory_space<vmem_shared>> -> memref<128x128xf32, #tpu.memory_space<vmem_shared>>
      %dma_start3A_53 = arith.constant 0 : i32
      %dma_start3A_54 = tpu.memref_slice %arg9[%add3A_14, %dma_start3A_53] : memref<10240x128xf32, #tpu.memory_space<vmem_shared>> -> memref<128x128xf32, #tpu.memory_space<vmem_shared>>
      %dma_start3A_55 = arith.constant 0 : i32
      %dma_start3A_56 = arith.constant 0 : i32
      %dma_start3A_57 = tpu.memref_slice %arg8[%dma_start3A_55, %dma_start3A_56] : memref<256x128xf32, #tpu.memory_space<vmem>> -> memref<128x128xf32, #tpu.memory_space<vmem>>
      tpu.enqueue_dma source(%dma_start3A_57 : memref<128x128xf32, #tpu.memory_space<vmem>>) target(%dma_start3A_54 : memref<128x128xf32, #tpu.memory_space<vmem_shared>>) target_semaphore(%run_scoped3A : memref<!tpu.dma_semaphore, #tpu.memory_space<semaphore_mem>>)
      %dma_wait3A = arith.constant 0 : i32
      %dma_wait3A_58 = arith.constant 0 : i32
      %dma_wait3A_59 = tpu.memref_slice %arg8[%dma_wait3A, %dma_wait3A_58] : memref<256x128xf32, #tpu.memory_space<vmem>> -> memref<128x128xf32, #tpu.memory_space<vmem>>
      %dma_wait3A_60 = arith.constant 0 : i32
      %dma_wait3A_61 = tpu.memref_slice %arg9[%add3A_14, %dma_wait3A_60] : memref<10240x128xf32, #tpu.memory_space<vmem_shared>> -> memref<128x128xf32, #tpu.memory_space<vmem_shared>>
      %dma_wait3A_62 = arith.constant 0 : i32
      %dma_wait3A_63 = tpu.memref_slice %arg9[%add3A_14, %dma_wait3A_62] : memref<10240x128xf32, #tpu.memory_space<vmem_shared>> -> memref<128x128xf32, #tpu.memory_space<vmem_shared>>
      %dma_wait3A_64 = arith.constant 0 : i32
      %dma_wait3A_65 = arith.constant 0 : i32
      %dma_wait3A_66 = tpu.memref_slice %arg8[%dma_wait3A_64, %dma_wait3A_65] : memref<256x128xf32, #tpu.memory_space<vmem>> -> memref<128x128xf32, #tpu.memory_space<vmem>>
      tpu.wait_dma2 semaphore(%run_scoped3A : memref<!tpu.dma_semaphore, #tpu.memory_space<semaphore_mem>>) src(%dma_wait3A_66 : memref<128x128xf32, #tpu.memory_space<vmem>>) dst(%dma_wait3A_63 : memref<128x128xf32, #tpu.memory_space<vmem_shared>>)
      tpu.yield
    }) : () -> ()
    %add3A_15 = arith.constant 384 : i32
    %add3A_16 = arith.addi %mul3A_2, %add3A_15 : i32
    "tpu.region"() ({
      %run_scoped3A = tpu.sem_alloc : memref<!tpu.dma_semaphore, #tpu.memory_space<semaphore_mem>>
      %dma_start3A = arith.constant 0 : i32
      %dma_start3A_49 = arith.constant 0 : i32
      %dma_start3A_50 = tpu.memref_slice %arg8[%dma_start3A, %dma_start3A_49] : memref<256x128xf32, #tpu.memory_space<vmem>> -> memref<128x128xf32, #tpu.memory_space<vmem>>
      %dma_start3A_51 = arith.constant 0 : i32
      %dma_start3A_52 = tpu.memref_slice %arg9[%add3A_16, %dma_start3A_51] : memref<10240x128xf32, #tpu.memory_space<vmem_shared>> -> memref<128x128xf32, #tpu.memory_space<vmem_shared>>
      %dma_start3A_53 = arith.constant 0 : i32
      %dma_start3A_54 = tpu.memref_slice %arg9[%add3A_16, %dma_start3A_53] : memref<10240x128xf32, #tpu.memory_space<vmem_shared>> -> memref<128x128xf32, #tpu.memory_space<vmem_shared>>
      %dma_start3A_55 = arith.constant 0 : i32
      %dma_start3A_56 = arith.constant 0 : i32
      %dma_start3A_57 = tpu.memref_slice %arg8[%dma_start3A_55, %dma_start3A_56] : memref<256x128xf32, #tpu.memory_space<vmem>> -> memref<128x128xf32, #tpu.memory_space<vmem>>
      tpu.enqueue_dma source(%dma_start3A_57 : memref<128x128xf32, #tpu.memory_space<vmem>>) target(%dma_start3A_54 : memref<128x128xf32, #tpu.memory_space<vmem_shared>>) target_semaphore(%run_scoped3A : memref<!tpu.dma_semaphore, #tpu.memory_space<semaphore_mem>>)
      %dma_wait3A = arith.constant 0 : i32
      %dma_wait3A_58 = arith.constant 0 : i32
      %dma_wait3A_59 = tpu.memref_slice %arg8[%dma_wait3A, %dma_wait3A_58] : memref<256x128xf32, #tpu.memory_space<vmem>> -> memref<128x128xf32, #tpu.memory_space<vmem>>
      %dma_wait3A_60 = arith.constant 0 : i32
      %dma_wait3A_61 = tpu.memref_slice %arg9[%add3A_16, %dma_wait3A_60] : memref<10240x128xf32, #tpu.memory_space<vmem_shared>> -> memref<128x128xf32, #tpu.memory_space<vmem_shared>>
      %dma_wait3A_62 = arith.constant 0 : i32
      %dma_wait3A_63 = tpu.memref_slice %arg9[%add3A_16, %dma_wait3A_62] : memref<10240x128xf32, #tpu.memory_space<vmem_shared>> -> memref<128x128xf32, #tpu.memory_space<vmem_shared>>
      %dma_wait3A_64 = arith.constant 0 : i32
      %dma_wait3A_65 = arith.constant 0 : i32
      %dma_wait3A_66 = tpu.memref_slice %arg8[%dma_wait3A_64, %dma_wait3A_65] : memref<256x128xf32, #tpu.memory_space<vmem>> -> memref<128x128xf32, #tpu.memory_space<vmem>>
      tpu.wait_dma2 semaphore(%run_scoped3A : memref<!tpu.dma_semaphore, #tpu.memory_space<semaphore_mem>>) src(%dma_wait3A_66 : memref<128x128xf32, #tpu.memory_space<vmem>>) dst(%dma_wait3A_63 : memref<128x128xf32, #tpu.memory_space<vmem_shared>>)
      tpu.yield
    }) : () -> ()
    %add3A_17 = arith.constant 512 : i32
    %add3A_18 = arith.addi %mul3A_2, %add3A_17 : i32
    "tpu.region"() ({
      %run_scoped3A = tpu.sem_alloc : memref<!tpu.dma_semaphore, #tpu.memory_space<semaphore_mem>>
      %dma_start3A = arith.constant 0 : i32
      %dma_start3A_49 = arith.constant 0 : i32
      %dma_start3A_50 = tpu.memref_slice %arg8[%dma_start3A, %dma_start3A_49] : memref<256x128xf32, #tpu.memory_space<vmem>> -> memref<128x128xf32, #tpu.memory_space<vmem>>
      %dma_start3A_51 = arith.constant 0 : i32
      %dma_start3A_52 = tpu.memref_slice %arg9[%add3A_18, %dma_start3A_51] : memref<10240x128xf32, #tpu.memory_space<vmem_shared>> -> memref<128x128xf32, #tpu.memory_space<vmem_shared>>
      %dma_start3A_53 = arith.constant 0 : i32
      %dma_start3A_54 = tpu.memref_slice %arg9[%add3A_18, %dma_start3A_53] : memref<10240x128xf32, #tpu.memory_space<vmem_shared>> -> memref<128x128xf32, #tpu.memory_space<vmem_shared>>
      %dma_start3A_55 = arith.constant 0 : i32
      %dma_start3A_56 = arith.constant 0 : i32
      %dma_start3A_57 = tpu.memref_slice %arg8[%dma_start3A_55, %dma_start3A_56] : memref<256x128xf32, #tpu.memory_space<vmem>> -> memref<128x128xf32, #tpu.memory_space<vmem>>
      tpu.enqueue_dma source(%dma_start3A_57 : memref<128x128xf32, #tpu.memory_space<vmem>>) target(%dma_start3A_54 : memref<128x128xf32, #tpu.memory_space<vmem_shared>>) target_semaphore(%run_scoped3A : memref<!tpu.dma_semaphore, #tpu.memory_space<semaphore_mem>>)
      %dma_wait3A = arith.constant 0 : i32
      %dma_wait3A_58 = arith.constant 0 : i32
      %dma_wait3A_59 = tpu.memref_slice %arg8[%dma_wait3A, %dma_wait3A_58] : memref<256x128xf32, #tpu.memory_space<vmem>> -> memref<128x128xf32, #tpu.memory_space<vmem>>
      %dma_wait3A_60 = arith.constant 0 : i32
      %dma_wait3A_61 = tpu.memref_slice %arg9[%add3A_18, %dma_wait3A_60] : memref<10240x128xf32, #tpu.memory_space<vmem_shared>> -> memref<128x128xf32, #tpu.memory_space<vmem_shared>>
      %dma_wait3A_62 = arith.constant 0 : i32
      %dma_wait3A_63 = tpu.memref_slice %arg9[%add3A_18, %dma_wait3A_62] : memref<10240x128xf32, #tpu.memory_space<vmem_shared>> -> memref<128x128xf32, #tpu.memory_space<vmem_shared>>
      %dma_wait3A_64 = arith.constant 0 : i32
      %dma_wait3A_65 = arith.constant 0 : i32
      %dma_wait3A_66 = tpu.memref_slice %arg8[%dma_wait3A_64, %dma_wait3A_65] : memref<256x128xf32, #tpu.memory_space<vmem>> -> memref<128x128xf32, #tpu.memory_space<vmem>>
      tpu.wait_dma2 semaphore(%run_scoped3A : memref<!tpu.dma_semaphore, #tpu.memory_space<semaphore_mem>>) src(%dma_wait3A_66 : memref<128x128xf32, #tpu.memory_space<vmem>>) dst(%dma_wait3A_63 : memref<128x128xf32, #tpu.memory_space<vmem_shared>>)
      tpu.yield
    }) : () -> ()
    %barrier3A = arith.constant 0 : index
    tpu.barrier barrier_id(%barrier3A)
    %scan3A_19 = arith.constant 0 : i32
    %scan3A_20 = arith.constant 1 : i32
    %scan3A_21 = arith.constant 0 : i32
    %scan3A_22 = arith.constant 0 : i32
    %scan3A_23 = arith.constant 3 : i32
    %scan3A_24 = arith.addi %scan3A_22, %scan3A_23 : i32
    %scan3A_25 = arith.constant 1 : i32
    %scan3A_26 = scf.for %scan3A_49 = %scan3A_22 to %scan3A_24 step %scan3A_25 iter_args(%scan3A_50 = %scan3A_21) -> (i32)  : i32 {
      "tpu.region"() ({
        %run_scoped3A_81 = tpu.sem_alloc : memref<!tpu.dma_semaphore, #tpu.memory_space<semaphore_mem>>
        %dma_start3A_82 = arith.constant 0 : i32
        %dma_start3A_83 = arith.constant 0 : i32
        %dma_start3A_84 = tpu.memref_slice %arg3[%add3A, %scan3A_49, %dma_start3A_82, %dma_start3A_83] : memref<32x3x27x128xi32, #tpu.memory_space<hbm>> -> memref<1x1x27x128xi32, #tpu.memory_space<hbm>>
        %dma_start3A_85 = tpu.memref_squeeze %dma_start3A_84 : memref<1x1x27x128xi32, #tpu.memory_space<hbm>> -> memref<27x128xi32, #tpu.memory_space<hbm>>
        %dma_start3A_86 = arith.constant 0 : i32
        %dma_start3A_87 = arith.constant 0 : i32
        %dma_start3A_88 = tpu.memref_slice %arg3[%add3A, %scan3A_49, %dma_start3A_86, %dma_start3A_87] : memref<32x3x27x128xi32, #tpu.memory_space<hbm>> -> memref<1x1x27x128xi32, #tpu.memory_space<hbm>>
        %dma_start3A_89 = tpu.memref_squeeze %dma_start3A_88 : memref<1x1x27x128xi32, #tpu.memory_space<hbm>> -> memref<27x128xi32, #tpu.memory_space<hbm>>
        tpu.enqueue_dma source(%dma_start3A_89 : memref<27x128xi32, #tpu.memory_space<hbm>>) target(%arg6 : memref<27x128xi32, #tpu.memory_space<vmem>>) target_semaphore(%run_scoped3A_81 : memref<!tpu.dma_semaphore, #tpu.memory_space<semaphore_mem>>)
        %dma_wait3A_90 = arith.constant 0 : i32
        %dma_wait3A_91 = arith.constant 0 : i32
        %dma_wait3A_92 = tpu.memref_slice %arg3[%add3A, %scan3A_49, %dma_wait3A_90, %dma_wait3A_91] : memref<32x3x27x128xi32, #tpu.memory_space<hbm>> -> memref<1x1x27x128xi32, #tpu.memory_space<hbm>>
        %dma_wait3A_93 = tpu.memref_squeeze %dma_wait3A_92 : memref<1x1x27x128xi32, #tpu.memory_space<hbm>> -> memref<27x128xi32, #tpu.memory_space<hbm>>
        %dma_wait3A_94 = arith.constant 0 : i32
        %dma_wait3A_95 = arith.constant 0 : i32
        %dma_wait3A_96 = tpu.memref_slice %arg3[%add3A, %scan3A_49, %dma_wait3A_94, %dma_wait3A_95] : memref<32x3x27x128xi32, #tpu.memory_space<hbm>> -> memref<1x1x27x128xi32, #tpu.memory_space<hbm>>
        %dma_wait3A_97 = tpu.memref_squeeze %dma_wait3A_96 : memref<1x1x27x128xi32, #tpu.memory_space<hbm>> -> memref<27x128xi32, #tpu.memory_space<hbm>>
        tpu.wait_dma2 semaphore(%run_scoped3A_81 : memref<!tpu.dma_semaphore, #tpu.memory_space<semaphore_mem>>) src(%dma_wait3A_97 : memref<27x128xi32, #tpu.memory_space<hbm>>) dst(%arg6 : memref<27x128xi32, #tpu.memory_space<vmem>>)
        tpu.yield
      }) : () -> ()
      "tpu.region"() ({
        %run_scoped3A_81 = tpu.sem_alloc : memref<!tpu.dma_semaphore, #tpu.memory_space<semaphore_mem>>
        %dma_start3A_82 = arith.constant 0 : i32
        %dma_start3A_83 = arith.constant 0 : i32
        %dma_start3A_84 = tpu.memref_slice %arg4[%add3A, %scan3A_49, %dma_start3A_82, %dma_start3A_83] : memref<32x3x27x128xi32, #tpu.memory_space<hbm>> -> memref<1x1x27x128xi32, #tpu.memory_space<hbm>>
        %dma_start3A_85 = tpu.memref_squeeze %dma_start3A_84 : memref<1x1x27x128xi32, #tpu.memory_space<hbm>> -> memref<27x128xi32, #tpu.memory_space<hbm>>
        %dma_start3A_86 = arith.constant 0 : i32
        %dma_start3A_87 = arith.constant 0 : i32
        %dma_start3A_88 = tpu.memref_slice %arg4[%add3A, %scan3A_49, %dma_start3A_86, %dma_start3A_87] : memref<32x3x27x128xi32, #tpu.memory_space<hbm>> -> memref<1x1x27x128xi32, #tpu.memory_space<hbm>>
        %dma_start3A_89 = tpu.memref_squeeze %dma_start3A_88 : memref<1x1x27x128xi32, #tpu.memory_space<hbm>> -> memref<27x128xi32, #tpu.memory_space<hbm>>
        tpu.enqueue_dma source(%dma_start3A_89 : memref<27x128xi32, #tpu.memory_space<hbm>>) target(%arg7 : memref<27x128xi32, #tpu.memory_space<vmem>>) target_semaphore(%run_scoped3A_81 : memref<!tpu.dma_semaphore, #tpu.memory_space<semaphore_mem>>)
        %dma_wait3A_90 = arith.constant 0 : i32
        %dma_wait3A_91 = arith.constant 0 : i32
        %dma_wait3A_92 = tpu.memref_slice %arg4[%add3A, %scan3A_49, %dma_wait3A_90, %dma_wait3A_91] : memref<32x3x27x128xi32, #tpu.memory_space<hbm>> -> memref<1x1x27x128xi32, #tpu.memory_space<hbm>>
        %dma_wait3A_93 = tpu.memref_squeeze %dma_wait3A_92 : memref<1x1x27x128xi32, #tpu.memory_space<hbm>> -> memref<27x128xi32, #tpu.memory_space<hbm>>
        %dma_wait3A_94 = arith.constant 0 : i32
        %dma_wait3A_95 = arith.constant 0 : i32
        %dma_wait3A_96 = tpu.memref_slice %arg4[%add3A, %scan3A_49, %dma_wait3A_94, %dma_wait3A_95] : memref<32x3x27x128xi32, #tpu.memory_space<hbm>> -> memref<1x1x27x128xi32, #tpu.memory_space<hbm>>
        %dma_wait3A_97 = tpu.memref_squeeze %dma_wait3A_96 : memref<1x1x27x128xi32, #tpu.memory_space<hbm>> -> memref<27x128xi32, #tpu.memory_space<hbm>>
        tpu.wait_dma2 semaphore(%run_scoped3A_81 : memref<!tpu.dma_semaphore, #tpu.memory_space<semaphore_mem>>) src(%dma_wait3A_97 : memref<27x128xi32, #tpu.memory_space<hbm>>) dst(%arg7 : memref<27x128xi32, #tpu.memory_space<vmem>>)
        tpu.yield
      }) : () -> ()
      %dma_start3A = arith.constant 0 : i32
      %dma_start3A_51 = arith.constant 0 : i32
      %dma_start3A_52 = arith.constant 0 : i32
      %dma_start3A_53 = tpu.memref_slice %arg8[%dma_start3A_51, %dma_start3A_52] : memref<256x128xf32, #tpu.memory_space<vmem>> -> memref<128x128xf32, #tpu.memory_space<vmem>>
      %dma_start3A_54 = arith.constant 0 : i32
      %dma_start3A_55 = tpu.memref_slice %arg6[%dma_start3A, %dma_start3A_54] : memref<27x128xi32, #tpu.memory_space<vmem>> -> memref<1x128xi32, #tpu.memory_space<vmem>>
      %dma_start3A_56 = tpu.memref_squeeze %dma_start3A_55 : memref<1x128xi32, #tpu.memory_space<vmem>> -> memref<128xi32, #tpu.memory_space<vmem>>
      %dma_start3A_57 = arith.constant 0 : i32
      %dma_start3A_58 = arith.constant 0 : i32
      %dma_start3A_59 = tpu.memref_slice %arg2[%dma_start3A_57, %dma_start3A_58] : memref<10240x128xf32, #tpu.memory_space<hbm>> -> memref<10240x128xf32, #tpu.memory_space<hbm>>
      %dma_start3A_60 = tpu.memref_slice %arg10[%scan3A_19] : memref<2x!tpu.dma_semaphore, #tpu.memory_space<semaphore_mem>> -> memref<1x!tpu.dma_semaphore, #tpu.memory_space<semaphore_mem>>
      %dma_start3A_61 = tpu.memref_squeeze %dma_start3A_60 : memref<1x!tpu.dma_semaphore, #tpu.memory_space<semaphore_mem>> -> memref<!tpu.dma_semaphore, #tpu.memory_space<semaphore_mem>>
      tpu.enqueue_indirect_dma source(%dma_start3A_59 : memref<10240x128xf32, #tpu.memory_space<hbm>>) target(%dma_start3A_53 : memref<128x128xf32, #tpu.memory_space<vmem>>) offsets(%dma_start3A_56 : memref<128xi32, #tpu.memory_space<vmem>>) semaphore(%dma_start3A_61 : memref<!tpu.dma_semaphore, #tpu.memory_space<semaphore_mem>>)
      %scan3A_62 = arith.constant 0 : i32
      %scan3A_63 = arith.constant 0 : i32
      %scan3A_64 = arith.constant 13 : i32
      %scan3A_65 = arith.addi %scan3A_63, %scan3A_64 : i32
      %scan3A_66 = arith.constant 1 : i32
      %scan3A_67 = scf.for %scan3A_81 = %scan3A_63 to %scan3A_65 step %scan3A_66 iter_args(%scan3A_82 = %scan3A_62) -> (i32)  : i32 {
        %mul3A_83 = arith.constant 2 : i32
        %mul3A_84 = arith.muli %mul3A_83, %scan3A_81 : i32
        %add3A_85 = arith.constant 1 : i32
        %add3A_86 = arith.addi %mul3A_84, %add3A_85 : i32
        %dma_start3A_87 = arith.constant 128 : i32
        %dma_start3A_88 = arith.constant 0 : i32
        %dma_start3A_89 = tpu.memref_slice %arg8[%dma_start3A_87, %dma_start3A_88] : memref<256x128xf32, #tpu.memory_space<vmem>> -> memref<128x128xf32, #tpu.memory_space<vmem>>
        %dma_start3A_90 = arith.constant 0 : i32
        %dma_start3A_91 = tpu.memref_slice %arg6[%add3A_86, %dma_start3A_90] : memref<27x128xi32, #tpu.memory_space<vmem>> -> memref<1x128xi32, #tpu.memory_space<vmem>>
        %dma_start3A_92 = tpu.memref_squeeze %dma_start3A_91 : memref<1x128xi32, #tpu.memory_space<vmem>> -> memref<128xi32, #tpu.memory_space<vmem>>
        %dma_start3A_93 = arith.constant 0 : i32
        %dma_start3A_94 = arith.constant 0 : i32
        %dma_start3A_95 = tpu.memref_slice %arg2[%dma_start3A_93, %dma_start3A_94] : memref<10240x128xf32, #tpu.memory_space<hbm>> -> memref<10240x128xf32, #tpu.memory_space<hbm>>
        %dma_start3A_96 = tpu.memref_slice %arg10[%scan3A_20] : memref<2x!tpu.dma_semaphore, #tpu.memory_space<semaphore_mem>> -> memref<1x!tpu.dma_semaphore, #tpu.memory_space<semaphore_mem>>
        %dma_start3A_97 = tpu.memref_squeeze %dma_start3A_96 : memref<1x!tpu.dma_semaphore, #tpu.memory_space<semaphore_mem>> -> memref<!tpu.dma_semaphore, #tpu.memory_space<semaphore_mem>>
        tpu.enqueue_indirect_dma source(%dma_start3A_95 : memref<10240x128xf32, #tpu.memory_space<hbm>>) target(%dma_start3A_89 : memref<128x128xf32, #tpu.memory_space<vmem>>) offsets(%dma_start3A_92 : memref<128xi32, #tpu.memory_space<vmem>>) semaphore(%dma_start3A_97 : memref<!tpu.dma_semaphore, #tpu.memory_space<semaphore_mem>>)
        %dma_wait3A_98 = arith.constant 0 : i32
        %dma_wait3A_99 = arith.constant 0 : i32
        %dma_wait3A_100 = tpu.memref_slice %arg8[%dma_wait3A_98, %dma_wait3A_99] : memref<256x128xf32, #tpu.memory_space<vmem>> -> memref<128x128xf32, #tpu.memory_space<vmem>>
        %dma_wait3A_101 = arith.constant 0 : i32
        %dma_wait3A_102 = tpu.memref_slice %arg6[%mul3A_84, %dma_wait3A_101] : memref<27x128xi32, #tpu.memory_space<vmem>> -> memref<1x128xi32, #tpu.memory_space<vmem>>
        %dma_wait3A_103 = tpu.memref_squeeze %dma_wait3A_102 : memref<1x128xi32, #tpu.memory_space<vmem>> -> memref<128xi32, #tpu.memory_space<vmem>>
        %dma_wait3A_104 = arith.constant 0 : i32
        %dma_wait3A_105 = arith.constant 0 : i32
        %dma_wait3A_106 = tpu.memref_slice %arg2[%dma_wait3A_104, %dma_wait3A_105] : memref<10240x128xf32, #tpu.memory_space<hbm>> -> memref<10240x128xf32, #tpu.memory_space<hbm>>
        %dma_wait3A_107 = tpu.memref_slice %arg10[%scan3A_19] : memref<2x!tpu.dma_semaphore, #tpu.memory_space<semaphore_mem>> -> memref<1x!tpu.dma_semaphore, #tpu.memory_space<semaphore_mem>>
        %dma_wait3A_108 = tpu.memref_squeeze %dma_wait3A_107 : memref<1x!tpu.dma_semaphore, #tpu.memory_space<semaphore_mem>> -> memref<!tpu.dma_semaphore, #tpu.memory_space<semaphore_mem>>
        tpu.wait_indirect_dma semaphore(%dma_wait3A_108 : memref<!tpu.dma_semaphore, #tpu.memory_space<semaphore_mem>>) src(%dma_wait3A_106 : memref<10240x128xf32, #tpu.memory_space<hbm>>) dst(%dma_wait3A_100 : memref<128x128xf32, #tpu.memory_space<vmem>>)
        "tpu.region"() ({
          %run_scoped3A_136 = tpu.sem_alloc : memref<!tpu.dma_semaphore, #tpu.memory_space<semaphore_mem>>
          %dma_start3A_137 = arith.constant 0 : i32
          %dma_start3A_138 = arith.constant 0 : i32
          %dma_start3A_139 = tpu.memref_slice %arg8[%dma_start3A_137, %dma_start3A_138] : memref<256x128xf32, #tpu.memory_space<vmem>> -> memref<128x128xf32, #tpu.memory_space<vmem>>
          %dma_start3A_140 = arith.constant 0 : i32
          %dma_start3A_141 = tpu.memref_slice %arg7[%mul3A_84, %dma_start3A_140] : memref<27x128xi32, #tpu.memory_space<vmem>> -> memref<1x128xi32, #tpu.memory_space<vmem>>
          %dma_start3A_142 = tpu.memref_squeeze %dma_start3A_141 : memref<1x128xi32, #tpu.memory_space<vmem>> -> memref<128xi32, #tpu.memory_space<vmem>>
          %dma_start3A_143 = arith.constant 0 : i32
          %dma_start3A_144 = arith.constant 0 : i32
          %dma_start3A_145 = tpu.memref_slice %arg9[%dma_start3A_143, %dma_start3A_144] : memref<10240x128xf32, #tpu.memory_space<vmem_shared>> -> memref<10240x128xf32, #tpu.memory_space<vmem_shared>>
          tpu.enqueue_indirect_dma source(%dma_start3A_139 : memref<128x128xf32, #tpu.memory_space<vmem>>) target(%dma_start3A_145 : memref<10240x128xf32, #tpu.memory_space<vmem_shared>>) offsets(%dma_start3A_142 : memref<128xi32, #tpu.memory_space<vmem>>) semaphore(%run_scoped3A_136 : memref<!tpu.dma_semaphore, #tpu.memory_space<semaphore_mem>>) {add = true}
          %dma_wait3A_146 = arith.constant 0 : i32
          %dma_wait3A_147 = arith.constant 0 : i32
          %dma_wait3A_148 = tpu.memref_slice %arg8[%dma_wait3A_146, %dma_wait3A_147] : memref<256x128xf32, #tpu.memory_space<vmem>> -> memref<128x128xf32, #tpu.memory_space<vmem>>
          %dma_wait3A_149 = arith.constant 0 : i32
          %dma_wait3A_150 = tpu.memref_slice %arg7[%mul3A_84, %dma_wait3A_149] : memref<27x128xi32, #tpu.memory_space<vmem>> -> memref<1x128xi32, #tpu.memory_space<vmem>>
          %dma_wait3A_151 = tpu.memref_squeeze %dma_wait3A_150 : memref<1x128xi32, #tpu.memory_space<vmem>> -> memref<128xi32, #tpu.memory_space<vmem>>
          %dma_wait3A_152 = arith.constant 0 : i32
          %dma_wait3A_153 = arith.constant 0 : i32
          %dma_wait3A_154 = tpu.memref_slice %arg9[%dma_wait3A_152, %dma_wait3A_153] : memref<10240x128xf32, #tpu.memory_space<vmem_shared>> -> memref<10240x128xf32, #tpu.memory_space<vmem_shared>>
          tpu.wait_indirect_dma semaphore(%run_scoped3A_136 : memref<!tpu.dma_semaphore, #tpu.memory_space<semaphore_mem>>) src(%dma_wait3A_148 : memref<128x128xf32, #tpu.memory_space<vmem>>) dst(%dma_wait3A_154 : memref<10240x128xf32, #tpu.memory_space<vmem_shared>>)
          tpu.yield
        }) : () -> ()
        %add3A_109 = arith.constant 2 : i32
        %add3A_110 = arith.addi %mul3A_84, %add3A_109 : i32
        %dma_start3A_111 = arith.constant 0 : i32
        %dma_start3A_112 = arith.constant 0 : i32
        %dma_start3A_113 = tpu.memref_slice %arg8[%dma_start3A_111, %dma_start3A_112] : memref<256x128xf32, #tpu.memory_space<vmem>> -> memref<128x128xf32, #tpu.memory_space<vmem>>
        %dma_start3A_114 = arith.constant 0 : i32
        %dma_start3A_115 = tpu.memref_slice %arg6[%add3A_110, %dma_start3A_114] : memref<27x128xi32, #tpu.memory_space<vmem>> -> memref<1x128xi32, #tpu.memory_space<vmem>>
        %dma_start3A_116 = tpu.memref_squeeze %dma_start3A_115 : memref<1x128xi32, #tpu.memory_space<vmem>> -> memref<128xi32, #tpu.memory_space<vmem>>
        %dma_start3A_117 = arith.constant 0 : i32
        %dma_start3A_118 = arith.constant 0 : i32
        %dma_start3A_119 = tpu.memref_slice %arg2[%dma_start3A_117, %dma_start3A_118] : memref<10240x128xf32, #tpu.memory_space<hbm>> -> memref<10240x128xf32, #tpu.memory_space<hbm>>
        %dma_start3A_120 = tpu.memref_slice %arg10[%scan3A_19] : memref<2x!tpu.dma_semaphore, #tpu.memory_space<semaphore_mem>> -> memref<1x!tpu.dma_semaphore, #tpu.memory_space<semaphore_mem>>
        %dma_start3A_121 = tpu.memref_squeeze %dma_start3A_120 : memref<1x!tpu.dma_semaphore, #tpu.memory_space<semaphore_mem>> -> memref<!tpu.dma_semaphore, #tpu.memory_space<semaphore_mem>>
        tpu.enqueue_indirect_dma source(%dma_start3A_119 : memref<10240x128xf32, #tpu.memory_space<hbm>>) target(%dma_start3A_113 : memref<128x128xf32, #tpu.memory_space<vmem>>) offsets(%dma_start3A_116 : memref<128xi32, #tpu.memory_space<vmem>>) semaphore(%dma_start3A_121 : memref<!tpu.dma_semaphore, #tpu.memory_space<semaphore_mem>>)
        %dma_wait3A_122 = arith.constant 128 : i32
        %dma_wait3A_123 = arith.constant 0 : i32
        %dma_wait3A_124 = tpu.memref_slice %arg8[%dma_wait3A_122, %dma_wait3A_123] : memref<256x128xf32, #tpu.memory_space<vmem>> -> memref<128x128xf32, #tpu.memory_space<vmem>>
        %dma_wait3A_125 = arith.constant 0 : i32
        %dma_wait3A_126 = tpu.memref_slice %arg6[%add3A_86, %dma_wait3A_125] : memref<27x128xi32, #tpu.memory_space<vmem>> -> memref<1x128xi32, #tpu.memory_space<vmem>>
        %dma_wait3A_127 = tpu.memref_squeeze %dma_wait3A_126 : memref<1x128xi32, #tpu.memory_space<vmem>> -> memref<128xi32, #tpu.memory_space<vmem>>
        %dma_wait3A_128 = arith.constant 0 : i32
        %dma_wait3A_129 = arith.constant 0 : i32
        %dma_wait3A_130 = tpu.memref_slice %arg2[%dma_wait3A_128, %dma_wait3A_129] : memref<10240x128xf32, #tpu.memory_space<hbm>> -> memref<10240x128xf32, #tpu.memory_space<hbm>>
        %dma_wait3A_131 = tpu.memref_slice %arg10[%scan3A_20] : memref<2x!tpu.dma_semaphore, #tpu.memory_space<semaphore_mem>> -> memref<1x!tpu.dma_semaphore, #tpu.memory_space<semaphore_mem>>
        %dma_wait3A_132 = tpu.memref_squeeze %dma_wait3A_131 : memref<1x!tpu.dma_semaphore, #tpu.memory_space<semaphore_mem>> -> memref<!tpu.dma_semaphore, #tpu.memory_space<semaphore_mem>>
        tpu.wait_indirect_dma semaphore(%dma_wait3A_132 : memref<!tpu.dma_semaphore, #tpu.memory_space<semaphore_mem>>) src(%dma_wait3A_130 : memref<10240x128xf32, #tpu.memory_space<hbm>>) dst(%dma_wait3A_124 : memref<128x128xf32, #tpu.memory_space<vmem>>)
        %add3A_133 = arith.constant 1 : i32
        %add3A_134 = arith.addi %mul3A_84, %add3A_133 : i32
        "tpu.region"() ({
          %run_scoped3A_136 = tpu.sem_alloc : memref<!tpu.dma_semaphore, #tpu.memory_space<semaphore_mem>>
          %dma_start3A_137 = arith.constant 128 : i32
          %dma_start3A_138 = arith.constant 0 : i32
          %dma_start3A_139 = tpu.memref_slice %arg8[%dma_start3A_137, %dma_start3A_138] : memref<256x128xf32, #tpu.memory_space<vmem>> -> memref<128x128xf32, #tpu.memory_space<vmem>>
          %dma_start3A_140 = arith.constant 0 : i32
          %dma_start3A_141 = tpu.memref_slice %arg7[%add3A_134, %dma_start3A_140] : memref<27x128xi32, #tpu.memory_space<vmem>> -> memref<1x128xi32, #tpu.memory_space<vmem>>
          %dma_start3A_142 = tpu.memref_squeeze %dma_start3A_141 : memref<1x128xi32, #tpu.memory_space<vmem>> -> memref<128xi32, #tpu.memory_space<vmem>>
          %dma_start3A_143 = arith.constant 0 : i32
          %dma_start3A_144 = arith.constant 0 : i32
          %dma_start3A_145 = tpu.memref_slice %arg9[%dma_start3A_143, %dma_start3A_144] : memref<10240x128xf32, #tpu.memory_space<vmem_shared>> -> memref<10240x128xf32, #tpu.memory_space<vmem_shared>>
          tpu.enqueue_indirect_dma source(%dma_start3A_139 : memref<128x128xf32, #tpu.memory_space<vmem>>) target(%dma_start3A_145 : memref<10240x128xf32, #tpu.memory_space<vmem_shared>>) offsets(%dma_start3A_142 : memref<128xi32, #tpu.memory_space<vmem>>) semaphore(%run_scoped3A_136 : memref<!tpu.dma_semaphore, #tpu.memory_space<semaphore_mem>>) {add = true}
          %dma_wait3A_146 = arith.constant 128 : i32
          %dma_wait3A_147 = arith.constant 0 : i32
          %dma_wait3A_148 = tpu.memref_slice %arg8[%dma_wait3A_146, %dma_wait3A_147] : memref<256x128xf32, #tpu.memory_space<vmem>> -> memref<128x128xf32, #tpu.memory_space<vmem>>
          %dma_wait3A_149 = arith.constant 0 : i32
          %dma_wait3A_150 = tpu.memref_slice %arg7[%add3A_134, %dma_wait3A_149] : memref<27x128xi32, #tpu.memory_space<vmem>> -> memref<1x128xi32, #tpu.memory_space<vmem>>
          %dma_wait3A_151 = tpu.memref_squeeze %dma_wait3A_150 : memref<1x128xi32, #tpu.memory_space<vmem>> -> memref<128xi32, #tpu.memory_space<vmem>>
          %dma_wait3A_152 = arith.constant 0 : i32
          %dma_wait3A_153 = arith.constant 0 : i32
          %dma_wait3A_154 = tpu.memref_slice %arg9[%dma_wait3A_152, %dma_wait3A_153] : memref<10240x128xf32, #tpu.memory_space<vmem_shared>> -> memref<10240x128xf32, #tpu.memory_space<vmem_shared>>
          tpu.wait_indirect_dma semaphore(%run_scoped3A_136 : memref<!tpu.dma_semaphore, #tpu.memory_space<semaphore_mem>>) src(%dma_wait3A_148 : memref<128x128xf32, #tpu.memory_space<vmem>>) dst(%dma_wait3A_154 : memref<10240x128xf32, #tpu.memory_space<vmem_shared>>)
          tpu.yield
        }) : () -> ()
        %scan3A_135 = arith.constant 0 : i32
        scf.yield %scan3A_135 : i32
      }
      %scan3A_68 = arith.constant 13 : i32
      %dma_wait3A = arith.constant 26 : i32
      %dma_wait3A_69 = arith.constant 0 : i32
      %dma_wait3A_70 = arith.constant 0 : i32
      %dma_wait3A_71 = tpu.memref_slice %arg8[%dma_wait3A_69, %dma_wait3A_70] : memref<256x128xf32, #tpu.memory_space<vmem>> -> memref<128x128xf32, #tpu.memory_space<vmem>>
      %dma_wait3A_72 = arith.constant 0 : i32
      %dma_wait3A_73 = tpu.memref_slice %arg6[%dma_wait3A, %dma_wait3A_72] : memref<27x128xi32, #tpu.memory_space<vmem>> -> memref<1x128xi32, #tpu.memory_space<vmem>>
      %dma_wait3A_74 = tpu.memref_squeeze %dma_wait3A_73 : memref<1x128xi32, #tpu.memory_space<vmem>> -> memref<128xi32, #tpu.memory_space<vmem>>
      %dma_wait3A_75 = arith.constant 0 : i32
      %dma_wait3A_76 = arith.constant 0 : i32
      %dma_wait3A_77 = tpu.memref_slice %arg2[%dma_wait3A_75, %dma_wait3A_76] : memref<10240x128xf32, #tpu.memory_space<hbm>> -> memref<10240x128xf32, #tpu.memory_space<hbm>>
      %dma_wait3A_78 = tpu.memref_slice %arg10[%scan3A_19] : memref<2x!tpu.dma_semaphore, #tpu.memory_space<semaphore_mem>> -> memref<1x!tpu.dma_semaphore, #tpu.memory_space<semaphore_mem>>
      %dma_wait3A_79 = tpu.memref_squeeze %dma_wait3A_78 : memref<1x!tpu.dma_semaphore, #tpu.memory_space<semaphore_mem>> -> memref<!tpu.dma_semaphore, #tpu.memory_space<semaphore_mem>>
      tpu.wait_indirect_dma semaphore(%dma_wait3A_79 : memref<!tpu.dma_semaphore, #tpu.memory_space<semaphore_mem>>) src(%dma_wait3A_77 : memref<10240x128xf32, #tpu.memory_space<hbm>>) dst(%dma_wait3A_71 : memref<128x128xf32, #tpu.memory_space<vmem>>)
      %run_scoped3A = arith.constant 26 : i32
      "tpu.region"() ({
        %run_scoped3A_81 = tpu.sem_alloc : memref<!tpu.dma_semaphore, #tpu.memory_space<semaphore_mem>>
        %dma_start3A_82 = arith.constant 0 : i32
        %dma_start3A_83 = arith.constant 0 : i32
        %dma_start3A_84 = tpu.memref_slice %arg8[%dma_start3A_82, %dma_start3A_83] : memref<256x128xf32, #tpu.memory_space<vmem>> -> memref<128x128xf32, #tpu.memory_space<vmem>>
        %dma_start3A_85 = arith.constant 0 : i32
        %dma_start3A_86 = tpu.memref_slice %arg7[%run_scoped3A, %dma_start3A_85] : memref<27x128xi32, #tpu.memory_space<vmem>> -> memref<1x128xi32, #tpu.memory_space<vmem>>
        %dma_start3A_87 = tpu.memref_squeeze %dma_start3A_86 : memref<1x128xi32, #tpu.memory_space<vmem>> -> memref<128xi32, #tpu.memory_space<vmem>>
        %dma_start3A_88 = arith.constant 0 : i32
        %dma_start3A_89 = arith.constant 0 : i32
        %dma_start3A_90 = tpu.memref_slice %arg9[%dma_start3A_88, %dma_start3A_89] : memref<10240x128xf32, #tpu.memory_space<vmem_shared>> -> memref<10240x128xf32, #tpu.memory_space<vmem_shared>>
        tpu.enqueue_indirect_dma source(%dma_start3A_84 : memref<128x128xf32, #tpu.memory_space<vmem>>) target(%dma_start3A_90 : memref<10240x128xf32, #tpu.memory_space<vmem_shared>>) offsets(%dma_start3A_87 : memref<128xi32, #tpu.memory_space<vmem>>) semaphore(%run_scoped3A_81 : memref<!tpu.dma_semaphore, #tpu.memory_space<semaphore_mem>>) {add = true}
        %dma_wait3A_91 = arith.constant 0 : i32
        %dma_wait3A_92 = arith.constant 0 : i32
        %dma_wait3A_93 = tpu.memref_slice %arg8[%dma_wait3A_91, %dma_wait3A_92] : memref<256x128xf32, #tpu.memory_space<vmem>> -> memref<128x128xf32, #tpu.memory_space<vmem>>
        %dma_wait3A_94 = arith.constant 0 : i32
        %dma_wait3A_95 = tpu.memref_slice %arg7[%run_scoped3A, %dma_wait3A_94] : memref<27x128xi32, #tpu.memory_space<vmem>> -> memref<1x128xi32, #tpu.memory_space<vmem>>
        %dma_wait3A_96 = tpu.memref_squeeze %dma_wait3A_95 : memref<1x128xi32, #tpu.memory_space<vmem>> -> memref<128xi32, #tpu.memory_space<vmem>>
        %dma_wait3A_97 = arith.constant 0 : i32
        %dma_wait3A_98 = arith.constant 0 : i32
        %dma_wait3A_99 = tpu.memref_slice %arg9[%dma_wait3A_97, %dma_wait3A_98] : memref<10240x128xf32, #tpu.memory_space<vmem_shared>> -> memref<10240x128xf32, #tpu.memory_space<vmem_shared>>
        tpu.wait_indirect_dma semaphore(%run_scoped3A_81 : memref<!tpu.dma_semaphore, #tpu.memory_space<semaphore_mem>>) src(%dma_wait3A_93 : memref<128x128xf32, #tpu.memory_space<vmem>>) dst(%dma_wait3A_99 : memref<10240x128xf32, #tpu.memory_space<vmem_shared>>)
        tpu.yield
      }) : () -> ()
      %scan3A_80 = arith.constant 0 : i32
      scf.yield %scan3A_80 : i32
    }
    %scan3A_27 = arith.constant 3 : i32
    %barrier3A_28 = arith.constant 0 : index
    tpu.barrier barrier_id(%barrier3A_28)
    %add3A_29 = arith.constant 0 : i32
    %add3A_30 = arith.addi %mul3A_2, %add3A_29 : i32
    "tpu.region"() ({
      %run_scoped3A = tpu.sem_alloc : memref<!tpu.dma_semaphore, #tpu.memory_space<semaphore_mem>>
      %dma_start3A = arith.constant 0 : i32
      %dma_start3A_49 = arith.constant 0 : i32
      %dma_start3A_50 = tpu.memref_slice %arg8[%dma_start3A, %dma_start3A_49] : memref<256x128xf32, #tpu.memory_space<vmem>> -> memref<128x128xf32, #tpu.memory_space<vmem>>
      %dma_start3A_51 = arith.constant 0 : i32
      %dma_start3A_52 = tpu.memref_slice %arg9[%add3A_30, %dma_start3A_51] : memref<10240x128xf32, #tpu.memory_space<vmem_shared>> -> memref<128x128xf32, #tpu.memory_space<vmem_shared>>
      %dma_start3A_53 = arith.constant 0 : i32
      %dma_start3A_54 = arith.constant 0 : i32
      %dma_start3A_55 = tpu.memref_slice %arg8[%dma_start3A_53, %dma_start3A_54] : memref<256x128xf32, #tpu.memory_space<vmem>> -> memref<128x128xf32, #tpu.memory_space<vmem>>
      %dma_start3A_56 = arith.constant 0 : i32
      %dma_start3A_57 = tpu.memref_slice %arg9[%add3A_30, %dma_start3A_56] : memref<10240x128xf32, #tpu.memory_space<vmem_shared>> -> memref<128x128xf32, #tpu.memory_space<vmem_shared>>
      tpu.enqueue_dma source(%dma_start3A_57 : memref<128x128xf32, #tpu.memory_space<vmem_shared>>) target(%dma_start3A_55 : memref<128x128xf32, #tpu.memory_space<vmem>>) target_semaphore(%run_scoped3A : memref<!tpu.dma_semaphore, #tpu.memory_space<semaphore_mem>>)
      %dma_wait3A = arith.constant 0 : i32
      %dma_wait3A_58 = arith.constant 0 : i32
      %dma_wait3A_59 = tpu.memref_slice %arg8[%dma_wait3A, %dma_wait3A_58] : memref<256x128xf32, #tpu.memory_space<vmem>> -> memref<128x128xf32, #tpu.memory_space<vmem>>
      %dma_wait3A_60 = arith.constant 0 : i32
      %dma_wait3A_61 = tpu.memref_slice %arg9[%add3A_30, %dma_wait3A_60] : memref<10240x128xf32, #tpu.memory_space<vmem_shared>> -> memref<128x128xf32, #tpu.memory_space<vmem_shared>>
      %dma_wait3A_62 = arith.constant 0 : i32
      %dma_wait3A_63 = arith.constant 0 : i32
      %dma_wait3A_64 = tpu.memref_slice %arg8[%dma_wait3A_62, %dma_wait3A_63] : memref<256x128xf32, #tpu.memory_space<vmem>> -> memref<128x128xf32, #tpu.memory_space<vmem>>
      %dma_wait3A_65 = arith.constant 0 : i32
      %dma_wait3A_66 = tpu.memref_slice %arg9[%add3A_30, %dma_wait3A_65] : memref<10240x128xf32, #tpu.memory_space<vmem_shared>> -> memref<128x128xf32, #tpu.memory_space<vmem_shared>>
      tpu.wait_dma2 semaphore(%run_scoped3A : memref<!tpu.dma_semaphore, #tpu.memory_space<semaphore_mem>>) src(%dma_wait3A_66 : memref<128x128xf32, #tpu.memory_space<vmem_shared>>) dst(%dma_wait3A_64 : memref<128x128xf32, #tpu.memory_space<vmem>>)
      tpu.yield
    }) : () -> ()
    %add3A_31 = arith.constant 0 : i32
    %add3A_32 = arith.addi %mul3A_2, %add3A_31 : i32
    "tpu.region"() ({
      %run_scoped3A = tpu.sem_alloc : memref<!tpu.dma_semaphore, #tpu.memory_space<semaphore_mem>>
      %dma_start3A = arith.constant 0 : i32
      %dma_start3A_49 = arith.constant 0 : i32
      %dma_start3A_50 = tpu.memref_slice %arg8[%dma_start3A, %dma_start3A_49] : memref<256x128xf32, #tpu.memory_space<vmem>> -> memref<128x128xf32, #tpu.memory_space<vmem>>
      %dma_start3A_51 = arith.constant 0 : i32
      %dma_start3A_52 = tpu.memref_slice %arg5[%arg0, %add3A_32, %dma_start3A_51] : memref<2x10240x128xf32, #tpu.memory_space<hbm>> -> memref<1x128x128xf32, #tpu.memory_space<hbm>>
      %dma_start3A_53 = tpu.memref_squeeze %dma_start3A_52 : memref<1x128x128xf32, #tpu.memory_space<hbm>> -> memref<128x128xf32, #tpu.memory_space<hbm>>
      %dma_start3A_54 = arith.constant 0 : i32
      %dma_start3A_55 = tpu.memref_slice %arg5[%arg0, %add3A_32, %dma_start3A_54] : memref<2x10240x128xf32, #tpu.memory_space<hbm>> -> memref<1x128x128xf32, #tpu.memory_space<hbm>>
      %dma_start3A_56 = tpu.memref_squeeze %dma_start3A_55 : memref<1x128x128xf32, #tpu.memory_space<hbm>> -> memref<128x128xf32, #tpu.memory_space<hbm>>
      %dma_start3A_57 = arith.constant 0 : i32
      %dma_start3A_58 = arith.constant 0 : i32
      %dma_start3A_59 = tpu.memref_slice %arg8[%dma_start3A_57, %dma_start3A_58] : memref<256x128xf32, #tpu.memory_space<vmem>> -> memref<128x128xf32, #tpu.memory_space<vmem>>
      tpu.enqueue_dma source(%dma_start3A_59 : memref<128x128xf32, #tpu.memory_space<vmem>>) target(%dma_start3A_56 : memref<128x128xf32, #tpu.memory_space<hbm>>) target_semaphore(%run_scoped3A : memref<!tpu.dma_semaphore, #tpu.memory_space<semaphore_mem>>)
      %dma_wait3A = arith.constant 0 : i32
      %dma_wait3A_60 = arith.constant 0 : i32
      %dma_wait3A_61 = tpu.memref_slice %arg8[%dma_wait3A, %dma_wait3A_60] : memref<256x128xf32, #tpu.memory_space<vmem>> -> memref<128x128xf32, #tpu.memory_space<vmem>>
      %dma_wait3A_62 = arith.constant 0 : i32
      %dma_wait3A_63 = tpu.memref_slice %arg5[%arg0, %add3A_32, %dma_wait3A_62] : memref<2x10240x128xf32, #tpu.memory_space<hbm>> -> memref<1x128x128xf32, #tpu.memory_space<hbm>>
      %dma_wait3A_64 = tpu.memref_squeeze %dma_wait3A_63 : memref<1x128x128xf32, #tpu.memory_space<hbm>> -> memref<128x128xf32, #tpu.memory_space<hbm>>
      %dma_wait3A_65 = arith.constant 0 : i32
      %dma_wait3A_66 = tpu.memref_slice %arg5[%arg0, %add3A_32, %dma_wait3A_65] : memref<2x10240x128xf32, #tpu.memory_space<hbm>> -> memref<1x128x128xf32, #tpu.memory_space<hbm>>
      %dma_wait3A_67 = tpu.memref_squeeze %dma_wait3A_66 : memref<1x128x128xf32, #tpu.memory_space<hbm>> -> memref<128x128xf32, #tpu.memory_space<hbm>>
      %dma_wait3A_68 = arith.constant 0 : i32
      %dma_wait3A_69 = arith.constant 0 : i32
      %dma_wait3A_70 = tpu.memref_slice %arg8[%dma_wait3A_68, %dma_wait3A_69] : memref<256x128xf32, #tpu.memory_space<vmem>> -> memref<128x128xf32, #tpu.memory_space<vmem>>
      tpu.wait_dma2 semaphore(%run_scoped3A : memref<!tpu.dma_semaphore, #tpu.memory_space<semaphore_mem>>) src(%dma_wait3A_70 : memref<128x128xf32, #tpu.memory_space<vmem>>) dst(%dma_wait3A_67 : memref<128x128xf32, #tpu.memory_space<hbm>>)
      tpu.yield
    }) : () -> ()
    %add3A_33 = arith.constant 128 : i32
    %add3A_34 = arith.addi %mul3A_2, %add3A_33 : i32
    "tpu.region"() ({
      %run_scoped3A = tpu.sem_alloc : memref<!tpu.dma_semaphore, #tpu.memory_space<semaphore_mem>>
      %dma_start3A = arith.constant 0 : i32
      %dma_start3A_49 = arith.constant 0 : i32
      %dma_start3A_50 = tpu.memref_slice %arg8[%dma_start3A, %dma_start3A_49] : memref<256x128xf32, #tpu.memory_space<vmem>> -> memref<128x128xf32, #tpu.memory_space<vmem>>
      %dma_start3A_51 = arith.constant 0 : i32
      %dma_start3A_52 = tpu.memref_slice %arg9[%add3A_34, %dma_start3A_51] : memref<10240x128xf32, #tpu.memory_space<vmem_shared>> -> memref<128x128xf32, #tpu.memory_space<vmem_shared>>
      %dma_start3A_53 = arith.constant 0 : i32
      %dma_start3A_54 = arith.constant 0 : i32
      %dma_start3A_55 = tpu.memref_slice %arg8[%dma_start3A_53, %dma_start3A_54] : memref<256x128xf32, #tpu.memory_space<vmem>> -> memref<128x128xf32, #tpu.memory_space<vmem>>
      %dma_start3A_56 = arith.constant 0 : i32
      %dma_start3A_57 = tpu.memref_slice %arg9[%add3A_34, %dma_start3A_56] : memref<10240x128xf32, #tpu.memory_space<vmem_shared>> -> memref<128x128xf32, #tpu.memory_space<vmem_shared>>
      tpu.enqueue_dma source(%dma_start3A_57 : memref<128x128xf32, #tpu.memory_space<vmem_shared>>) target(%dma_start3A_55 : memref<128x128xf32, #tpu.memory_space<vmem>>) target_semaphore(%run_scoped3A : memref<!tpu.dma_semaphore, #tpu.memory_space<semaphore_mem>>)
      %dma_wait3A = arith.constant 0 : i32
      %dma_wait3A_58 = arith.constant 0 : i32
      %dma_wait3A_59 = tpu.memref_slice %arg8[%dma_wait3A, %dma_wait3A_58] : memref<256x128xf32, #tpu.memory_space<vmem>> -> memref<128x128xf32, #tpu.memory_space<vmem>>
      %dma_wait3A_60 = arith.constant 0 : i32
      %dma_wait3A_61 = tpu.memref_slice %arg9[%add3A_34, %dma_wait3A_60] : memref<10240x128xf32, #tpu.memory_space<vmem_shared>> -> memref<128x128xf32, #tpu.memory_space<vmem_shared>>
      %dma_wait3A_62 = arith.constant 0 : i32
      %dma_wait3A_63 = arith.constant 0 : i32
      %dma_wait3A_64 = tpu.memref_slice %arg8[%dma_wait3A_62, %dma_wait3A_63] : memref<256x128xf32, #tpu.memory_space<vmem>> -> memref<128x128xf32, #tpu.memory_space<vmem>>
      %dma_wait3A_65 = arith.constant 0 : i32
      %dma_wait3A_66 = tpu.memref_slice %arg9[%add3A_34, %dma_wait3A_65] : memref<10240x128xf32, #tpu.memory_space<vmem_shared>> -> memref<128x128xf32, #tpu.memory_space<vmem_shared>>
      tpu.wait_dma2 semaphore(%run_scoped3A : memref<!tpu.dma_semaphore, #tpu.memory_space<semaphore_mem>>) src(%dma_wait3A_66 : memref<128x128xf32, #tpu.memory_space<vmem_shared>>) dst(%dma_wait3A_64 : memref<128x128xf32, #tpu.memory_space<vmem>>)
      tpu.yield
    }) : () -> ()
    %add3A_35 = arith.constant 128 : i32
    %add3A_36 = arith.addi %mul3A_2, %add3A_35 : i32
    "tpu.region"() ({
      %run_scoped3A = tpu.sem_alloc : memref<!tpu.dma_semaphore, #tpu.memory_space<semaphore_mem>>
      %dma_start3A = arith.constant 0 : i32
      %dma_start3A_49 = arith.constant 0 : i32
      %dma_start3A_50 = tpu.memref_slice %arg8[%dma_start3A, %dma_start3A_49] : memref<256x128xf32, #tpu.memory_space<vmem>> -> memref<128x128xf32, #tpu.memory_space<vmem>>
      %dma_start3A_51 = arith.constant 0 : i32
      %dma_start3A_52 = tpu.memref_slice %arg5[%arg0, %add3A_36, %dma_start3A_51] : memref<2x10240x128xf32, #tpu.memory_space<hbm>> -> memref<1x128x128xf32, #tpu.memory_space<hbm>>
      %dma_start3A_53 = tpu.memref_squeeze %dma_start3A_52 : memref<1x128x128xf32, #tpu.memory_space<hbm>> -> memref<128x128xf32, #tpu.memory_space<hbm>>
      %dma_start3A_54 = arith.constant 0 : i32
      %dma_start3A_55 = tpu.memref_slice %arg5[%arg0, %add3A_36, %dma_start3A_54] : memref<2x10240x128xf32, #tpu.memory_space<hbm>> -> memref<1x128x128xf32, #tpu.memory_space<hbm>>
      %dma_start3A_56 = tpu.memref_squeeze %dma_start3A_55 : memref<1x128x128xf32, #tpu.memory_space<hbm>> -> memref<128x128xf32, #tpu.memory_space<hbm>>
      %dma_start3A_57 = arith.constant 0 : i32
      %dma_start3A_58 = arith.constant 0 : i32
      %dma_start3A_59 = tpu.memref_slice %arg8[%dma_start3A_57, %dma_start3A_58] : memref<256x128xf32, #tpu.memory_space<vmem>> -> memref<128x128xf32, #tpu.memory_space<vmem>>
      tpu.enqueue_dma source(%dma_start3A_59 : memref<128x128xf32, #tpu.memory_space<vmem>>) target(%dma_start3A_56 : memref<128x128xf32, #tpu.memory_space<hbm>>) target_semaphore(%run_scoped3A : memref<!tpu.dma_semaphore, #tpu.memory_space<semaphore_mem>>)
      %dma_wait3A = arith.constant 0 : i32
      %dma_wait3A_60 = arith.constant 0 : i32
      %dma_wait3A_61 = tpu.memref_slice %arg8[%dma_wait3A, %dma_wait3A_60] : memref<256x128xf32, #tpu.memory_space<vmem>> -> memref<128x128xf32, #tpu.memory_space<vmem>>
      %dma_wait3A_62 = arith.constant 0 : i32
      %dma_wait3A_63 = tpu.memref_slice %arg5[%arg0, %add3A_36, %dma_wait3A_62] : memref<2x10240x128xf32, #tpu.memory_space<hbm>> -> memref<1x128x128xf32, #tpu.memory_space<hbm>>
      %dma_wait3A_64 = tpu.memref_squeeze %dma_wait3A_63 : memref<1x128x128xf32, #tpu.memory_space<hbm>> -> memref<128x128xf32, #tpu.memory_space<hbm>>
      %dma_wait3A_65 = arith.constant 0 : i32
      %dma_wait3A_66 = tpu.memref_slice %arg5[%arg0, %add3A_36, %dma_wait3A_65] : memref<2x10240x128xf32, #tpu.memory_space<hbm>> -> memref<1x128x128xf32, #tpu.memory_space<hbm>>
      %dma_wait3A_67 = tpu.memref_squeeze %dma_wait3A_66 : memref<1x128x128xf32, #tpu.memory_space<hbm>> -> memref<128x128xf32, #tpu.memory_space<hbm>>
      %dma_wait3A_68 = arith.constant 0 : i32
      %dma_wait3A_69 = arith.constant 0 : i32
      %dma_wait3A_70 = tpu.memref_slice %arg8[%dma_wait3A_68, %dma_wait3A_69] : memref<256x128xf32, #tpu.memory_space<vmem>> -> memref<128x128xf32, #tpu.memory_space<vmem>>
      tpu.wait_dma2 semaphore(%run_scoped3A : memref<!tpu.dma_semaphore, #tpu.memory_space<semaphore_mem>>) src(%dma_wait3A_70 : memref<128x128xf32, #tpu.memory_space<vmem>>) dst(%dma_wait3A_67 : memref<128x128xf32, #tpu.memory_space<hbm>>)
      tpu.yield
    }) : () -> ()
    %add3A_37 = arith.constant 256 : i32
    %add3A_38 = arith.addi %mul3A_2, %add3A_37 : i32
    "tpu.region"() ({
      %run_scoped3A = tpu.sem_alloc : memref<!tpu.dma_semaphore, #tpu.memory_space<semaphore_mem>>
      %dma_start3A = arith.constant 0 : i32
      %dma_start3A_49 = arith.constant 0 : i32
      %dma_start3A_50 = tpu.memref_slice %arg8[%dma_start3A, %dma_start3A_49] : memref<256x128xf32, #tpu.memory_space<vmem>> -> memref<128x128xf32, #tpu.memory_space<vmem>>
      %dma_start3A_51 = arith.constant 0 : i32
      %dma_start3A_52 = tpu.memref_slice %arg9[%add3A_38, %dma_start3A_51] : memref<10240x128xf32, #tpu.memory_space<vmem_shared>> -> memref<128x128xf32, #tpu.memory_space<vmem_shared>>
      %dma_start3A_53 = arith.constant 0 : i32
      %dma_start3A_54 = arith.constant 0 : i32
      %dma_start3A_55 = tpu.memref_slice %arg8[%dma_start3A_53, %dma_start3A_54] : memref<256x128xf32, #tpu.memory_space<vmem>> -> memref<128x128xf32, #tpu.memory_space<vmem>>
      %dma_start3A_56 = arith.constant 0 : i32
      %dma_start3A_57 = tpu.memref_slice %arg9[%add3A_38, %dma_start3A_56] : memref<10240x128xf32, #tpu.memory_space<vmem_shared>> -> memref<128x128xf32, #tpu.memory_space<vmem_shared>>
      tpu.enqueue_dma source(%dma_start3A_57 : memref<128x128xf32, #tpu.memory_space<vmem_shared>>) target(%dma_start3A_55 : memref<128x128xf32, #tpu.memory_space<vmem>>) target_semaphore(%run_scoped3A : memref<!tpu.dma_semaphore, #tpu.memory_space<semaphore_mem>>)
      %dma_wait3A = arith.constant 0 : i32
      %dma_wait3A_58 = arith.constant 0 : i32
      %dma_wait3A_59 = tpu.memref_slice %arg8[%dma_wait3A, %dma_wait3A_58] : memref<256x128xf32, #tpu.memory_space<vmem>> -> memref<128x128xf32, #tpu.memory_space<vmem>>
      %dma_wait3A_60 = arith.constant 0 : i32
      %dma_wait3A_61 = tpu.memref_slice %arg9[%add3A_38, %dma_wait3A_60] : memref<10240x128xf32, #tpu.memory_space<vmem_shared>> -> memref<128x128xf32, #tpu.memory_space<vmem_shared>>
      %dma_wait3A_62 = arith.constant 0 : i32
      %dma_wait3A_63 = arith.constant 0 : i32
      %dma_wait3A_64 = tpu.memref_slice %arg8[%dma_wait3A_62, %dma_wait3A_63] : memref<256x128xf32, #tpu.memory_space<vmem>> -> memref<128x128xf32, #tpu.memory_space<vmem>>
      %dma_wait3A_65 = arith.constant 0 : i32
      %dma_wait3A_66 = tpu.memref_slice %arg9[%add3A_38, %dma_wait3A_65] : memref<10240x128xf32, #tpu.memory_space<vmem_shared>> -> memref<128x128xf32, #tpu.memory_space<vmem_shared>>
      tpu.wait_dma2 semaphore(%run_scoped3A : memref<!tpu.dma_semaphore, #tpu.memory_space<semaphore_mem>>) src(%dma_wait3A_66 : memref<128x128xf32, #tpu.memory_space<vmem_shared>>) dst(%dma_wait3A_64 : memref<128x128xf32, #tpu.memory_space<vmem>>)
      tpu.yield
    }) : () -> ()
    %add3A_39 = arith.constant 256 : i32
    %add3A_40 = arith.addi %mul3A_2, %add3A_39 : i32
    "tpu.region"() ({
      %run_scoped3A = tpu.sem_alloc : memref<!tpu.dma_semaphore, #tpu.memory_space<semaphore_mem>>
      %dma_start3A = arith.constant 0 : i32
      %dma_start3A_49 = arith.constant 0 : i32
      %dma_start3A_50 = tpu.memref_slice %arg8[%dma_start3A, %dma_start3A_49] : memref<256x128xf32, #tpu.memory_space<vmem>> -> memref<128x128xf32, #tpu.memory_space<vmem>>
      %dma_start3A_51 = arith.constant 0 : i32
      %dma_start3A_52 = tpu.memref_slice %arg5[%arg0, %add3A_40, %dma_start3A_51] : memref<2x10240x128xf32, #tpu.memory_space<hbm>> -> memref<1x128x128xf32, #tpu.memory_space<hbm>>
      %dma_start3A_53 = tpu.memref_squeeze %dma_start3A_52 : memref<1x128x128xf32, #tpu.memory_space<hbm>> -> memref<128x128xf32, #tpu.memory_space<hbm>>
      %dma_start3A_54 = arith.constant 0 : i32
      %dma_start3A_55 = tpu.memref_slice %arg5[%arg0, %add3A_40, %dma_start3A_54] : memref<2x10240x128xf32, #tpu.memory_space<hbm>> -> memref<1x128x128xf32, #tpu.memory_space<hbm>>
      %dma_start3A_56 = tpu.memref_squeeze %dma_start3A_55 : memref<1x128x128xf32, #tpu.memory_space<hbm>> -> memref<128x128xf32, #tpu.memory_space<hbm>>
      %dma_start3A_57 = arith.constant 0 : i32
      %dma_start3A_58 = arith.constant 0 : i32
      %dma_start3A_59 = tpu.memref_slice %arg8[%dma_start3A_57, %dma_start3A_58] : memref<256x128xf32, #tpu.memory_space<vmem>> -> memref<128x128xf32, #tpu.memory_space<vmem>>
      tpu.enqueue_dma source(%dma_start3A_59 : memref<128x128xf32, #tpu.memory_space<vmem>>) target(%dma_start3A_56 : memref<128x128xf32, #tpu.memory_space<hbm>>) target_semaphore(%run_scoped3A : memref<!tpu.dma_semaphore, #tpu.memory_space<semaphore_mem>>)
      %dma_wait3A = arith.constant 0 : i32
      %dma_wait3A_60 = arith.constant 0 : i32
      %dma_wait3A_61 = tpu.memref_slice %arg8[%dma_wait3A, %dma_wait3A_60] : memref<256x128xf32, #tpu.memory_space<vmem>> -> memref<128x128xf32, #tpu.memory_space<vmem>>
      %dma_wait3A_62 = arith.constant 0 : i32
      %dma_wait3A_63 = tpu.memref_slice %arg5[%arg0, %add3A_40, %dma_wait3A_62] : memref<2x10240x128xf32, #tpu.memory_space<hbm>> -> memref<1x128x128xf32, #tpu.memory_space<hbm>>
      %dma_wait3A_64 = tpu.memref_squeeze %dma_wait3A_63 : memref<1x128x128xf32, #tpu.memory_space<hbm>> -> memref<128x128xf32, #tpu.memory_space<hbm>>
      %dma_wait3A_65 = arith.constant 0 : i32
      %dma_wait3A_66 = tpu.memref_slice %arg5[%arg0, %add3A_40, %dma_wait3A_65] : memref<2x10240x128xf32, #tpu.memory_space<hbm>> -> memref<1x128x128xf32, #tpu.memory_space<hbm>>
      %dma_wait3A_67 = tpu.memref_squeeze %dma_wait3A_66 : memref<1x128x128xf32, #tpu.memory_space<hbm>> -> memref<128x128xf32, #tpu.memory_space<hbm>>
      %dma_wait3A_68 = arith.constant 0 : i32
      %dma_wait3A_69 = arith.constant 0 : i32
      %dma_wait3A_70 = tpu.memref_slice %arg8[%dma_wait3A_68, %dma_wait3A_69] : memref<256x128xf32, #tpu.memory_space<vmem>> -> memref<128x128xf32, #tpu.memory_space<vmem>>
      tpu.wait_dma2 semaphore(%run_scoped3A : memref<!tpu.dma_semaphore, #tpu.memory_space<semaphore_mem>>) src(%dma_wait3A_70 : memref<128x128xf32, #tpu.memory_space<vmem>>) dst(%dma_wait3A_67 : memref<128x128xf32, #tpu.memory_space<hbm>>)
      tpu.yield
    }) : () -> ()
    %add3A_41 = arith.constant 384 : i32
    %add3A_42 = arith.addi %mul3A_2, %add3A_41 : i32
    "tpu.region"() ({
      %run_scoped3A = tpu.sem_alloc : memref<!tpu.dma_semaphore, #tpu.memory_space<semaphore_mem>>
      %dma_start3A = arith.constant 0 : i32
      %dma_start3A_49 = arith.constant 0 : i32
      %dma_start3A_50 = tpu.memref_slice %arg8[%dma_start3A, %dma_start3A_49] : memref<256x128xf32, #tpu.memory_space<vmem>> -> memref<128x128xf32, #tpu.memory_space<vmem>>
      %dma_start3A_51 = arith.constant 0 : i32
      %dma_start3A_52 = tpu.memref_slice %arg9[%add3A_42, %dma_start3A_51] : memref<10240x128xf32, #tpu.memory_space<vmem_shared>> -> memref<128x128xf32, #tpu.memory_space<vmem_shared>>
      %dma_start3A_53 = arith.constant 0 : i32
      %dma_start3A_54 = arith.constant 0 : i32
      %dma_start3A_55 = tpu.memref_slice %arg8[%dma_start3A_53, %dma_start3A_54] : memref<256x128xf32, #tpu.memory_space<vmem>> -> memref<128x128xf32, #tpu.memory_space<vmem>>
      %dma_start3A_56 = arith.constant 0 : i32
      %dma_start3A_57 = tpu.memref_slice %arg9[%add3A_42, %dma_start3A_56] : memref<10240x128xf32, #tpu.memory_space<vmem_shared>> -> memref<128x128xf32, #tpu.memory_space<vmem_shared>>
      tpu.enqueue_dma source(%dma_start3A_57 : memref<128x128xf32, #tpu.memory_space<vmem_shared>>) target(%dma_start3A_55 : memref<128x128xf32, #tpu.memory_space<vmem>>) target_semaphore(%run_scoped3A : memref<!tpu.dma_semaphore, #tpu.memory_space<semaphore_mem>>)
      %dma_wait3A = arith.constant 0 : i32
      %dma_wait3A_58 = arith.constant 0 : i32
      %dma_wait3A_59 = tpu.memref_slice %arg8[%dma_wait3A, %dma_wait3A_58] : memref<256x128xf32, #tpu.memory_space<vmem>> -> memref<128x128xf32, #tpu.memory_space<vmem>>
      %dma_wait3A_60 = arith.constant 0 : i32
      %dma_wait3A_61 = tpu.memref_slice %arg9[%add3A_42, %dma_wait3A_60] : memref<10240x128xf32, #tpu.memory_space<vmem_shared>> -> memref<128x128xf32, #tpu.memory_space<vmem_shared>>
      %dma_wait3A_62 = arith.constant 0 : i32
      %dma_wait3A_63 = arith.constant 0 : i32
      %dma_wait3A_64 = tpu.memref_slice %arg8[%dma_wait3A_62, %dma_wait3A_63] : memref<256x128xf32, #tpu.memory_space<vmem>> -> memref<128x128xf32, #tpu.memory_space<vmem>>
      %dma_wait3A_65 = arith.constant 0 : i32
      %dma_wait3A_66 = tpu.memref_slice %arg9[%add3A_42, %dma_wait3A_65] : memref<10240x128xf32, #tpu.memory_space<vmem_shared>> -> memref<128x128xf32, #tpu.memory_space<vmem_shared>>
      tpu.wait_dma2 semaphore(%run_scoped3A : memref<!tpu.dma_semaphore, #tpu.memory_space<semaphore_mem>>) src(%dma_wait3A_66 : memref<128x128xf32, #tpu.memory_space<vmem_shared>>) dst(%dma_wait3A_64 : memref<128x128xf32, #tpu.memory_space<vmem>>)
      tpu.yield
    }) : () -> ()
    %add3A_43 = arith.constant 384 : i32
    %add3A_44 = arith.addi %mul3A_2, %add3A_43 : i32
    "tpu.region"() ({
      %run_scoped3A = tpu.sem_alloc : memref<!tpu.dma_semaphore, #tpu.memory_space<semaphore_mem>>
      %dma_start3A = arith.constant 0 : i32
      %dma_start3A_49 = arith.constant 0 : i32
      %dma_start3A_50 = tpu.memref_slice %arg8[%dma_start3A, %dma_start3A_49] : memref<256x128xf32, #tpu.memory_space<vmem>> -> memref<128x128xf32, #tpu.memory_space<vmem>>
      %dma_start3A_51 = arith.constant 0 : i32
      %dma_start3A_52 = tpu.memref_slice %arg5[%arg0, %add3A_44, %dma_start3A_51] : memref<2x10240x128xf32, #tpu.memory_space<hbm>> -> memref<1x128x128xf32, #tpu.memory_space<hbm>>
      %dma_start3A_53 = tpu.memref_squeeze %dma_start3A_52 : memref<1x128x128xf32, #tpu.memory_space<hbm>> -> memref<128x128xf32, #tpu.memory_space<hbm>>
      %dma_start3A_54 = arith.constant 0 : i32
      %dma_start3A_55 = tpu.memref_slice %arg5[%arg0, %add3A_44, %dma_start3A_54] : memref<2x10240x128xf32, #tpu.memory_space<hbm>> -> memref<1x128x128xf32, #tpu.memory_space<hbm>>
      %dma_start3A_56 = tpu.memref_squeeze %dma_start3A_55 : memref<1x128x128xf32, #tpu.memory_space<hbm>> -> memref<128x128xf32, #tpu.memory_space<hbm>>
      %dma_start3A_57 = arith.constant 0 : i32
      %dma_start3A_58 = arith.constant 0 : i32
      %dma_start3A_59 = tpu.memref_slice %arg8[%dma_start3A_57, %dma_start3A_58] : memref<256x128xf32, #tpu.memory_space<vmem>> -> memref<128x128xf32, #tpu.memory_space<vmem>>
      tpu.enqueue_dma source(%dma_start3A_59 : memref<128x128xf32, #tpu.memory_space<vmem>>) target(%dma_start3A_56 : memref<128x128xf32, #tpu.memory_space<hbm>>) target_semaphore(%run_scoped3A : memref<!tpu.dma_semaphore, #tpu.memory_space<semaphore_mem>>)
      %dma_wait3A = arith.constant 0 : i32
      %dma_wait3A_60 = arith.constant 0 : i32
      %dma_wait3A_61 = tpu.memref_slice %arg8[%dma_wait3A, %dma_wait3A_60] : memref<256x128xf32, #tpu.memory_space<vmem>> -> memref<128x128xf32, #tpu.memory_space<vmem>>
      %dma_wait3A_62 = arith.constant 0 : i32
      %dma_wait3A_63 = tpu.memref_slice %arg5[%arg0, %add3A_44, %dma_wait3A_62] : memref<2x10240x128xf32, #tpu.memory_space<hbm>> -> memref<1x128x128xf32, #tpu.memory_space<hbm>>
      %dma_wait3A_64 = tpu.memref_squeeze %dma_wait3A_63 : memref<1x128x128xf32, #tpu.memory_space<hbm>> -> memref<128x128xf32, #tpu.memory_space<hbm>>
      %dma_wait3A_65 = arith.constant 0 : i32
      %dma_wait3A_66 = tpu.memref_slice %arg5[%arg0, %add3A_44, %dma_wait3A_65] : memref<2x10240x128xf32, #tpu.memory_space<hbm>> -> memref<1x128x128xf32, #tpu.memory_space<hbm>>
      %dma_wait3A_67 = tpu.memref_squeeze %dma_wait3A_66 : memref<1x128x128xf32, #tpu.memory_space<hbm>> -> memref<128x128xf32, #tpu.memory_space<hbm>>
      %dma_wait3A_68 = arith.constant 0 : i32
      %dma_wait3A_69 = arith.constant 0 : i32
      %dma_wait3A_70 = tpu.memref_slice %arg8[%dma_wait3A_68, %dma_wait3A_69] : memref<256x128xf32, #tpu.memory_space<vmem>> -> memref<128x128xf32, #tpu.memory_space<vmem>>
      tpu.wait_dma2 semaphore(%run_scoped3A : memref<!tpu.dma_semaphore, #tpu.memory_space<semaphore_mem>>) src(%dma_wait3A_70 : memref<128x128xf32, #tpu.memory_space<vmem>>) dst(%dma_wait3A_67 : memref<128x128xf32, #tpu.memory_space<hbm>>)
      tpu.yield
    }) : () -> ()
    %add3A_45 = arith.constant 512 : i32
    %add3A_46 = arith.addi %mul3A_2, %add3A_45 : i32
    "tpu.region"() ({
      %run_scoped3A = tpu.sem_alloc : memref<!tpu.dma_semaphore, #tpu.memory_space<semaphore_mem>>
      %dma_start3A = arith.constant 0 : i32
      %dma_start3A_49 = arith.constant 0 : i32
      %dma_start3A_50 = tpu.memref_slice %arg8[%dma_start3A, %dma_start3A_49] : memref<256x128xf32, #tpu.memory_space<vmem>> -> memref<128x128xf32, #tpu.memory_space<vmem>>
      %dma_start3A_51 = arith.constant 0 : i32
      %dma_start3A_52 = tpu.memref_slice %arg9[%add3A_46, %dma_start3A_51] : memref<10240x128xf32, #tpu.memory_space<vmem_shared>> -> memref<128x128xf32, #tpu.memory_space<vmem_shared>>
      %dma_start3A_53 = arith.constant 0 : i32
      %dma_start3A_54 = arith.constant 0 : i32
      %dma_start3A_55 = tpu.memref_slice %arg8[%dma_start3A_53, %dma_start3A_54] : memref<256x128xf32, #tpu.memory_space<vmem>> -> memref<128x128xf32, #tpu.memory_space<vmem>>
      %dma_start3A_56 = arith.constant 0 : i32
      %dma_start3A_57 = tpu.memref_slice %arg9[%add3A_46, %dma_start3A_56] : memref<10240x128xf32, #tpu.memory_space<vmem_shared>> -> memref<128x128xf32, #tpu.memory_space<vmem_shared>>
      tpu.enqueue_dma source(%dma_start3A_57 : memref<128x128xf32, #tpu.memory_space<vmem_shared>>) target(%dma_start3A_55 : memref<128x128xf32, #tpu.memory_space<vmem>>) target_semaphore(%run_scoped3A : memref<!tpu.dma_semaphore, #tpu.memory_space<semaphore_mem>>)
      %dma_wait3A = arith.constant 0 : i32
      %dma_wait3A_58 = arith.constant 0 : i32
      %dma_wait3A_59 = tpu.memref_slice %arg8[%dma_wait3A, %dma_wait3A_58] : memref<256x128xf32, #tpu.memory_space<vmem>> -> memref<128x128xf32, #tpu.memory_space<vmem>>
      %dma_wait3A_60 = arith.constant 0 : i32
      %dma_wait3A_61 = tpu.memref_slice %arg9[%add3A_46, %dma_wait3A_60] : memref<10240x128xf32, #tpu.memory_space<vmem_shared>> -> memref<128x128xf32, #tpu.memory_space<vmem_shared>>
      %dma_wait3A_62 = arith.constant 0 : i32
      %dma_wait3A_63 = arith.constant 0 : i32
      %dma_wait3A_64 = tpu.memref_slice %arg8[%dma_wait3A_62, %dma_wait3A_63] : memref<256x128xf32, #tpu.memory_space<vmem>> -> memref<128x128xf32, #tpu.memory_space<vmem>>
      %dma_wait3A_65 = arith.constant 0 : i32
      %dma_wait3A_66 = tpu.memref_slice %arg9[%add3A_46, %dma_wait3A_65] : memref<10240x128xf32, #tpu.memory_space<vmem_shared>> -> memref<128x128xf32, #tpu.memory_space<vmem_shared>>
      tpu.wait_dma2 semaphore(%run_scoped3A : memref<!tpu.dma_semaphore, #tpu.memory_space<semaphore_mem>>) src(%dma_wait3A_66 : memref<128x128xf32, #tpu.memory_space<vmem_shared>>) dst(%dma_wait3A_64 : memref<128x128xf32, #tpu.memory_space<vmem>>)
      tpu.yield
    }) : () -> ()
    %add3A_47 = arith.constant 512 : i32
    %add3A_48 = arith.addi %mul3A_2, %add3A_47 : i32
    "tpu.region"() ({
      %run_scoped3A = tpu.sem_alloc : memref<!tpu.dma_semaphore, #tpu.memory_space<semaphore_mem>>
      %dma_start3A = arith.constant 0 : i32
      %dma_start3A_49 = arith.constant 0 : i32
      %dma_start3A_50 = tpu.memref_slice %arg8[%dma_start3A, %dma_start3A_49] : memref<256x128xf32, #tpu.memory_space<vmem>> -> memref<128x128xf32, #tpu.memory_space<vmem>>
      %dma_start3A_51 = arith.constant 0 : i32
      %dma_start3A_52 = tpu.memref_slice %arg5[%arg0, %add3A_48, %dma_start3A_51] : memref<2x10240x128xf32, #tpu.memory_space<hbm>> -> memref<1x128x128xf32, #tpu.memory_space<hbm>>
      %dma_start3A_53 = tpu.memref_squeeze %dma_start3A_52 : memref<1x128x128xf32, #tpu.memory_space<hbm>> -> memref<128x128xf32, #tpu.memory_space<hbm>>
      %dma_start3A_54 = arith.constant 0 : i32
      %dma_start3A_55 = tpu.memref_slice %arg5[%arg0, %add3A_48, %dma_start3A_54] : memref<2x10240x128xf32, #tpu.memory_space<hbm>> -> memref<1x128x128xf32, #tpu.memory_space<hbm>>
      %dma_start3A_56 = tpu.memref_squeeze %dma_start3A_55 : memref<1x128x128xf32, #tpu.memory_space<hbm>> -> memref<128x128xf32, #tpu.memory_space<hbm>>
      %dma_start3A_57 = arith.constant 0 : i32
      %dma_start3A_58 = arith.constant 0 : i32
      %dma_start3A_59 = tpu.memref_slice %arg8[%dma_start3A_57, %dma_start3A_58] : memref<256x128xf32, #tpu.memory_space<vmem>> -> memref<128x128xf32, #tpu.memory_space<vmem>>
      tpu.enqueue_dma source(%dma_start3A_59 : memref<128x128xf32, #tpu.memory_space<vmem>>) target(%dma_start3A_56 : memref<128x128xf32, #tpu.memory_space<hbm>>) target_semaphore(%run_scoped3A : memref<!tpu.dma_semaphore, #tpu.memory_space<semaphore_mem>>)
      %dma_wait3A = arith.constant 0 : i32
      %dma_wait3A_60 = arith.constant 0 : i32
      %dma_wait3A_61 = tpu.memref_slice %arg8[%dma_wait3A, %dma_wait3A_60] : memref<256x128xf32, #tpu.memory_space<vmem>> -> memref<128x128xf32, #tpu.memory_space<vmem>>
      %dma_wait3A_62 = arith.constant 0 : i32
      %dma_wait3A_63 = tpu.memref_slice %arg5[%arg0, %add3A_48, %dma_wait3A_62] : memref<2x10240x128xf32, #tpu.memory_space<hbm>> -> memref<1x128x128xf32, #tpu.memory_space<hbm>>
      %dma_wait3A_64 = tpu.memref_squeeze %dma_wait3A_63 : memref<1x128x128xf32, #tpu.memory_space<hbm>> -> memref<128x128xf32, #tpu.memory_space<hbm>>
      %dma_wait3A_65 = arith.constant 0 : i32
      %dma_wait3A_66 = tpu.memref_slice %arg5[%arg0, %add3A_48, %dma_wait3A_65] : memref<2x10240x128xf32, #tpu.memory_space<hbm>> -> memref<1x128x128xf32, #tpu.memory_space<hbm>>
      %dma_wait3A_67 = tpu.memref_squeeze %dma_wait3A_66 : memref<1x128x128xf32, #tpu.memory_space<hbm>> -> memref<128x128xf32, #tpu.memory_space<hbm>>
      %dma_wait3A_68 = arith.constant 0 : i32
      %dma_wait3A_69 = arith.constant 0 : i32
      %dma_wait3A_70 = tpu.memref_slice %arg8[%dma_wait3A_68, %dma_wait3A_69] : memref<256x128xf32, #tpu.memory_space<vmem>> -> memref<128x128xf32, #tpu.memory_space<vmem>>
      tpu.wait_dma2 semaphore(%run_scoped3A : memref<!tpu.dma_semaphore, #tpu.memory_space<semaphore_mem>>) src(%dma_wait3A_70 : memref<128x128xf32, #tpu.memory_space<vmem>>) dst(%dma_wait3A_67 : memref<128x128xf32, #tpu.memory_space<hbm>>)
      tpu.yield
    }) : () -> ()
    return
  }
}

#map = affine_map<(d0, d1) -> (0, 0)>
#map1 = affine_map<(d0, d1) -> (0, 0, 0, 0)>
#map2 = affine_map<(d0, d1) -> (0, 0, 0)>
module attributes {stable_mosaic.version = 14 : i64} {
  func.func @agg_kernel(%arg0: i32, %arg1: i32, %arg2: memref<10240x128xf32, #tpu.memory_space<hbm>>, %arg3: memref<32x3x27x128xi32, #tpu.memory_space<hbm>>, %arg4: memref<32x3x27x128xi32, #tpu.memory_space<hbm>>, %arg5: memref<2x10240x128xf32, #tpu.memory_space<hbm>>, %arg6: memref<27x128xi32, #tpu.memory_space<vmem>>, %arg7: memref<27x128xi32, #tpu.memory_space<vmem>>, %arg8: memref<256x128xf32, #tpu.memory_space<vmem>>, %arg9: memref<10240x128xf32, #tpu.memory_space<vmem_shared>>, %arg10: memref<2x!tpu.dma_semaphore, #tpu.memory_space<semaphore_mem>>) attributes {dimension_semantics = [#tpu.dimension_semantics<core_parallel>, #tpu.dimension_semantics<subcore_parallel>], iteration_bounds = array<i64: 2, 16>, scalar_prefetch = 0 : i64, scratch_operands = 5 : i64, tpu.core_type = #tpu.core_type<sc_vector_subcore>, window_params = [{transform_indices = #map}, {transform_indices = #map1}, {transform_indices = #map1}, {transform_indices = #map2}]} {
    %mul3A = arith.constant 16 : i32
    %mul3A_0 = arith.muli %arg0, %mul3A : i32
    %add3A = arith.addi %mul3A_0, %arg1 : i32
    %mul3A_1 = arith.constant 640 : i32
    %mul3A_2 = arith.muli %arg1, %mul3A_1 : i32
    %scan3A = arith.constant 0 : i32
    %scan3A_3 = arith.constant 0 : i32
    %scan3A_4 = arith.constant 128 : i32
    %scan3A_5 = arith.addi %scan3A_3, %scan3A_4 : i32
    %scan3A_6 = arith.constant 1 : i32
    %scan3A_7 = scf.for %scan3A_49 = %scan3A_3 to %scan3A_5 step %scan3A_6 iter_args(%scan3A_50 = %scan3A) -> (i32)  : i32 {
      %scan3A_51 = arith.constant 0 : i32
      %scan3A_52 = arith.constant 0 : i32
      %scan3A_53 = arith.constant 8 : i32
      %scan3A_54 = arith.addi %scan3A_52, %scan3A_53 : i32
      %scan3A_55 = arith.constant 1 : i32
      %scan3A_56 = scf.for %scan3A_59 = %scan3A_52 to %scan3A_54 step %scan3A_55 iter_args(%scan3A_60 = %scan3A_51) -> (i32)  : i32 {
        %broadcast_in_dim3A = arith.constant 0.000000e+00 : f32
        %broadcast_in_dim3A_61 = vector.broadcast %broadcast_in_dim3A : f32 to vector<16xf32>
        %mul3A_62 = arith.constant 16 : i32
        %mul3A_63 = arith.muli %scan3A_59, %mul3A_62 : i32
        %swap3A = arith.index_cast %scan3A_49 : i32 to index
        %swap3A_64 = arith.index_cast %mul3A_63 : i32 to index
        %swap3A_65 = tpu.vector_load %arg8[%swap3A, %swap3A_64] {strides = array<i32>} : memref<256x128xf32, #tpu.memory_space<vmem>>, vector<1x16xf32>,
        %swap3A_66 = vector.shape_cast %swap3A_65 : vector<1x16xf32> to vector<16xf32>
        %swap3A_67 = vector.shape_cast %broadcast_in_dim3A_61 : vector<16xf32> to vector<1x16xf32>
        tpu.vector_store %arg8[%swap3A, %swap3A_64], %swap3A_67 {strides = array<i32>} : memref<256x128xf32, #tpu.memory_space<vmem>>, vector<1x16xf32>,
        %scan3A_68 = arith.constant 0 : i32
        scf.yield %scan3A_68 : i32
      }
      %scan3A_57 = arith.constant 8 : i32
      %scan3A_58 = arith.constant 0 : i32
      scf.yield %scan3A_58 : i32
    }
    %scan3A_8 = arith.constant 128 : i32
    %add3A_9 = arith.constant 0 : i32
    %add3A_10 = arith.addi %mul3A_2, %add3A_9 : i32
    "tpu.region"() ({
      %run_scoped3A = tpu.sem_alloc : memref<!tpu.dma_semaphore, #tpu.memory_space<semaphore_mem>>
      %dma_start3A = arith.constant 0 : i32
      %dma_start3A_49 = arith.constant 0 : i32
      %dma_start3A_50 = tpu.memref_slice %arg8[%dma_start3A, %dma_start3A_49] : memref<256x128xf32, #tpu.memory_space<vmem>> -> memref<128x128xf32, #tpu.memory_space<vmem>>
      %dma_start3A_51 = arith.constant 0 : i32
      %dma_start3A_52 = tpu.memref_slice %arg9[%add3A_10, %dma_start3A_51] : memref<10240x128xf32, #tpu.memory_space<vmem_shared>> -> memref<128x128xf32, #tpu.memory_space<vmem_shared>>
      %dma_start3A_53 = arith.constant 0 : i32
      %dma_start3A_54 = tpu.memref_slice %arg9[%add3A_10, %dma_start3A_53] : memref<10240x128xf32, #tpu.memory_space<vmem_shared>> -> memref<128x128xf32, #tpu.memory_space<vmem_shared>>
      %dma_start3A_55 = arith.constant 0 : i32
      %dma_start3A_56 = arith.constant 0 : i32
      %dma_start3A_57 = tpu.memref_slice %arg8[%dma_start3A_55, %dma_start3A_56] : memref<256x128xf32, #tpu.memory_space<vmem>> -> memref<128x128xf32, #tpu.memory_space<vmem>>
      tpu.enqueue_dma source(%dma_start3A_57 : memref<128x128xf32, #tpu.memory_space<vmem>>) target(%dma_start3A_54 : memref<128x128xf32, #tpu.memory_space<vmem_shared>>) target_semaphore(%run_scoped3A : memref<!tpu.dma_semaphore, #tpu.memory_space<semaphore_mem>>)
      %dma_wait3A = arith.constant 0 : i32
      %dma_wait3A_58 = arith.constant 0 : i32
      %dma_wait3A_59 = tpu.memref_slice %arg8[%dma_wait3A, %dma_wait3A_58] : memref<256x128xf32, #tpu.memory_space<vmem>> -> memref<128x128xf32, #tpu.memory_space<vmem>>
      %dma_wait3A_60 = arith.constant 0 : i32
      %dma_wait3A_61 = tpu.memref_slice %arg9[%add3A_10, %dma_wait3A_60] : memref<10240x128xf32, #tpu.memory_space<vmem_shared>> -> memref<128x128xf32, #tpu.memory_space<vmem_shared>>
      %dma_wait3A_62 = arith.constant 0 : i32
      %dma_wait3A_63 = tpu.memref_slice %arg9[%add3A_10, %dma_wait3A_62] : memref<10240x128xf32, #tpu.memory_space<vmem_shared>> -> memref<128x128xf32, #tpu.memory_space<vmem_shared>>
      %dma_wait3A_64 = arith.constant 0 : i32
      %dma_wait3A_65 = arith.constant 0 : i32
      %dma_wait3A_66 = tpu.memref_slice %arg8[%dma_wait3A_64, %dma_wait3A_65] : memref<256x128xf32, #tpu.memory_space<vmem>> -> memref<128x128xf32, #tpu.memory_space<vmem>>
      tpu.wait_dma2 semaphore(%run_scoped3A : memref<!tpu.dma_semaphore, #tpu.memory_space<semaphore_mem>>) src(%dma_wait3A_66 : memref<128x128xf32, #tpu.memory_space<vmem>>) dst(%dma_wait3A_63 : memref<128x128xf32, #tpu.memory_space<vmem_shared>>)
      tpu.yield
    }) : () -> ()
    %add3A_11 = arith.constant 128 : i32
    %add3A_12 = arith.addi %mul3A_2, %add3A_11 : i32
    "tpu.region"() ({
      %run_scoped3A = tpu.sem_alloc : memref<!tpu.dma_semaphore, #tpu.memory_space<semaphore_mem>>
      %dma_start3A = arith.constant 0 : i32
      %dma_start3A_49 = arith.constant 0 : i32
      %dma_start3A_50 = tpu.memref_slice %arg8[%dma_start3A, %dma_start3A_49] : memref<256x128xf32, #tpu.memory_space<vmem>> -> memref<128x128xf32, #tpu.memory_space<vmem>>
      %dma_start3A_51 = arith.constant 0 : i32
      %dma_start3A_52 = tpu.memref_slice %arg9[%add3A_12, %dma_start3A_51] : memref<10240x128xf32, #tpu.memory_space<vmem_shared>> -> memref<128x128xf32, #tpu.memory_space<vmem_shared>>
      %dma_start3A_53 = arith.constant 0 : i32
      %dma_start3A_54 = tpu.memref_slice %arg9[%add3A_12, %dma_start3A_53] : memref<10240x128xf32, #tpu.memory_space<vmem_shared>> -> memref<128x128xf32, #tpu.memory_space<vmem_shared>>
      %dma_start3A_55 = arith.constant 0 : i32
      %dma_start3A_56 = arith.constant 0 : i32
      %dma_start3A_57 = tpu.memref_slice %arg8[%dma_start3A_55, %dma_start3A_56] : memref<256x128xf32, #tpu.memory_space<vmem>> -> memref<128x128xf32, #tpu.memory_space<vmem>>
      tpu.enqueue_dma source(%dma_start3A_57 : memref<128x128xf32, #tpu.memory_space<vmem>>) target(%dma_start3A_54 : memref<128x128xf32, #tpu.memory_space<vmem_shared>>) target_semaphore(%run_scoped3A : memref<!tpu.dma_semaphore, #tpu.memory_space<semaphore_mem>>)
      %dma_wait3A = arith.constant 0 : i32
      %dma_wait3A_58 = arith.constant 0 : i32
      %dma_wait3A_59 = tpu.memref_slice %arg8[%dma_wait3A, %dma_wait3A_58] : memref<256x128xf32, #tpu.memory_space<vmem>> -> memref<128x128xf32, #tpu.memory_space<vmem>>
      %dma_wait3A_60 = arith.constant 0 : i32
      %dma_wait3A_61 = tpu.memref_slice %arg9[%add3A_12, %dma_wait3A_60] : memref<10240x128xf32, #tpu.memory_space<vmem_shared>> -> memref<128x128xf32, #tpu.memory_space<vmem_shared>>
      %dma_wait3A_62 = arith.constant 0 : i32
      %dma_wait3A_63 = tpu.memref_slice %arg9[%add3A_12, %dma_wait3A_62] : memref<10240x128xf32, #tpu.memory_space<vmem_shared>> -> memref<128x128xf32, #tpu.memory_space<vmem_shared>>
      %dma_wait3A_64 = arith.constant 0 : i32
      %dma_wait3A_65 = arith.constant 0 : i32
      %dma_wait3A_66 = tpu.memref_slice %arg8[%dma_wait3A_64, %dma_wait3A_65] : memref<256x128xf32, #tpu.memory_space<vmem>> -> memref<128x128xf32, #tpu.memory_space<vmem>>
      tpu.wait_dma2 semaphore(%run_scoped3A : memref<!tpu.dma_semaphore, #tpu.memory_space<semaphore_mem>>) src(%dma_wait3A_66 : memref<128x128xf32, #tpu.memory_space<vmem>>) dst(%dma_wait3A_63 : memref<128x128xf32, #tpu.memory_space<vmem_shared>>)
      tpu.yield
    }) : () -> ()
    %add3A_13 = arith.constant 256 : i32
    %add3A_14 = arith.addi %mul3A_2, %add3A_13 : i32
    "tpu.region"() ({
      %run_scoped3A = tpu.sem_alloc : memref<!tpu.dma_semaphore, #tpu.memory_space<semaphore_mem>>
      %dma_start3A = arith.constant 0 : i32
      %dma_start3A_49 = arith.constant 0 : i32
      %dma_start3A_50 = tpu.memref_slice %arg8[%dma_start3A, %dma_start3A_49] : memref<256x128xf32, #tpu.memory_space<vmem>> -> memref<128x128xf32, #tpu.memory_space<vmem>>
      %dma_start3A_51 = arith.constant 0 : i32
      %dma_start3A_52 = tpu.memref_slice %arg9[%add3A_14, %dma_start3A_51] : memref<10240x128xf32, #tpu.memory_space<vmem_shared>> -> memref<128x128xf32, #tpu.memory_space<vmem_shared>>
      %dma_start3A_53 = arith.constant 0 : i32
      %dma_start3A_54 = tpu.memref_slice %arg9[%add3A_14, %dma_start3A_53] : memref<10240x128xf32, #tpu.memory_space<vmem_shared>> -> memref<128x128xf32, #tpu.memory_space<vmem_shared>>
      %dma_start3A_55 = arith.constant 0 : i32
      %dma_start3A_56 = arith.constant 0 : i32
      %dma_start3A_57 = tpu.memref_slice %arg8[%dma_start3A_55, %dma_start3A_56] : memref<256x128xf32, #tpu.memory_space<vmem>> -> memref<128x128xf32, #tpu.memory_space<vmem>>
      tpu.enqueue_dma source(%dma_start3A_57 : memref<128x128xf32, #tpu.memory_space<vmem>>) target(%dma_start3A_54 : memref<128x128xf32, #tpu.memory_space<vmem_shared>>) target_semaphore(%run_scoped3A : memref<!tpu.dma_semaphore, #tpu.memory_space<semaphore_mem>>)
      %dma_wait3A = arith.constant 0 : i32
      %dma_wait3A_58 = arith.constant 0 : i32
      %dma_wait3A_59 = tpu.memref_slice %arg8[%dma_wait3A, %dma_wait3A_58] : memref<256x128xf32, #tpu.memory_space<vmem>> -> memref<128x128xf32, #tpu.memory_space<vmem>>
      %dma_wait3A_60 = arith.constant 0 : i32
      %dma_wait3A_61 = tpu.memref_slice %arg9[%add3A_14, %dma_wait3A_60] : memref<10240x128xf32, #tpu.memory_space<vmem_shared>> -> memref<128x128xf32, #tpu.memory_space<vmem_shared>>
      %dma_wait3A_62 = arith.constant 0 : i32
      %dma_wait3A_63 = tpu.memref_slice %arg9[%add3A_14, %dma_wait3A_62] : memref<10240x128xf32, #tpu.memory_space<vmem_shared>> -> memref<128x128xf32, #tpu.memory_space<vmem_shared>>
      %dma_wait3A_64 = arith.constant 0 : i32
      %dma_wait3A_65 = arith.constant 0 : i32
      %dma_wait3A_66 = tpu.memref_slice %arg8[%dma_wait3A_64, %dma_wait3A_65] : memref<256x128xf32, #tpu.memory_space<vmem>> -> memref<128x128xf32, #tpu.memory_space<vmem>>
      tpu.wait_dma2 semaphore(%run_scoped3A : memref<!tpu.dma_semaphore, #tpu.memory_space<semaphore_mem>>) src(%dma_wait3A_66 : memref<128x128xf32, #tpu.memory_space<vmem>>) dst(%dma_wait3A_63 : memref<128x128xf32, #tpu.memory_space<vmem_shared>>)
      tpu.yield
    }) : () -> ()
    %add3A_15 = arith.constant 384 : i32
    %add3A_16 = arith.addi %mul3A_2, %add3A_15 : i32
    "tpu.region"() ({
      %run_scoped3A = tpu.sem_alloc : memref<!tpu.dma_semaphore, #tpu.memory_space<semaphore_mem>>
      %dma_start3A = arith.constant 0 : i32
      %dma_start3A_49 = arith.constant 0 : i32
      %dma_start3A_50 = tpu.memref_slice %arg8[%dma_start3A, %dma_start3A_49] : memref<256x128xf32, #tpu.memory_space<vmem>> -> memref<128x128xf32, #tpu.memory_space<vmem>>
      %dma_start3A_51 = arith.constant 0 : i32
      %dma_start3A_52 = tpu.memref_slice %arg9[%add3A_16, %dma_start3A_51] : memref<10240x128xf32, #tpu.memory_space<vmem_shared>> -> memref<128x128xf32, #tpu.memory_space<vmem_shared>>
      %dma_start3A_53 = arith.constant 0 : i32
      %dma_start3A_54 = tpu.memref_slice %arg9[%add3A_16, %dma_start3A_53] : memref<10240x128xf32, #tpu.memory_space<vmem_shared>> -> memref<128x128xf32, #tpu.memory_space<vmem_shared>>
      %dma_start3A_55 = arith.constant 0 : i32
      %dma_start3A_56 = arith.constant 0 : i32
      %dma_start3A_57 = tpu.memref_slice %arg8[%dma_start3A_55, %dma_start3A_56] : memref<256x128xf32, #tpu.memory_space<vmem>> -> memref<128x128xf32, #tpu.memory_space<vmem>>
      tpu.enqueue_dma source(%dma_start3A_57 : memref<128x128xf32, #tpu.memory_space<vmem>>) target(%dma_start3A_54 : memref<128x128xf32, #tpu.memory_space<vmem_shared>>) target_semaphore(%run_scoped3A : memref<!tpu.dma_semaphore, #tpu.memory_space<semaphore_mem>>)
      %dma_wait3A = arith.constant 0 : i32
      %dma_wait3A_58 = arith.constant 0 : i32
      %dma_wait3A_59 = tpu.memref_slice %arg8[%dma_wait3A, %dma_wait3A_58] : memref<256x128xf32, #tpu.memory_space<vmem>> -> memref<128x128xf32, #tpu.memory_space<vmem>>
      %dma_wait3A_60 = arith.constant 0 : i32
      %dma_wait3A_61 = tpu.memref_slice %arg9[%add3A_16, %dma_wait3A_60] : memref<10240x128xf32, #tpu.memory_space<vmem_shared>> -> memref<128x128xf32, #tpu.memory_space<vmem_shared>>
      %dma_wait3A_62 = arith.constant 0 : i32
      %dma_wait3A_63 = tpu.memref_slice %arg9[%add3A_16, %dma_wait3A_62] : memref<10240x128xf32, #tpu.memory_space<vmem_shared>> -> memref<128x128xf32, #tpu.memory_space<vmem_shared>>
      %dma_wait3A_64 = arith.constant 0 : i32
      %dma_wait3A_65 = arith.constant 0 : i32
      %dma_wait3A_66 = tpu.memref_slice %arg8[%dma_wait3A_64, %dma_wait3A_65] : memref<256x128xf32, #tpu.memory_space<vmem>> -> memref<128x128xf32, #tpu.memory_space<vmem>>
      tpu.wait_dma2 semaphore(%run_scoped3A : memref<!tpu.dma_semaphore, #tpu.memory_space<semaphore_mem>>) src(%dma_wait3A_66 : memref<128x128xf32, #tpu.memory_space<vmem>>) dst(%dma_wait3A_63 : memref<128x128xf32, #tpu.memory_space<vmem_shared>>)
      tpu.yield
    }) : () -> ()
    %add3A_17 = arith.constant 512 : i32
    %add3A_18 = arith.addi %mul3A_2, %add3A_17 : i32
    "tpu.region"() ({
      %run_scoped3A = tpu.sem_alloc : memref<!tpu.dma_semaphore, #tpu.memory_space<semaphore_mem>>
      %dma_start3A = arith.constant 0 : i32
      %dma_start3A_49 = arith.constant 0 : i32
      %dma_start3A_50 = tpu.memref_slice %arg8[%dma_start3A, %dma_start3A_49] : memref<256x128xf32, #tpu.memory_space<vmem>> -> memref<128x128xf32, #tpu.memory_space<vmem>>
      %dma_start3A_51 = arith.constant 0 : i32
      %dma_start3A_52 = tpu.memref_slice %arg9[%add3A_18, %dma_start3A_51] : memref<10240x128xf32, #tpu.memory_space<vmem_shared>> -> memref<128x128xf32, #tpu.memory_space<vmem_shared>>
      %dma_start3A_53 = arith.constant 0 : i32
      %dma_start3A_54 = tpu.memref_slice %arg9[%add3A_18, %dma_start3A_53] : memref<10240x128xf32, #tpu.memory_space<vmem_shared>> -> memref<128x128xf32, #tpu.memory_space<vmem_shared>>
      %dma_start3A_55 = arith.constant 0 : i32
      %dma_start3A_56 = arith.constant 0 : i32
      %dma_start3A_57 = tpu.memref_slice %arg8[%dma_start3A_55, %dma_start3A_56] : memref<256x128xf32, #tpu.memory_space<vmem>> -> memref<128x128xf32, #tpu.memory_space<vmem>>
      tpu.enqueue_dma source(%dma_start3A_57 : memref<128x128xf32, #tpu.memory_space<vmem>>) target(%dma_start3A_54 : memref<128x128xf32, #tpu.memory_space<vmem_shared>>) target_semaphore(%run_scoped3A : memref<!tpu.dma_semaphore, #tpu.memory_space<semaphore_mem>>)
      %dma_wait3A = arith.constant 0 : i32
      %dma_wait3A_58 = arith.constant 0 : i32
      %dma_wait3A_59 = tpu.memref_slice %arg8[%dma_wait3A, %dma_wait3A_58] : memref<256x128xf32, #tpu.memory_space<vmem>> -> memref<128x128xf32, #tpu.memory_space<vmem>>
      %dma_wait3A_60 = arith.constant 0 : i32
      %dma_wait3A_61 = tpu.memref_slice %arg9[%add3A_18, %dma_wait3A_60] : memref<10240x128xf32, #tpu.memory_space<vmem_shared>> -> memref<128x128xf32, #tpu.memory_space<vmem_shared>>
      %dma_wait3A_62 = arith.constant 0 : i32
      %dma_wait3A_63 = tpu.memref_slice %arg9[%add3A_18, %dma_wait3A_62] : memref<10240x128xf32, #tpu.memory_space<vmem_shared>> -> memref<128x128xf32, #tpu.memory_space<vmem_shared>>
      %dma_wait3A_64 = arith.constant 0 : i32
      %dma_wait3A_65 = arith.constant 0 : i32
      %dma_wait3A_66 = tpu.memref_slice %arg8[%dma_wait3A_64, %dma_wait3A_65] : memref<256x128xf32, #tpu.memory_space<vmem>> -> memref<128x128xf32, #tpu.memory_space<vmem>>
      tpu.wait_dma2 semaphore(%run_scoped3A : memref<!tpu.dma_semaphore, #tpu.memory_space<semaphore_mem>>) src(%dma_wait3A_66 : memref<128x128xf32, #tpu.memory_space<vmem>>) dst(%dma_wait3A_63 : memref<128x128xf32, #tpu.memory_space<vmem_shared>>)
      tpu.yield
    }) : () -> ()
    %barrier3A = arith.constant 0 : index
    tpu.barrier barrier_id(%barrier3A)
    %scan3A_19 = arith.constant 0 : i32
    %scan3A_20 = arith.constant 1 : i32
    %scan3A_21 = arith.constant 0 : i32
    %scan3A_22 = arith.constant 0 : i32
    %scan3A_23 = arith.constant 3 : i32
    %scan3A_24 = arith.addi %scan3A_22, %scan3A_23 : i32
    %scan3A_25 = arith.constant 1 : i32
    %scan3A_26 = scf.for %scan3A_49 = %scan3A_22 to %scan3A_24 step %scan3A_25 iter_args(%scan3A_50 = %scan3A_21) -> (i32)  : i32 {
      "tpu.region"() ({
        %run_scoped3A_81 = tpu.sem_alloc : memref<!tpu.dma_semaphore, #tpu.memory_space<semaphore_mem>>
        %dma_start3A_82 = arith.constant 0 : i32
        %dma_start3A_83 = arith.constant 0 : i32
        %dma_start3A_84 = tpu.memref_slice %arg3[%add3A, %scan3A_49, %dma_start3A_82, %dma_start3A_83] : memref<32x3x27x128xi32, #tpu.memory_space<hbm>> -> memref<1x1x27x128xi32, #tpu.memory_space<hbm>>
        %dma_start3A_85 = tpu.memref_squeeze %dma_start3A_84 : memref<1x1x27x128xi32, #tpu.memory_space<hbm>> -> memref<27x128xi32, #tpu.memory_space<hbm>>
        %dma_start3A_86 = arith.constant 0 : i32
        %dma_start3A_87 = arith.constant 0 : i32
        %dma_start3A_88 = tpu.memref_slice %arg3[%add3A, %scan3A_49, %dma_start3A_86, %dma_start3A_87] : memref<32x3x27x128xi32, #tpu.memory_space<hbm>> -> memref<1x1x27x128xi32, #tpu.memory_space<hbm>>
        %dma_start3A_89 = tpu.memref_squeeze %dma_start3A_88 : memref<1x1x27x128xi32, #tpu.memory_space<hbm>> -> memref<27x128xi32, #tpu.memory_space<hbm>>
        tpu.enqueue_dma source(%dma_start3A_89 : memref<27x128xi32, #tpu.memory_space<hbm>>) target(%arg6 : memref<27x128xi32, #tpu.memory_space<vmem>>) target_semaphore(%run_scoped3A_81 : memref<!tpu.dma_semaphore, #tpu.memory_space<semaphore_mem>>)
        %dma_wait3A_90 = arith.constant 0 : i32
        %dma_wait3A_91 = arith.constant 0 : i32
        %dma_wait3A_92 = tpu.memref_slice %arg3[%add3A, %scan3A_49, %dma_wait3A_90, %dma_wait3A_91] : memref<32x3x27x128xi32, #tpu.memory_space<hbm>> -> memref<1x1x27x128xi32, #tpu.memory_space<hbm>>
        %dma_wait3A_93 = tpu.memref_squeeze %dma_wait3A_92 : memref<1x1x27x128xi32, #tpu.memory_space<hbm>> -> memref<27x128xi32, #tpu.memory_space<hbm>>
        %dma_wait3A_94 = arith.constant 0 : i32
        %dma_wait3A_95 = arith.constant 0 : i32
        %dma_wait3A_96 = tpu.memref_slice %arg3[%add3A, %scan3A_49, %dma_wait3A_94, %dma_wait3A_95] : memref<32x3x27x128xi32, #tpu.memory_space<hbm>> -> memref<1x1x27x128xi32, #tpu.memory_space<hbm>>
        %dma_wait3A_97 = tpu.memref_squeeze %dma_wait3A_96 : memref<1x1x27x128xi32, #tpu.memory_space<hbm>> -> memref<27x128xi32, #tpu.memory_space<hbm>>
        tpu.wait_dma2 semaphore(%run_scoped3A_81 : memref<!tpu.dma_semaphore, #tpu.memory_space<semaphore_mem>>) src(%dma_wait3A_97 : memref<27x128xi32, #tpu.memory_space<hbm>>) dst(%arg6 : memref<27x128xi32, #tpu.memory_space<vmem>>)
        tpu.yield
      }) : () -> ()
      "tpu.region"() ({
        %run_scoped3A_81 = tpu.sem_alloc : memref<!tpu.dma_semaphore, #tpu.memory_space<semaphore_mem>>
        %dma_start3A_82 = arith.constant 0 : i32
        %dma_start3A_83 = arith.constant 0 : i32
        %dma_start3A_84 = tpu.memref_slice %arg4[%add3A, %scan3A_49, %dma_start3A_82, %dma_start3A_83] : memref<32x3x27x128xi32, #tpu.memory_space<hbm>> -> memref<1x1x27x128xi32, #tpu.memory_space<hbm>>
        %dma_start3A_85 = tpu.memref_squeeze %dma_start3A_84 : memref<1x1x27x128xi32, #tpu.memory_space<hbm>> -> memref<27x128xi32, #tpu.memory_space<hbm>>
        %dma_start3A_86 = arith.constant 0 : i32
        %dma_start3A_87 = arith.constant 0 : i32
        %dma_start3A_88 = tpu.memref_slice %arg4[%add3A, %scan3A_49, %dma_start3A_86, %dma_start3A_87] : memref<32x3x27x128xi32, #tpu.memory_space<hbm>> -> memref<1x1x27x128xi32, #tpu.memory_space<hbm>>
        %dma_start3A_89 = tpu.memref_squeeze %dma_start3A_88 : memref<1x1x27x128xi32, #tpu.memory_space<hbm>> -> memref<27x128xi32, #tpu.memory_space<hbm>>
        tpu.enqueue_dma source(%dma_start3A_89 : memref<27x128xi32, #tpu.memory_space<hbm>>) target(%arg7 : memref<27x128xi32, #tpu.memory_space<vmem>>) target_semaphore(%run_scoped3A_81 : memref<!tpu.dma_semaphore, #tpu.memory_space<semaphore_mem>>)
        %dma_wait3A_90 = arith.constant 0 : i32
        %dma_wait3A_91 = arith.constant 0 : i32
        %dma_wait3A_92 = tpu.memref_slice %arg4[%add3A, %scan3A_49, %dma_wait3A_90, %dma_wait3A_91] : memref<32x3x27x128xi32, #tpu.memory_space<hbm>> -> memref<1x1x27x128xi32, #tpu.memory_space<hbm>>
        %dma_wait3A_93 = tpu.memref_squeeze %dma_wait3A_92 : memref<1x1x27x128xi32, #tpu.memory_space<hbm>> -> memref<27x128xi32, #tpu.memory_space<hbm>>
        %dma_wait3A_94 = arith.constant 0 : i32
        %dma_wait3A_95 = arith.constant 0 : i32
        %dma_wait3A_96 = tpu.memref_slice %arg4[%add3A, %scan3A_49, %dma_wait3A_94, %dma_wait3A_95] : memref<32x3x27x128xi32, #tpu.memory_space<hbm>> -> memref<1x1x27x128xi32, #tpu.memory_space<hbm>>
        %dma_wait3A_97 = tpu.memref_squeeze %dma_wait3A_96 : memref<1x1x27x128xi32, #tpu.memory_space<hbm>> -> memref<27x128xi32, #tpu.memory_space<hbm>>
        tpu.wait_dma2 semaphore(%run_scoped3A_81 : memref<!tpu.dma_semaphore, #tpu.memory_space<semaphore_mem>>) src(%dma_wait3A_97 : memref<27x128xi32, #tpu.memory_space<hbm>>) dst(%arg7 : memref<27x128xi32, #tpu.memory_space<vmem>>)
        tpu.yield
      }) : () -> ()
      %dma_start3A = arith.constant 0 : i32
      %dma_start3A_51 = arith.constant 0 : i32
      %dma_start3A_52 = arith.constant 0 : i32
      %dma_start3A_53 = tpu.memref_slice %arg8[%dma_start3A_51, %dma_start3A_52] : memref<256x128xf32, #tpu.memory_space<vmem>> -> memref<128x128xf32, #tpu.memory_space<vmem>>
      %dma_start3A_54 = arith.constant 0 : i32
      %dma_start3A_55 = tpu.memref_slice %arg6[%dma_start3A, %dma_start3A_54] : memref<27x128xi32, #tpu.memory_space<vmem>> -> memref<1x128xi32, #tpu.memory_space<vmem>>
      %dma_start3A_56 = tpu.memref_squeeze %dma_start3A_55 : memref<1x128xi32, #tpu.memory_space<vmem>> -> memref<128xi32, #tpu.memory_space<vmem>>
      %dma_start3A_57 = arith.constant 0 : i32
      %dma_start3A_58 = arith.constant 0 : i32
      %dma_start3A_59 = tpu.memref_slice %arg2[%dma_start3A_57, %dma_start3A_58] : memref<10240x128xf32, #tpu.memory_space<hbm>> -> memref<10240x128xf32, #tpu.memory_space<hbm>>
      %dma_start3A_60 = tpu.memref_slice %arg10[%scan3A_19] : memref<2x!tpu.dma_semaphore, #tpu.memory_space<semaphore_mem>> -> memref<1x!tpu.dma_semaphore, #tpu.memory_space<semaphore_mem>>
      %dma_start3A_61 = tpu.memref_squeeze %dma_start3A_60 : memref<1x!tpu.dma_semaphore, #tpu.memory_space<semaphore_mem>> -> memref<!tpu.dma_semaphore, #tpu.memory_space<semaphore_mem>>
      tpu.enqueue_indirect_dma source(%dma_start3A_59 : memref<10240x128xf32, #tpu.memory_space<hbm>>) target(%dma_start3A_53 : memref<128x128xf32, #tpu.memory_space<vmem>>) offsets(%dma_start3A_56 : memref<128xi32, #tpu.memory_space<vmem>>) semaphore(%dma_start3A_61 : memref<!tpu.dma_semaphore, #tpu.memory_space<semaphore_mem>>)
      %scan3A_62 = arith.constant 0 : i32
      %scan3A_63 = arith.constant 0 : i32
      %scan3A_64 = arith.constant 13 : i32
      %scan3A_65 = arith.addi %scan3A_63, %scan3A_64 : i32
      %scan3A_66 = arith.constant 1 : i32
      %scan3A_67 = scf.for %scan3A_81 = %scan3A_63 to %scan3A_65 step %scan3A_66 iter_args(%scan3A_82 = %scan3A_62) -> (i32)  : i32 {
        %mul3A_83 = arith.constant 2 : i32
        %mul3A_84 = arith.muli %mul3A_83, %scan3A_81 : i32
        %add3A_85 = arith.constant 1 : i32
        %add3A_86 = arith.addi %mul3A_84, %add3A_85 : i32
        %dma_start3A_87 = arith.constant 128 : i32
        %dma_start3A_88 = arith.constant 0 : i32
        %dma_start3A_89 = tpu.memref_slice %arg8[%dma_start3A_87, %dma_start3A_88] : memref<256x128xf32, #tpu.memory_space<vmem>> -> memref<128x128xf32, #tpu.memory_space<vmem>>
        %dma_start3A_90 = arith.constant 0 : i32
        %dma_start3A_91 = tpu.memref_slice %arg6[%add3A_86, %dma_start3A_90] : memref<27x128xi32, #tpu.memory_space<vmem>> -> memref<1x128xi32, #tpu.memory_space<vmem>>
        %dma_start3A_92 = tpu.memref_squeeze %dma_start3A_91 : memref<1x128xi32, #tpu.memory_space<vmem>> -> memref<128xi32, #tpu.memory_space<vmem>>
        %dma_start3A_93 = arith.constant 0 : i32
        %dma_start3A_94 = arith.constant 0 : i32
        %dma_start3A_95 = tpu.memref_slice %arg2[%dma_start3A_93, %dma_start3A_94] : memref<10240x128xf32, #tpu.memory_space<hbm>> -> memref<10240x128xf32, #tpu.memory_space<hbm>>
        %dma_start3A_96 = tpu.memref_slice %arg10[%scan3A_20] : memref<2x!tpu.dma_semaphore, #tpu.memory_space<semaphore_mem>> -> memref<1x!tpu.dma_semaphore, #tpu.memory_space<semaphore_mem>>
        %dma_start3A_97 = tpu.memref_squeeze %dma_start3A_96 : memref<1x!tpu.dma_semaphore, #tpu.memory_space<semaphore_mem>> -> memref<!tpu.dma_semaphore, #tpu.memory_space<semaphore_mem>>
        tpu.enqueue_indirect_dma source(%dma_start3A_95 : memref<10240x128xf32, #tpu.memory_space<hbm>>) target(%dma_start3A_89 : memref<128x128xf32, #tpu.memory_space<vmem>>) offsets(%dma_start3A_92 : memref<128xi32, #tpu.memory_space<vmem>>) semaphore(%dma_start3A_97 : memref<!tpu.dma_semaphore, #tpu.memory_space<semaphore_mem>>)
        %dma_wait3A_98 = arith.constant 0 : i32
        %dma_wait3A_99 = arith.constant 0 : i32
        %dma_wait3A_100 = tpu.memref_slice %arg8[%dma_wait3A_98, %dma_wait3A_99] : memref<256x128xf32, #tpu.memory_space<vmem>> -> memref<128x128xf32, #tpu.memory_space<vmem>>
        %dma_wait3A_101 = arith.constant 0 : i32
        %dma_wait3A_102 = tpu.memref_slice %arg6[%mul3A_84, %dma_wait3A_101] : memref<27x128xi32, #tpu.memory_space<vmem>> -> memref<1x128xi32, #tpu.memory_space<vmem>>
        %dma_wait3A_103 = tpu.memref_squeeze %dma_wait3A_102 : memref<1x128xi32, #tpu.memory_space<vmem>> -> memref<128xi32, #tpu.memory_space<vmem>>
        %dma_wait3A_104 = arith.constant 0 : i32
        %dma_wait3A_105 = arith.constant 0 : i32
        %dma_wait3A_106 = tpu.memref_slice %arg2[%dma_wait3A_104, %dma_wait3A_105] : memref<10240x128xf32, #tpu.memory_space<hbm>> -> memref<10240x128xf32, #tpu.memory_space<hbm>>
        %dma_wait3A_107 = tpu.memref_slice %arg10[%scan3A_19] : memref<2x!tpu.dma_semaphore, #tpu.memory_space<semaphore_mem>> -> memref<1x!tpu.dma_semaphore, #tpu.memory_space<semaphore_mem>>
        %dma_wait3A_108 = tpu.memref_squeeze %dma_wait3A_107 : memref<1x!tpu.dma_semaphore, #tpu.memory_space<semaphore_mem>> -> memref<!tpu.dma_semaphore, #tpu.memory_space<semaphore_mem>>
        tpu.wait_indirect_dma semaphore(%dma_wait3A_108 : memref<!tpu.dma_semaphore, #tpu.memory_space<semaphore_mem>>) src(%dma_wait3A_106 : memref<10240x128xf32, #tpu.memory_space<hbm>>) dst(%dma_wait3A_100 : memref<128x128xf32, #tpu.memory_space<vmem>>)
        "tpu.region"() ({
          %run_scoped3A_136 = tpu.sem_alloc : memref<!tpu.dma_semaphore, #tpu.memory_space<semaphore_mem>>
          %dma_start3A_137 = arith.constant 0 : i32
          %dma_start3A_138 = arith.constant 0 : i32
          %dma_start3A_139 = tpu.memref_slice %arg8[%dma_start3A_137, %dma_start3A_138] : memref<256x128xf32, #tpu.memory_space<vmem>> -> memref<128x128xf32, #tpu.memory_space<vmem>>
          %dma_start3A_140 = arith.constant 0 : i32
          %dma_start3A_141 = tpu.memref_slice %arg7[%mul3A_84, %dma_start3A_140] : memref<27x128xi32, #tpu.memory_space<vmem>> -> memref<1x128xi32, #tpu.memory_space<vmem>>
          %dma_start3A_142 = tpu.memref_squeeze %dma_start3A_141 : memref<1x128xi32, #tpu.memory_space<vmem>> -> memref<128xi32, #tpu.memory_space<vmem>>
          %dma_start3A_143 = arith.constant 0 : i32
          %dma_start3A_144 = arith.constant 0 : i32
          %dma_start3A_145 = tpu.memref_slice %arg9[%dma_start3A_143, %dma_start3A_144] : memref<10240x128xf32, #tpu.memory_space<vmem_shared>> -> memref<10240x128xf32, #tpu.memory_space<vmem_shared>>
          tpu.enqueue_indirect_dma source(%dma_start3A_139 : memref<128x128xf32, #tpu.memory_space<vmem>>) target(%dma_start3A_145 : memref<10240x128xf32, #tpu.memory_space<vmem_shared>>) offsets(%dma_start3A_142 : memref<128xi32, #tpu.memory_space<vmem>>) semaphore(%run_scoped3A_136 : memref<!tpu.dma_semaphore, #tpu.memory_space<semaphore_mem>>) {add = true}
          %dma_wait3A_146 = arith.constant 0 : i32
          %dma_wait3A_147 = arith.constant 0 : i32
          %dma_wait3A_148 = tpu.memref_slice %arg8[%dma_wait3A_146, %dma_wait3A_147] : memref<256x128xf32, #tpu.memory_space<vmem>> -> memref<128x128xf32, #tpu.memory_space<vmem>>
          %dma_wait3A_149 = arith.constant 0 : i32
          %dma_wait3A_150 = tpu.memref_slice %arg7[%mul3A_84, %dma_wait3A_149] : memref<27x128xi32, #tpu.memory_space<vmem>> -> memref<1x128xi32, #tpu.memory_space<vmem>>
          %dma_wait3A_151 = tpu.memref_squeeze %dma_wait3A_150 : memref<1x128xi32, #tpu.memory_space<vmem>> -> memref<128xi32, #tpu.memory_space<vmem>>
          %dma_wait3A_152 = arith.constant 0 : i32
          %dma_wait3A_153 = arith.constant 0 : i32
          %dma_wait3A_154 = tpu.memref_slice %arg9[%dma_wait3A_152, %dma_wait3A_153] : memref<10240x128xf32, #tpu.memory_space<vmem_shared>> -> memref<10240x128xf32, #tpu.memory_space<vmem_shared>>
          tpu.wait_indirect_dma semaphore(%run_scoped3A_136 : memref<!tpu.dma_semaphore, #tpu.memory_space<semaphore_mem>>) src(%dma_wait3A_148 : memref<128x128xf32, #tpu.memory_space<vmem>>) dst(%dma_wait3A_154 : memref<10240x128xf32, #tpu.memory_space<vmem_shared>>)
          tpu.yield
        }) : () -> ()
        %add3A_109 = arith.constant 2 : i32
        %add3A_110 = arith.addi %mul3A_84, %add3A_109 : i32
        %dma_start3A_111 = arith.constant 0 : i32
        %dma_start3A_112 = arith.constant 0 : i32
        %dma_start3A_113 = tpu.memref_slice %arg8[%dma_start3A_111, %dma_start3A_112] : memref<256x128xf32, #tpu.memory_space<vmem>> -> memref<128x128xf32, #tpu.memory_space<vmem>>
        %dma_start3A_114 = arith.constant 0 : i32
        %dma_start3A_115 = tpu.memref_slice %arg6[%add3A_110, %dma_start3A_114] : memref<27x128xi32, #tpu.memory_space<vmem>> -> memref<1x128xi32, #tpu.memory_space<vmem>>
        %dma_start3A_116 = tpu.memref_squeeze %dma_start3A_115 : memref<1x128xi32, #tpu.memory_space<vmem>> -> memref<128xi32, #tpu.memory_space<vmem>>
        %dma_start3A_117 = arith.constant 0 : i32
        %dma_start3A_118 = arith.constant 0 : i32
        %dma_start3A_119 = tpu.memref_slice %arg2[%dma_start3A_117, %dma_start3A_118] : memref<10240x128xf32, #tpu.memory_space<hbm>> -> memref<10240x128xf32, #tpu.memory_space<hbm>>
        %dma_start3A_120 = tpu.memref_slice %arg10[%scan3A_19] : memref<2x!tpu.dma_semaphore, #tpu.memory_space<semaphore_mem>> -> memref<1x!tpu.dma_semaphore, #tpu.memory_space<semaphore_mem>>
        %dma_start3A_121 = tpu.memref_squeeze %dma_start3A_120 : memref<1x!tpu.dma_semaphore, #tpu.memory_space<semaphore_mem>> -> memref<!tpu.dma_semaphore, #tpu.memory_space<semaphore_mem>>
        tpu.enqueue_indirect_dma source(%dma_start3A_119 : memref<10240x128xf32, #tpu.memory_space<hbm>>) target(%dma_start3A_113 : memref<128x128xf32, #tpu.memory_space<vmem>>) offsets(%dma_start3A_116 : memref<128xi32, #tpu.memory_space<vmem>>) semaphore(%dma_start3A_121 : memref<!tpu.dma_semaphore, #tpu.memory_space<semaphore_mem>>)
        %dma_wait3A_122 = arith.constant 128 : i32
        %dma_wait3A_123 = arith.constant 0 : i32
        %dma_wait3A_124 = tpu.memref_slice %arg8[%dma_wait3A_122, %dma_wait3A_123] : memref<256x128xf32, #tpu.memory_space<vmem>> -> memref<128x128xf32, #tpu.memory_space<vmem>>
        %dma_wait3A_125 = arith.constant 0 : i32
        %dma_wait3A_126 = tpu.memref_slice %arg6[%add3A_86, %dma_wait3A_125] : memref<27x128xi32, #tpu.memory_space<vmem>> -> memref<1x128xi32, #tpu.memory_space<vmem>>
        %dma_wait3A_127 = tpu.memref_squeeze %dma_wait3A_126 : memref<1x128xi32, #tpu.memory_space<vmem>> -> memref<128xi32, #tpu.memory_space<vmem>>
        %dma_wait3A_128 = arith.constant 0 : i32
        %dma_wait3A_129 = arith.constant 0 : i32
        %dma_wait3A_130 = tpu.memref_slice %arg2[%dma_wait3A_128, %dma_wait3A_129] : memref<10240x128xf32, #tpu.memory_space<hbm>> -> memref<10240x128xf32, #tpu.memory_space<hbm>>
        %dma_wait3A_131 = tpu.memref_slice %arg10[%scan3A_20] : memref<2x!tpu.dma_semaphore, #tpu.memory_space<semaphore_mem>> -> memref<1x!tpu.dma_semaphore, #tpu.memory_space<semaphore_mem>>
        %dma_wait3A_132 = tpu.memref_squeeze %dma_wait3A_131 : memref<1x!tpu.dma_semaphore, #tpu.memory_space<semaphore_mem>> -> memref<!tpu.dma_semaphore, #tpu.memory_space<semaphore_mem>>
        tpu.wait_indirect_dma semaphore(%dma_wait3A_132 : memref<!tpu.dma_semaphore, #tpu.memory_space<semaphore_mem>>) src(%dma_wait3A_130 : memref<10240x128xf32, #tpu.memory_space<hbm>>) dst(%dma_wait3A_124 : memref<128x128xf32, #tpu.memory_space<vmem>>)
        %add3A_133 = arith.constant 1 : i32
        %add3A_134 = arith.addi %mul3A_84, %add3A_133 : i32
        "tpu.region"() ({
          %run_scoped3A_136 = tpu.sem_alloc : memref<!tpu.dma_semaphore, #tpu.memory_space<semaphore_mem>>
          %dma_start3A_137 = arith.constant 128 : i32
          %dma_start3A_138 = arith.constant 0 : i32
          %dma_start3A_139 = tpu.memref_slice %arg8[%dma_start3A_137, %dma_start3A_138] : memref<256x128xf32, #tpu.memory_space<vmem>> -> memref<128x128xf32, #tpu.memory_space<vmem>>
          %dma_start3A_140 = arith.constant 0 : i32
          %dma_start3A_141 = tpu.memref_slice %arg7[%add3A_134, %dma_start3A_140] : memref<27x128xi32, #tpu.memory_space<vmem>> -> memref<1x128xi32, #tpu.memory_space<vmem>>
          %dma_start3A_142 = tpu.memref_squeeze %dma_start3A_141 : memref<1x128xi32, #tpu.memory_space<vmem>> -> memref<128xi32, #tpu.memory_space<vmem>>
          %dma_start3A_143 = arith.constant 0 : i32
          %dma_start3A_144 = arith.constant 0 : i32
          %dma_start3A_145 = tpu.memref_slice %arg9[%dma_start3A_143, %dma_start3A_144] : memref<10240x128xf32, #tpu.memory_space<vmem_shared>> -> memref<10240x128xf32, #tpu.memory_space<vmem_shared>>
          tpu.enqueue_indirect_dma source(%dma_start3A_139 : memref<128x128xf32, #tpu.memory_space<vmem>>) target(%dma_start3A_145 : memref<10240x128xf32, #tpu.memory_space<vmem_shared>>) offsets(%dma_start3A_142 : memref<128xi32, #tpu.memory_space<vmem>>) semaphore(%run_scoped3A_136 : memref<!tpu.dma_semaphore, #tpu.memory_space<semaphore_mem>>) {add = true}
          %dma_wait3A_146 = arith.constant 128 : i32
          %dma_wait3A_147 = arith.constant 0 : i32
          %dma_wait3A_148 = tpu.memref_slice %arg8[%dma_wait3A_146, %dma_wait3A_147] : memref<256x128xf32, #tpu.memory_space<vmem>> -> memref<128x128xf32, #tpu.memory_space<vmem>>
          %dma_wait3A_149 = arith.constant 0 : i32
          %dma_wait3A_150 = tpu.memref_slice %arg7[%add3A_134, %dma_wait3A_149] : memref<27x128xi32, #tpu.memory_space<vmem>> -> memref<1x128xi32, #tpu.memory_space<vmem>>
          %dma_wait3A_151 = tpu.memref_squeeze %dma_wait3A_150 : memref<1x128xi32, #tpu.memory_space<vmem>> -> memref<128xi32, #tpu.memory_space<vmem>>
          %dma_wait3A_152 = arith.constant 0 : i32
          %dma_wait3A_153 = arith.constant 0 : i32
          %dma_wait3A_154 = tpu.memref_slice %arg9[%dma_wait3A_152, %dma_wait3A_153] : memref<10240x128xf32, #tpu.memory_space<vmem_shared>> -> memref<10240x128xf32, #tpu.memory_space<vmem_shared>>
          tpu.wait_indirect_dma semaphore(%run_scoped3A_136 : memref<!tpu.dma_semaphore, #tpu.memory_space<semaphore_mem>>) src(%dma_wait3A_148 : memref<128x128xf32, #tpu.memory_space<vmem>>) dst(%dma_wait3A_154 : memref<10240x128xf32, #tpu.memory_space<vmem_shared>>)
          tpu.yield
        }) : () -> ()
        %scan3A_135 = arith.constant 0 : i32
        scf.yield %scan3A_135 : i32
      }
      %scan3A_68 = arith.constant 13 : i32
      %dma_wait3A = arith.constant 26 : i32
      %dma_wait3A_69 = arith.constant 0 : i32
      %dma_wait3A_70 = arith.constant 0 : i32
      %dma_wait3A_71 = tpu.memref_slice %arg8[%dma_wait3A_69, %dma_wait3A_70] : memref<256x128xf32, #tpu.memory_space<vmem>> -> memref<128x128xf32, #tpu.memory_space<vmem>>
      %dma_wait3A_72 = arith.constant 0 : i32
      %dma_wait3A_73 = tpu.memref_slice %arg6[%dma_wait3A, %dma_wait3A_72] : memref<27x128xi32, #tpu.memory_space<vmem>> -> memref<1x128xi32, #tpu.memory_space<vmem>>
      %dma_wait3A_74 = tpu.memref_squeeze %dma_wait3A_73 : memref<1x128xi32, #tpu.memory_space<vmem>> -> memref<128xi32, #tpu.memory_space<vmem>>
      %dma_wait3A_75 = arith.constant 0 : i32
      %dma_wait3A_76 = arith.constant 0 : i32
      %dma_wait3A_77 = tpu.memref_slice %arg2[%dma_wait3A_75, %dma_wait3A_76] : memref<10240x128xf32, #tpu.memory_space<hbm>> -> memref<10240x128xf32, #tpu.memory_space<hbm>>
      %dma_wait3A_78 = tpu.memref_slice %arg10[%scan3A_19] : memref<2x!tpu.dma_semaphore, #tpu.memory_space<semaphore_mem>> -> memref<1x!tpu.dma_semaphore, #tpu.memory_space<semaphore_mem>>
      %dma_wait3A_79 = tpu.memref_squeeze %dma_wait3A_78 : memref<1x!tpu.dma_semaphore, #tpu.memory_space<semaphore_mem>> -> memref<!tpu.dma_semaphore, #tpu.memory_space<semaphore_mem>>
      tpu.wait_indirect_dma semaphore(%dma_wait3A_79 : memref<!tpu.dma_semaphore, #tpu.memory_space<semaphore_mem>>) src(%dma_wait3A_77 : memref<10240x128xf32, #tpu.memory_space<hbm>>) dst(%dma_wait3A_71 : memref<128x128xf32, #tpu.memory_space<vmem>>)
      %run_scoped3A = arith.constant 26 : i32
      "tpu.region"() ({
        %run_scoped3A_81 = tpu.sem_alloc : memref<!tpu.dma_semaphore, #tpu.memory_space<semaphore_mem>>
        %dma_start3A_82 = arith.constant 0 : i32
        %dma_start3A_83 = arith.constant 0 : i32
        %dma_start3A_84 = tpu.memref_slice %arg8[%dma_start3A_82, %dma_start3A_83] : memref<256x128xf32, #tpu.memory_space<vmem>> -> memref<128x128xf32, #tpu.memory_space<vmem>>
        %dma_start3A_85 = arith.constant 0 : i32
        %dma_start3A_86 = tpu.memref_slice %arg7[%run_scoped3A, %dma_start3A_85] : memref<27x128xi32, #tpu.memory_space<vmem>> -> memref<1x128xi32, #tpu.memory_space<vmem>>
        %dma_start3A_87 = tpu.memref_squeeze %dma_start3A_86 : memref<1x128xi32, #tpu.memory_space<vmem>> -> memref<128xi32, #tpu.memory_space<vmem>>
        %dma_start3A_88 = arith.constant 0 : i32
        %dma_start3A_89 = arith.constant 0 : i32
        %dma_start3A_90 = tpu.memref_slice %arg9[%dma_start3A_88, %dma_start3A_89] : memref<10240x128xf32, #tpu.memory_space<vmem_shared>> -> memref<10240x128xf32, #tpu.memory_space<vmem_shared>>
        tpu.enqueue_indirect_dma source(%dma_start3A_84 : memref<128x128xf32, #tpu.memory_space<vmem>>) target(%dma_start3A_90 : memref<10240x128xf32, #tpu.memory_space<vmem_shared>>) offsets(%dma_start3A_87 : memref<128xi32, #tpu.memory_space<vmem>>) semaphore(%run_scoped3A_81 : memref<!tpu.dma_semaphore, #tpu.memory_space<semaphore_mem>>) {add = true}
        %dma_wait3A_91 = arith.constant 0 : i32
        %dma_wait3A_92 = arith.constant 0 : i32
        %dma_wait3A_93 = tpu.memref_slice %arg8[%dma_wait3A_91, %dma_wait3A_92] : memref<256x128xf32, #tpu.memory_space<vmem>> -> memref<128x128xf32, #tpu.memory_space<vmem>>
        %dma_wait3A_94 = arith.constant 0 : i32
        %dma_wait3A_95 = tpu.memref_slice %arg7[%run_scoped3A, %dma_wait3A_94] : memref<27x128xi32, #tpu.memory_space<vmem>> -> memref<1x128xi32, #tpu.memory_space<vmem>>
        %dma_wait3A_96 = tpu.memref_squeeze %dma_wait3A_95 : memref<1x128xi32, #tpu.memory_space<vmem>> -> memref<128xi32, #tpu.memory_space<vmem>>
        %dma_wait3A_97 = arith.constant 0 : i32
        %dma_wait3A_98 = arith.constant 0 : i32
        %dma_wait3A_99 = tpu.memref_slice %arg9[%dma_wait3A_97, %dma_wait3A_98] : memref<10240x128xf32, #tpu.memory_space<vmem_shared>> -> memref<10240x128xf32, #tpu.memory_space<vmem_shared>>
        tpu.wait_indirect_dma semaphore(%run_scoped3A_81 : memref<!tpu.dma_semaphore, #tpu.memory_space<semaphore_mem>>) src(%dma_wait3A_93 : memref<128x128xf32, #tpu.memory_space<vmem>>) dst(%dma_wait3A_99 : memref<10240x128xf32, #tpu.memory_space<vmem_shared>>)
        tpu.yield
      }) : () -> ()
      %scan3A_80 = arith.constant 0 : i32
      scf.yield %scan3A_80 : i32
    }
    %scan3A_27 = arith.constant 3 : i32
    %barrier3A_28 = arith.constant 0 : index
    tpu.barrier barrier_id(%barrier3A_28)
    %add3A_29 = arith.constant 0 : i32
    %add3A_30 = arith.addi %mul3A_2, %add3A_29 : i32
    "tpu.region"() ({
      %run_scoped3A = tpu.sem_alloc : memref<!tpu.dma_semaphore, #tpu.memory_space<semaphore_mem>>
      %dma_start3A = arith.constant 0 : i32
      %dma_start3A_49 = arith.constant 0 : i32
      %dma_start3A_50 = tpu.memref_slice %arg8[%dma_start3A, %dma_start3A_49] : memref<256x128xf32, #tpu.memory_space<vmem>> -> memref<128x128xf32, #tpu.memory_space<vmem>>
      %dma_start3A_51 = arith.constant 0 : i32
      %dma_start3A_52 = tpu.memref_slice %arg9[%add3A_30, %dma_start3A_51] : memref<10240x128xf32, #tpu.memory_space<vmem_shared>> -> memref<128x128xf32, #tpu.memory_space<vmem_shared>>
      %dma_start3A_53 = arith.constant 0 : i32
      %dma_start3A_54 = arith.constant 0 : i32
      %dma_start3A_55 = tpu.memref_slice %arg8[%dma_start3A_53, %dma_start3A_54] : memref<256x128xf32, #tpu.memory_space<vmem>> -> memref<128x128xf32, #tpu.memory_space<vmem>>
      %dma_start3A_56 = arith.constant 0 : i32
      %dma_start3A_57 = tpu.memref_slice %arg9[%add3A_30, %dma_start3A_56] : memref<10240x128xf32, #tpu.memory_space<vmem_shared>> -> memref<128x128xf32, #tpu.memory_space<vmem_shared>>
      tpu.enqueue_dma source(%dma_start3A_57 : memref<128x128xf32, #tpu.memory_space<vmem_shared>>) target(%dma_start3A_55 : memref<128x128xf32, #tpu.memory_space<vmem>>) target_semaphore(%run_scoped3A : memref<!tpu.dma_semaphore, #tpu.memory_space<semaphore_mem>>)
      %dma_wait3A = arith.constant 0 : i32
      %dma_wait3A_58 = arith.constant 0 : i32
      %dma_wait3A_59 = tpu.memref_slice %arg8[%dma_wait3A, %dma_wait3A_58] : memref<256x128xf32, #tpu.memory_space<vmem>> -> memref<128x128xf32, #tpu.memory_space<vmem>>
      %dma_wait3A_60 = arith.constant 0 : i32
      %dma_wait3A_61 = tpu.memref_slice %arg9[%add3A_30, %dma_wait3A_60] : memref<10240x128xf32, #tpu.memory_space<vmem_shared>> -> memref<128x128xf32, #tpu.memory_space<vmem_shared>>
      %dma_wait3A_62 = arith.constant 0 : i32
      %dma_wait3A_63 = arith.constant 0 : i32
      %dma_wait3A_64 = tpu.memref_slice %arg8[%dma_wait3A_62, %dma_wait3A_63] : memref<256x128xf32, #tpu.memory_space<vmem>> -> memref<128x128xf32, #tpu.memory_space<vmem>>
      %dma_wait3A_65 = arith.constant 0 : i32
      %dma_wait3A_66 = tpu.memref_slice %arg9[%add3A_30, %dma_wait3A_65] : memref<10240x128xf32, #tpu.memory_space<vmem_shared>> -> memref<128x128xf32, #tpu.memory_space<vmem_shared>>
      tpu.wait_dma2 semaphore(%run_scoped3A : memref<!tpu.dma_semaphore, #tpu.memory_space<semaphore_mem>>) src(%dma_wait3A_66 : memref<128x128xf32, #tpu.memory_space<vmem_shared>>) dst(%dma_wait3A_64 : memref<128x128xf32, #tpu.memory_space<vmem>>)
      tpu.yield
    }) : () -> ()
    %add3A_31 = arith.constant 0 : i32
    %add3A_32 = arith.addi %mul3A_2, %add3A_31 : i32
    "tpu.region"() ({
      %run_scoped3A = tpu.sem_alloc : memref<!tpu.dma_semaphore, #tpu.memory_space<semaphore_mem>>
      %dma_start3A = arith.constant 0 : i32
      %dma_start3A_49 = arith.constant 0 : i32
      %dma_start3A_50 = tpu.memref_slice %arg8[%dma_start3A, %dma_start3A_49] : memref<256x128xf32, #tpu.memory_space<vmem>> -> memref<128x128xf32, #tpu.memory_space<vmem>>
      %dma_start3A_51 = arith.constant 0 : i32
      %dma_start3A_52 = tpu.memref_slice %arg5[%arg0, %add3A_32, %dma_start3A_51] : memref<2x10240x128xf32, #tpu.memory_space<hbm>> -> memref<1x128x128xf32, #tpu.memory_space<hbm>>
      %dma_start3A_53 = tpu.memref_squeeze %dma_start3A_52 : memref<1x128x128xf32, #tpu.memory_space<hbm>> -> memref<128x128xf32, #tpu.memory_space<hbm>>
      %dma_start3A_54 = arith.constant 0 : i32
      %dma_start3A_55 = tpu.memref_slice %arg5[%arg0, %add3A_32, %dma_start3A_54] : memref<2x10240x128xf32, #tpu.memory_space<hbm>> -> memref<1x128x128xf32, #tpu.memory_space<hbm>>
      %dma_start3A_56 = tpu.memref_squeeze %dma_start3A_55 : memref<1x128x128xf32, #tpu.memory_space<hbm>> -> memref<128x128xf32, #tpu.memory_space<hbm>>
      %dma_start3A_57 = arith.constant 0 : i32
      %dma_start3A_58 = arith.constant 0 : i32
      %dma_start3A_59 = tpu.memref_slice %arg8[%dma_start3A_57, %dma_start3A_58] : memref<256x128xf32, #tpu.memory_space<vmem>> -> memref<128x128xf32, #tpu.memory_space<vmem>>
      tpu.enqueue_dma source(%dma_start3A_59 : memref<128x128xf32, #tpu.memory_space<vmem>>) target(%dma_start3A_56 : memref<128x128xf32, #tpu.memory_space<hbm>>) target_semaphore(%run_scoped3A : memref<!tpu.dma_semaphore, #tpu.memory_space<semaphore_mem>>)
      %dma_wait3A = arith.constant 0 : i32
      %dma_wait3A_60 = arith.constant 0 : i32
      %dma_wait3A_61 = tpu.memref_slice %arg8[%dma_wait3A, %dma_wait3A_60] : memref<256x128xf32, #tpu.memory_space<vmem>> -> memref<128x128xf32, #tpu.memory_space<vmem>>
      %dma_wait3A_62 = arith.constant 0 : i32
      %dma_wait3A_63 = tpu.memref_slice %arg5[%arg0, %add3A_32, %dma_wait3A_62] : memref<2x10240x128xf32, #tpu.memory_space<hbm>> -> memref<1x128x128xf32, #tpu.memory_space<hbm>>
      %dma_wait3A_64 = tpu.memref_squeeze %dma_wait3A_63 : memref<1x128x128xf32, #tpu.memory_space<hbm>> -> memref<128x128xf32, #tpu.memory_space<hbm>>
      %dma_wait3A_65 = arith.constant 0 : i32
      %dma_wait3A_66 = tpu.memref_slice %arg5[%arg0, %add3A_32, %dma_wait3A_65] : memref<2x10240x128xf32, #tpu.memory_space<hbm>> -> memref<1x128x128xf32, #tpu.memory_space<hbm>>
      %dma_wait3A_67 = tpu.memref_squeeze %dma_wait3A_66 : memref<1x128x128xf32, #tpu.memory_space<hbm>> -> memref<128x128xf32, #tpu.memory_space<hbm>>
      %dma_wait3A_68 = arith.constant 0 : i32
      %dma_wait3A_69 = arith.constant 0 : i32
      %dma_wait3A_70 = tpu.memref_slice %arg8[%dma_wait3A_68, %dma_wait3A_69] : memref<256x128xf32, #tpu.memory_space<vmem>> -> memref<128x128xf32, #tpu.memory_space<vmem>>
      tpu.wait_dma2 semaphore(%run_scoped3A : memref<!tpu.dma_semaphore, #tpu.memory_space<semaphore_mem>>) src(%dma_wait3A_70 : memref<128x128xf32, #tpu.memory_space<vmem>>) dst(%dma_wait3A_67 : memref<128x128xf32, #tpu.memory_space<hbm>>)
      tpu.yield
    }) : () -> ()
    %add3A_33 = arith.constant 128 : i32
    %add3A_34 = arith.addi %mul3A_2, %add3A_33 : i32
    "tpu.region"() ({
      %run_scoped3A = tpu.sem_alloc : memref<!tpu.dma_semaphore, #tpu.memory_space<semaphore_mem>>
      %dma_start3A = arith.constant 0 : i32
      %dma_start3A_49 = arith.constant 0 : i32
      %dma_start3A_50 = tpu.memref_slice %arg8[%dma_start3A, %dma_start3A_49] : memref<256x128xf32, #tpu.memory_space<vmem>> -> memref<128x128xf32, #tpu.memory_space<vmem>>
      %dma_start3A_51 = arith.constant 0 : i32
      %dma_start3A_52 = tpu.memref_slice %arg9[%add3A_34, %dma_start3A_51] : memref<10240x128xf32, #tpu.memory_space<vmem_shared>> -> memref<128x128xf32, #tpu.memory_space<vmem_shared>>
      %dma_start3A_53 = arith.constant 0 : i32
      %dma_start3A_54 = arith.constant 0 : i32
      %dma_start3A_55 = tpu.memref_slice %arg8[%dma_start3A_53, %dma_start3A_54] : memref<256x128xf32, #tpu.memory_space<vmem>> -> memref<128x128xf32, #tpu.memory_space<vmem>>
      %dma_start3A_56 = arith.constant 0 : i32
      %dma_start3A_57 = tpu.memref_slice %arg9[%add3A_34, %dma_start3A_56] : memref<10240x128xf32, #tpu.memory_space<vmem_shared>> -> memref<128x128xf32, #tpu.memory_space<vmem_shared>>
      tpu.enqueue_dma source(%dma_start3A_57 : memref<128x128xf32, #tpu.memory_space<vmem_shared>>) target(%dma_start3A_55 : memref<128x128xf32, #tpu.memory_space<vmem>>) target_semaphore(%run_scoped3A : memref<!tpu.dma_semaphore, #tpu.memory_space<semaphore_mem>>)
      %dma_wait3A = arith.constant 0 : i32
      %dma_wait3A_58 = arith.constant 0 : i32
      %dma_wait3A_59 = tpu.memref_slice %arg8[%dma_wait3A, %dma_wait3A_58] : memref<256x128xf32, #tpu.memory_space<vmem>> -> memref<128x128xf32, #tpu.memory_space<vmem>>
      %dma_wait3A_60 = arith.constant 0 : i32
      %dma_wait3A_61 = tpu.memref_slice %arg9[%add3A_34, %dma_wait3A_60] : memref<10240x128xf32, #tpu.memory_space<vmem_shared>> -> memref<128x128xf32, #tpu.memory_space<vmem_shared>>
      %dma_wait3A_62 = arith.constant 0 : i32
      %dma_wait3A_63 = arith.constant 0 : i32
      %dma_wait3A_64 = tpu.memref_slice %arg8[%dma_wait3A_62, %dma_wait3A_63] : memref<256x128xf32, #tpu.memory_space<vmem>> -> memref<128x128xf32, #tpu.memory_space<vmem>>
      %dma_wait3A_65 = arith.constant 0 : i32
      %dma_wait3A_66 = tpu.memref_slice %arg9[%add3A_34, %dma_wait3A_65] : memref<10240x128xf32, #tpu.memory_space<vmem_shared>> -> memref<128x128xf32, #tpu.memory_space<vmem_shared>>
      tpu.wait_dma2 semaphore(%run_scoped3A : memref<!tpu.dma_semaphore, #tpu.memory_space<semaphore_mem>>) src(%dma_wait3A_66 : memref<128x128xf32, #tpu.memory_space<vmem_shared>>) dst(%dma_wait3A_64 : memref<128x128xf32, #tpu.memory_space<vmem>>)
      tpu.yield
    }) : () -> ()
    %add3A_35 = arith.constant 128 : i32
    %add3A_36 = arith.addi %mul3A_2, %add3A_35 : i32
    "tpu.region"() ({
      %run_scoped3A = tpu.sem_alloc : memref<!tpu.dma_semaphore, #tpu.memory_space<semaphore_mem>>
      %dma_start3A = arith.constant 0 : i32
      %dma_start3A_49 = arith.constant 0 : i32
      %dma_start3A_50 = tpu.memref_slice %arg8[%dma_start3A, %dma_start3A_49] : memref<256x128xf32, #tpu.memory_space<vmem>> -> memref<128x128xf32, #tpu.memory_space<vmem>>
      %dma_start3A_51 = arith.constant 0 : i32
      %dma_start3A_52 = tpu.memref_slice %arg5[%arg0, %add3A_36, %dma_start3A_51] : memref<2x10240x128xf32, #tpu.memory_space<hbm>> -> memref<1x128x128xf32, #tpu.memory_space<hbm>>
      %dma_start3A_53 = tpu.memref_squeeze %dma_start3A_52 : memref<1x128x128xf32, #tpu.memory_space<hbm>> -> memref<128x128xf32, #tpu.memory_space<hbm>>
      %dma_start3A_54 = arith.constant 0 : i32
      %dma_start3A_55 = tpu.memref_slice %arg5[%arg0, %add3A_36, %dma_start3A_54] : memref<2x10240x128xf32, #tpu.memory_space<hbm>> -> memref<1x128x128xf32, #tpu.memory_space<hbm>>
      %dma_start3A_56 = tpu.memref_squeeze %dma_start3A_55 : memref<1x128x128xf32, #tpu.memory_space<hbm>> -> memref<128x128xf32, #tpu.memory_space<hbm>>
      %dma_start3A_57 = arith.constant 0 : i32
      %dma_start3A_58 = arith.constant 0 : i32
      %dma_start3A_59 = tpu.memref_slice %arg8[%dma_start3A_57, %dma_start3A_58] : memref<256x128xf32, #tpu.memory_space<vmem>> -> memref<128x128xf32, #tpu.memory_space<vmem>>
      tpu.enqueue_dma source(%dma_start3A_59 : memref<128x128xf32, #tpu.memory_space<vmem>>) target(%dma_start3A_56 : memref<128x128xf32, #tpu.memory_space<hbm>>) target_semaphore(%run_scoped3A : memref<!tpu.dma_semaphore, #tpu.memory_space<semaphore_mem>>)
      %dma_wait3A = arith.constant 0 : i32
      %dma_wait3A_60 = arith.constant 0 : i32
      %dma_wait3A_61 = tpu.memref_slice %arg8[%dma_wait3A, %dma_wait3A_60] : memref<256x128xf32, #tpu.memory_space<vmem>> -> memref<128x128xf32, #tpu.memory_space<vmem>>
      %dma_wait3A_62 = arith.constant 0 : i32
      %dma_wait3A_63 = tpu.memref_slice %arg5[%arg0, %add3A_36, %dma_wait3A_62] : memref<2x10240x128xf32, #tpu.memory_space<hbm>> -> memref<1x128x128xf32, #tpu.memory_space<hbm>>
      %dma_wait3A_64 = tpu.memref_squeeze %dma_wait3A_63 : memref<1x128x128xf32, #tpu.memory_space<hbm>> -> memref<128x128xf32, #tpu.memory_space<hbm>>
      %dma_wait3A_65 = arith.constant 0 : i32
      %dma_wait3A_66 = tpu.memref_slice %arg5[%arg0, %add3A_36, %dma_wait3A_65] : memref<2x10240x128xf32, #tpu.memory_space<hbm>> -> memref<1x128x128xf32, #tpu.memory_space<hbm>>
      %dma_wait3A_67 = tpu.memref_squeeze %dma_wait3A_66 : memref<1x128x128xf32, #tpu.memory_space<hbm>> -> memref<128x128xf32, #tpu.memory_space<hbm>>
      %dma_wait3A_68 = arith.constant 0 : i32
      %dma_wait3A_69 = arith.constant 0 : i32
      %dma_wait3A_70 = tpu.memref_slice %arg8[%dma_wait3A_68, %dma_wait3A_69] : memref<256x128xf32, #tpu.memory_space<vmem>> -> memref<128x128xf32, #tpu.memory_space<vmem>>
      tpu.wait_dma2 semaphore(%run_scoped3A : memref<!tpu.dma_semaphore, #tpu.memory_space<semaphore_mem>>) src(%dma_wait3A_70 : memref<128x128xf32, #tpu.memory_space<vmem>>) dst(%dma_wait3A_67 : memref<128x128xf32, #tpu.memory_space<hbm>>)
      tpu.yield
    }) : () -> ()
    %add3A_37 = arith.constant 256 : i32
    %add3A_38 = arith.addi %mul3A_2, %add3A_37 : i32
    "tpu.region"() ({
      %run_scoped3A = tpu.sem_alloc : memref<!tpu.dma_semaphore, #tpu.memory_space<semaphore_mem>>
      %dma_start3A = arith.constant 0 : i32
      %dma_start3A_49 = arith.constant 0 : i32
      %dma_start3A_50 = tpu.memref_slice %arg8[%dma_start3A, %dma_start3A_49] : memref<256x128xf32, #tpu.memory_space<vmem>> -> memref<128x128xf32, #tpu.memory_space<vmem>>
      %dma_start3A_51 = arith.constant 0 : i32
      %dma_start3A_52 = tpu.memref_slice %arg9[%add3A_38, %dma_start3A_51] : memref<10240x128xf32, #tpu.memory_space<vmem_shared>> -> memref<128x128xf32, #tpu.memory_space<vmem_shared>>
      %dma_start3A_53 = arith.constant 0 : i32
      %dma_start3A_54 = arith.constant 0 : i32
      %dma_start3A_55 = tpu.memref_slice %arg8[%dma_start3A_53, %dma_start3A_54] : memref<256x128xf32, #tpu.memory_space<vmem>> -> memref<128x128xf32, #tpu.memory_space<vmem>>
      %dma_start3A_56 = arith.constant 0 : i32
      %dma_start3A_57 = tpu.memref_slice %arg9[%add3A_38, %dma_start3A_56] : memref<10240x128xf32, #tpu.memory_space<vmem_shared>> -> memref<128x128xf32, #tpu.memory_space<vmem_shared>>
      tpu.enqueue_dma source(%dma_start3A_57 : memref<128x128xf32, #tpu.memory_space<vmem_shared>>) target(%dma_start3A_55 : memref<128x128xf32, #tpu.memory_space<vmem>>) target_semaphore(%run_scoped3A : memref<!tpu.dma_semaphore, #tpu.memory_space<semaphore_mem>>)
      %dma_wait3A = arith.constant 0 : i32
      %dma_wait3A_58 = arith.constant 0 : i32
      %dma_wait3A_59 = tpu.memref_slice %arg8[%dma_wait3A, %dma_wait3A_58] : memref<256x128xf32, #tpu.memory_space<vmem>> -> memref<128x128xf32, #tpu.memory_space<vmem>>
      %dma_wait3A_60 = arith.constant 0 : i32
      %dma_wait3A_61 = tpu.memref_slice %arg9[%add3A_38, %dma_wait3A_60] : memref<10240x128xf32, #tpu.memory_space<vmem_shared>> -> memref<128x128xf32, #tpu.memory_space<vmem_shared>>
      %dma_wait3A_62 = arith.constant 0 : i32
      %dma_wait3A_63 = arith.constant 0 : i32
      %dma_wait3A_64 = tpu.memref_slice %arg8[%dma_wait3A_62, %dma_wait3A_63] : memref<256x128xf32, #tpu.memory_space<vmem>> -> memref<128x128xf32, #tpu.memory_space<vmem>>
      %dma_wait3A_65 = arith.constant 0 : i32
      %dma_wait3A_66 = tpu.memref_slice %arg9[%add3A_38, %dma_wait3A_65] : memref<10240x128xf32, #tpu.memory_space<vmem_shared>> -> memref<128x128xf32, #tpu.memory_space<vmem_shared>>
      tpu.wait_dma2 semaphore(%run_scoped3A : memref<!tpu.dma_semaphore, #tpu.memory_space<semaphore_mem>>) src(%dma_wait3A_66 : memref<128x128xf32, #tpu.memory_space<vmem_shared>>) dst(%dma_wait3A_64 : memref<128x128xf32, #tpu.memory_space<vmem>>)
      tpu.yield
    }) : () -> ()
    %add3A_39 = arith.constant 256 : i32
    %add3A_40 = arith.addi %mul3A_2, %add3A_39 : i32
    "tpu.region"() ({
      %run_scoped3A = tpu.sem_alloc : memref<!tpu.dma_semaphore, #tpu.memory_space<semaphore_mem>>
      %dma_start3A = arith.constant 0 : i32
      %dma_start3A_49 = arith.constant 0 : i32
      %dma_start3A_50 = tpu.memref_slice %arg8[%dma_start3A, %dma_start3A_49] : memref<256x128xf32, #tpu.memory_space<vmem>> -> memref<128x128xf32, #tpu.memory_space<vmem>>
      %dma_start3A_51 = arith.constant 0 : i32
      %dma_start3A_52 = tpu.memref_slice %arg5[%arg0, %add3A_40, %dma_start3A_51] : memref<2x10240x128xf32, #tpu.memory_space<hbm>> -> memref<1x128x128xf32, #tpu.memory_space<hbm>>
      %dma_start3A_53 = tpu.memref_squeeze %dma_start3A_52 : memref<1x128x128xf32, #tpu.memory_space<hbm>> -> memref<128x128xf32, #tpu.memory_space<hbm>>
      %dma_start3A_54 = arith.constant 0 : i32
      %dma_start3A_55 = tpu.memref_slice %arg5[%arg0, %add3A_40, %dma_start3A_54] : memref<2x10240x128xf32, #tpu.memory_space<hbm>> -> memref<1x128x128xf32, #tpu.memory_space<hbm>>
      %dma_start3A_56 = tpu.memref_squeeze %dma_start3A_55 : memref<1x128x128xf32, #tpu.memory_space<hbm>> -> memref<128x128xf32, #tpu.memory_space<hbm>>
      %dma_start3A_57 = arith.constant 0 : i32
      %dma_start3A_58 = arith.constant 0 : i32
      %dma_start3A_59 = tpu.memref_slice %arg8[%dma_start3A_57, %dma_start3A_58] : memref<256x128xf32, #tpu.memory_space<vmem>> -> memref<128x128xf32, #tpu.memory_space<vmem>>
      tpu.enqueue_dma source(%dma_start3A_59 : memref<128x128xf32, #tpu.memory_space<vmem>>) target(%dma_start3A_56 : memref<128x128xf32, #tpu.memory_space<hbm>>) target_semaphore(%run_scoped3A : memref<!tpu.dma_semaphore, #tpu.memory_space<semaphore_mem>>)
      %dma_wait3A = arith.constant 0 : i32
      %dma_wait3A_60 = arith.constant 0 : i32
      %dma_wait3A_61 = tpu.memref_slice %arg8[%dma_wait3A, %dma_wait3A_60] : memref<256x128xf32, #tpu.memory_space<vmem>> -> memref<128x128xf32, #tpu.memory_space<vmem>>
      %dma_wait3A_62 = arith.constant 0 : i32
      %dma_wait3A_63 = tpu.memref_slice %arg5[%arg0, %add3A_40, %dma_wait3A_62] : memref<2x10240x128xf32, #tpu.memory_space<hbm>> -> memref<1x128x128xf32, #tpu.memory_space<hbm>>
      %dma_wait3A_64 = tpu.memref_squeeze %dma_wait3A_63 : memref<1x128x128xf32, #tpu.memory_space<hbm>> -> memref<128x128xf32, #tpu.memory_space<hbm>>
      %dma_wait3A_65 = arith.constant 0 : i32
      %dma_wait3A_66 = tpu.memref_slice %arg5[%arg0, %add3A_40, %dma_wait3A_65] : memref<2x10240x128xf32, #tpu.memory_space<hbm>> -> memref<1x128x128xf32, #tpu.memory_space<hbm>>
      %dma_wait3A_67 = tpu.memref_squeeze %dma_wait3A_66 : memref<1x128x128xf32, #tpu.memory_space<hbm>> -> memref<128x128xf32, #tpu.memory_space<hbm>>
      %dma_wait3A_68 = arith.constant 0 : i32
      %dma_wait3A_69 = arith.constant 0 : i32
      %dma_wait3A_70 = tpu.memref_slice %arg8[%dma_wait3A_68, %dma_wait3A_69] : memref<256x128xf32, #tpu.memory_space<vmem>> -> memref<128x128xf32, #tpu.memory_space<vmem>>
      tpu.wait_dma2 semaphore(%run_scoped3A : memref<!tpu.dma_semaphore, #tpu.memory_space<semaphore_mem>>) src(%dma_wait3A_70 : memref<128x128xf32, #tpu.memory_space<vmem>>) dst(%dma_wait3A_67 : memref<128x128xf32, #tpu.memory_space<hbm>>)
      tpu.yield
    }) : () -> ()
    %add3A_41 = arith.constant 384 : i32
    %add3A_42 = arith.addi %mul3A_2, %add3A_41 : i32
    "tpu.region"() ({
      %run_scoped3A = tpu.sem_alloc : memref<!tpu.dma_semaphore, #tpu.memory_space<semaphore_mem>>
      %dma_start3A = arith.constant 0 : i32
      %dma_start3A_49 = arith.constant 0 : i32
      %dma_start3A_50 = tpu.memref_slice %arg8[%dma_start3A, %dma_start3A_49] : memref<256x128xf32, #tpu.memory_space<vmem>> -> memref<128x128xf32, #tpu.memory_space<vmem>>
      %dma_start3A_51 = arith.constant 0 : i32
      %dma_start3A_52 = tpu.memref_slice %arg9[%add3A_42, %dma_start3A_51] : memref<10240x128xf32, #tpu.memory_space<vmem_shared>> -> memref<128x128xf32, #tpu.memory_space<vmem_shared>>
      %dma_start3A_53 = arith.constant 0 : i32
      %dma_start3A_54 = arith.constant 0 : i32
      %dma_start3A_55 = tpu.memref_slice %arg8[%dma_start3A_53, %dma_start3A_54] : memref<256x128xf32, #tpu.memory_space<vmem>> -> memref<128x128xf32, #tpu.memory_space<vmem>>
      %dma_start3A_56 = arith.constant 0 : i32
      %dma_start3A_57 = tpu.memref_slice %arg9[%add3A_42, %dma_start3A_56] : memref<10240x128xf32, #tpu.memory_space<vmem_shared>> -> memref<128x128xf32, #tpu.memory_space<vmem_shared>>
      tpu.enqueue_dma source(%dma_start3A_57 : memref<128x128xf32, #tpu.memory_space<vmem_shared>>) target(%dma_start3A_55 : memref<128x128xf32, #tpu.memory_space<vmem>>) target_semaphore(%run_scoped3A : memref<!tpu.dma_semaphore, #tpu.memory_space<semaphore_mem>>)
      %dma_wait3A = arith.constant 0 : i32
      %dma_wait3A_58 = arith.constant 0 : i32
      %dma_wait3A_59 = tpu.memref_slice %arg8[%dma_wait3A, %dma_wait3A_58] : memref<256x128xf32, #tpu.memory_space<vmem>> -> memref<128x128xf32, #tpu.memory_space<vmem>>
      %dma_wait3A_60 = arith.constant 0 : i32
      %dma_wait3A_61 = tpu.memref_slice %arg9[%add3A_42, %dma_wait3A_60] : memref<10240x128xf32, #tpu.memory_space<vmem_shared>> -> memref<128x128xf32, #tpu.memory_space<vmem_shared>>
      %dma_wait3A_62 = arith.constant 0 : i32
      %dma_wait3A_63 = arith.constant 0 : i32
      %dma_wait3A_64 = tpu.memref_slice %arg8[%dma_wait3A_62, %dma_wait3A_63] : memref<256x128xf32, #tpu.memory_space<vmem>> -> memref<128x128xf32, #tpu.memory_space<vmem>>
      %dma_wait3A_65 = arith.constant 0 : i32
      %dma_wait3A_66 = tpu.memref_slice %arg9[%add3A_42, %dma_wait3A_65] : memref<10240x128xf32, #tpu.memory_space<vmem_shared>> -> memref<128x128xf32, #tpu.memory_space<vmem_shared>>
      tpu.wait_dma2 semaphore(%run_scoped3A : memref<!tpu.dma_semaphore, #tpu.memory_space<semaphore_mem>>) src(%dma_wait3A_66 : memref<128x128xf32, #tpu.memory_space<vmem_shared>>) dst(%dma_wait3A_64 : memref<128x128xf32, #tpu.memory_space<vmem>>)
      tpu.yield
    }) : () -> ()
    %add3A_43 = arith.constant 384 : i32
    %add3A_44 = arith.addi %mul3A_2, %add3A_43 : i32
    "tpu.region"() ({
      %run_scoped3A = tpu.sem_alloc : memref<!tpu.dma_semaphore, #tpu.memory_space<semaphore_mem>>
      %dma_start3A = arith.constant 0 : i32
      %dma_start3A_49 = arith.constant 0 : i32
      %dma_start3A_50 = tpu.memref_slice %arg8[%dma_start3A, %dma_start3A_49] : memref<256x128xf32, #tpu.memory_space<vmem>> -> memref<128x128xf32, #tpu.memory_space<vmem>>
      %dma_start3A_51 = arith.constant 0 : i32
      %dma_start3A_52 = tpu.memref_slice %arg5[%arg0, %add3A_44, %dma_start3A_51] : memref<2x10240x128xf32, #tpu.memory_space<hbm>> -> memref<1x128x128xf32, #tpu.memory_space<hbm>>
      %dma_start3A_53 = tpu.memref_squeeze %dma_start3A_52 : memref<1x128x128xf32, #tpu.memory_space<hbm>> -> memref<128x128xf32, #tpu.memory_space<hbm>>
      %dma_start3A_54 = arith.constant 0 : i32
      %dma_start3A_55 = tpu.memref_slice %arg5[%arg0, %add3A_44, %dma_start3A_54] : memref<2x10240x128xf32, #tpu.memory_space<hbm>> -> memref<1x128x128xf32, #tpu.memory_space<hbm>>
      %dma_start3A_56 = tpu.memref_squeeze %dma_start3A_55 : memref<1x128x128xf32, #tpu.memory_space<hbm>> -> memref<128x128xf32, #tpu.memory_space<hbm>>
      %dma_start3A_57 = arith.constant 0 : i32
      %dma_start3A_58 = arith.constant 0 : i32
      %dma_start3A_59 = tpu.memref_slice %arg8[%dma_start3A_57, %dma_start3A_58] : memref<256x128xf32, #tpu.memory_space<vmem>> -> memref<128x128xf32, #tpu.memory_space<vmem>>
      tpu.enqueue_dma source(%dma_start3A_59 : memref<128x128xf32, #tpu.memory_space<vmem>>) target(%dma_start3A_56 : memref<128x128xf32, #tpu.memory_space<hbm>>) target_semaphore(%run_scoped3A : memref<!tpu.dma_semaphore, #tpu.memory_space<semaphore_mem>>)
      %dma_wait3A = arith.constant 0 : i32
      %dma_wait3A_60 = arith.constant 0 : i32
      %dma_wait3A_61 = tpu.memref_slice %arg8[%dma_wait3A, %dma_wait3A_60] : memref<256x128xf32, #tpu.memory_space<vmem>> -> memref<128x128xf32, #tpu.memory_space<vmem>>
      %dma_wait3A_62 = arith.constant 0 : i32
      %dma_wait3A_63 = tpu.memref_slice %arg5[%arg0, %add3A_44, %dma_wait3A_62] : memref<2x10240x128xf32, #tpu.memory_space<hbm>> -> memref<1x128x128xf32, #tpu.memory_space<hbm>>
      %dma_wait3A_64 = tpu.memref_squeeze %dma_wait3A_63 : memref<1x128x128xf32, #tpu.memory_space<hbm>> -> memref<128x128xf32, #tpu.memory_space<hbm>>
      %dma_wait3A_65 = arith.constant 0 : i32
      %dma_wait3A_66 = tpu.memref_slice %arg5[%arg0, %add3A_44, %dma_wait3A_65] : memref<2x10240x128xf32, #tpu.memory_space<hbm>> -> memref<1x128x128xf32, #tpu.memory_space<hbm>>
      %dma_wait3A_67 = tpu.memref_squeeze %dma_wait3A_66 : memref<1x128x128xf32, #tpu.memory_space<hbm>> -> memref<128x128xf32, #tpu.memory_space<hbm>>
      %dma_wait3A_68 = arith.constant 0 : i32
      %dma_wait3A_69 = arith.constant 0 : i32
      %dma_wait3A_70 = tpu.memref_slice %arg8[%dma_wait3A_68, %dma_wait3A_69] : memref<256x128xf32, #tpu.memory_space<vmem>> -> memref<128x128xf32, #tpu.memory_space<vmem>>
      tpu.wait_dma2 semaphore(%run_scoped3A : memref<!tpu.dma_semaphore, #tpu.memory_space<semaphore_mem>>) src(%dma_wait3A_70 : memref<128x128xf32, #tpu.memory_space<vmem>>) dst(%dma_wait3A_67 : memref<128x128xf32, #tpu.memory_space<hbm>>)
      tpu.yield
    }) : () -> ()
    %add3A_45 = arith.constant 512 : i32
    %add3A_46 = arith.addi %mul3A_2, %add3A_45 : i32
    "tpu.region"() ({
      %run_scoped3A = tpu.sem_alloc : memref<!tpu.dma_semaphore, #tpu.memory_space<semaphore_mem>>
      %dma_start3A = arith.constant 0 : i32
      %dma_start3A_49 = arith.constant 0 : i32
      %dma_start3A_50 = tpu.memref_slice %arg8[%dma_start3A, %dma_start3A_49] : memref<256x128xf32, #tpu.memory_space<vmem>> -> memref<128x128xf32, #tpu.memory_space<vmem>>
      %dma_start3A_51 = arith.constant 0 : i32
      %dma_start3A_52 = tpu.memref_slice %arg9[%add3A_46, %dma_start3A_51] : memref<10240x128xf32, #tpu.memory_space<vmem_shared>> -> memref<128x128xf32, #tpu.memory_space<vmem_shared>>
      %dma_start3A_53 = arith.constant 0 : i32
      %dma_start3A_54 = arith.constant 0 : i32
      %dma_start3A_55 = tpu.memref_slice %arg8[%dma_start3A_53, %dma_start3A_54] : memref<256x128xf32, #tpu.memory_space<vmem>> -> memref<128x128xf32, #tpu.memory_space<vmem>>
      %dma_start3A_56 = arith.constant 0 : i32
      %dma_start3A_57 = tpu.memref_slice %arg9[%add3A_46, %dma_start3A_56] : memref<10240x128xf32, #tpu.memory_space<vmem_shared>> -> memref<128x128xf32, #tpu.memory_space<vmem_shared>>
      tpu.enqueue_dma source(%dma_start3A_57 : memref<128x128xf32, #tpu.memory_space<vmem_shared>>) target(%dma_start3A_55 : memref<128x128xf32, #tpu.memory_space<vmem>>) target_semaphore(%run_scoped3A : memref<!tpu.dma_semaphore, #tpu.memory_space<semaphore_mem>>)
      %dma_wait3A = arith.constant 0 : i32
      %dma_wait3A_58 = arith.constant 0 : i32
      %dma_wait3A_59 = tpu.memref_slice %arg8[%dma_wait3A, %dma_wait3A_58] : memref<256x128xf32, #tpu.memory_space<vmem>> -> memref<128x128xf32, #tpu.memory_space<vmem>>
      %dma_wait3A_60 = arith.constant 0 : i32
      %dma_wait3A_61 = tpu.memref_slice %arg9[%add3A_46, %dma_wait3A_60] : memref<10240x128xf32, #tpu.memory_space<vmem_shared>> -> memref<128x128xf32, #tpu.memory_space<vmem_shared>>
      %dma_wait3A_62 = arith.constant 0 : i32
      %dma_wait3A_63 = arith.constant 0 : i32
      %dma_wait3A_64 = tpu.memref_slice %arg8[%dma_wait3A_62, %dma_wait3A_63] : memref<256x128xf32, #tpu.memory_space<vmem>> -> memref<128x128xf32, #tpu.memory_space<vmem>>
      %dma_wait3A_65 = arith.constant 0 : i32
      %dma_wait3A_66 = tpu.memref_slice %arg9[%add3A_46, %dma_wait3A_65] : memref<10240x128xf32, #tpu.memory_space<vmem_shared>> -> memref<128x128xf32, #tpu.memory_space<vmem_shared>>
      tpu.wait_dma2 semaphore(%run_scoped3A : memref<!tpu.dma_semaphore, #tpu.memory_space<semaphore_mem>>) src(%dma_wait3A_66 : memref<128x128xf32, #tpu.memory_space<vmem_shared>>) dst(%dma_wait3A_64 : memref<128x128xf32, #tpu.memory_space<vmem>>)
      tpu.yield
    }) : () -> ()
    %add3A_47 = arith.constant 512 : i32
    %add3A_48 = arith.addi %mul3A_2, %add3A_47 : i32
    "tpu.region"() ({
      %run_scoped3A = tpu.sem_alloc : memref<!tpu.dma_semaphore, #tpu.memory_space<semaphore_mem>>
      %dma_start3A = arith.constant 0 : i32
      %dma_start3A_49 = arith.constant 0 : i32
      %dma_start3A_50 = tpu.memref_slice %arg8[%dma_start3A, %dma_start3A_49] : memref<256x128xf32, #tpu.memory_space<vmem>> -> memref<128x128xf32, #tpu.memory_space<vmem>>
      %dma_start3A_51 = arith.constant 0 : i32
      %dma_start3A_52 = tpu.memref_slice %arg5[%arg0, %add3A_48, %dma_start3A_51] : memref<2x10240x128xf32, #tpu.memory_space<hbm>> -> memref<1x128x128xf32, #tpu.memory_space<hbm>>
      %dma_start3A_53 = tpu.memref_squeeze %dma_start3A_52 : memref<1x128x128xf32, #tpu.memory_space<hbm>> -> memref<128x128xf32, #tpu.memory_space<hbm>>
      %dma_start3A_54 = arith.constant 0 : i32
      %dma_start3A_55 = tpu.memref_slice %arg5[%arg0, %add3A_48, %dma_start3A_54] : memref<2x10240x128xf32, #tpu.memory_space<hbm>> -> memref<1x128x128xf32, #tpu.memory_space<hbm>>
      %dma_start3A_56 = tpu.memref_squeeze %dma_start3A_55 : memref<1x128x128xf32, #tpu.memory_space<hbm>> -> memref<128x128xf32, #tpu.memory_space<hbm>>
      %dma_start3A_57 = arith.constant 0 : i32
      %dma_start3A_58 = arith.constant 0 : i32
      %dma_start3A_59 = tpu.memref_slice %arg8[%dma_start3A_57, %dma_start3A_58] : memref<256x128xf32, #tpu.memory_space<vmem>> -> memref<128x128xf32, #tpu.memory_space<vmem>>
      tpu.enqueue_dma source(%dma_start3A_59 : memref<128x128xf32, #tpu.memory_space<vmem>>) target(%dma_start3A_56 : memref<128x128xf32, #tpu.memory_space<hbm>>) target_semaphore(%run_scoped3A : memref<!tpu.dma_semaphore, #tpu.memory_space<semaphore_mem>>)
      %dma_wait3A = arith.constant 0 : i32
      %dma_wait3A_60 = arith.constant 0 : i32
      %dma_wait3A_61 = tpu.memref_slice %arg8[%dma_wait3A, %dma_wait3A_60] : memref<256x128xf32, #tpu.memory_space<vmem>> -> memref<128x128xf32, #tpu.memory_space<vmem>>
      %dma_wait3A_62 = arith.constant 0 : i32
      %dma_wait3A_63 = tpu.memref_slice %arg5[%arg0, %add3A_48, %dma_wait3A_62] : memref<2x10240x128xf32, #tpu.memory_space<hbm>> -> memref<1x128x128xf32, #tpu.memory_space<hbm>>
      %dma_wait3A_64 = tpu.memref_squeeze %dma_wait3A_63 : memref<1x128x128xf32, #tpu.memory_space<hbm>> -> memref<128x128xf32, #tpu.memory_space<hbm>>
      %dma_wait3A_65 = arith.constant 0 : i32
      %dma_wait3A_66 = tpu.memref_slice %arg5[%arg0, %add3A_48, %dma_wait3A_65] : memref<2x10240x128xf32, #tpu.memory_space<hbm>> -> memref<1x128x128xf32, #tpu.memory_space<hbm>>
      %dma_wait3A_67 = tpu.memref_squeeze %dma_wait3A_66 : memref<1x128x128xf32, #tpu.memory_space<hbm>> -> memref<128x128xf32, #tpu.memory_space<hbm>>
      %dma_wait3A_68 = arith.constant 0 : i32
      %dma_wait3A_69 = arith.constant 0 : i32
      %dma_wait3A_70 = tpu.memref_slice %arg8[%dma_wait3A_68, %dma_wait3A_69] : memref<256x128xf32, #tpu.memory_space<vmem>> -> memref<128x128xf32, #tpu.memory_space<vmem>>
      tpu.wait_dma2 semaphore(%run_scoped3A : memref<!tpu.dma_semaphore, #tpu.memory_space<semaphore_mem>>) src(%dma_wait3A_70 : memref<128x128xf32, #tpu.memory_space<vmem>>) dst(%dma_wait3A_67 : memref<128x128xf32, #tpu.memory_space<hbm>>)
      tpu.yield
    }) : () -> ()
    return
  }
}

module attributes {stable_mosaic.version = 14 : i64} {
  func.func @_dense1_body(%arg0: i32, %arg1: memref<512x128xf32, #tpu.memory_space<vmem>>, %arg2: memref<128x128xf32, #tpu.memory_space<vmem>>, %arg3: memref<2x512x1xf32, #tpu.memory_space<vmem>>, %arg4: memref<512x128xf32, #tpu.memory_space<vmem>>) attributes {dimension_semantics = [#tpu.dimension_semantics<arbitrary>], iteration_bounds = array<i64: 20>, scalar_prefetch = 0 : i64, scratch_operands = 0 : i64, tpu.core_type = #tpu.core_type<tc>, window_params = [{transform_indices = @transform_0, window_bounds = array<i64: 512, 128>}, {pipeline_mode = #tpu.pipeline_mode<synchronous>, transform_indices = @transform_1, window_bounds = array<i64: 128, 128>}, {transform_indices = @transform_2, window_bounds = array<i64: 2, 512, 1>}, {transform_indices = @transform_3, window_bounds = array<i64: 512, 128>}]} {
    %get3A = arith.constant 0 : index
    %get3A_0 = arith.constant 0 : index
    %get3A_1 = arith.constant 0 : index
    %get3A_2 = vector.load %arg3[%get3A, %get3A_0, %get3A_1] : memref<2x512x1xf32, #tpu.memory_space<vmem>>, vector<1x512x1xf32>
    %get3A_3 = vector.shape_cast %get3A_2 : vector<1x512x1xf32> to vector<512x1xf32>
    %get3A_4 = arith.constant 1 : index
    %get3A_5 = arith.constant 0 : index
    %get3A_6 = arith.constant 0 : index
    %get3A_7 = vector.load %arg3[%get3A_4, %get3A_5, %get3A_6] : memref<2x512x1xf32, #tpu.memory_space<vmem>>, vector<1x512x1xf32>
    %get3A_8 = vector.shape_cast %get3A_7 : vector<1x512x1xf32> to vector<512x1xf32>
    %add3A = arith.addf %get3A_3, %get3A_8 : vector<512x1xf32>
    %add3A_9 = arith.constant 1.000000e+00 : f32
    %add3A_10 = vector.broadcast %add3A_9 : f32 to vector<512x1xf32>
    %add3A_11 = arith.addf %add3A, %add3A_10 : vector<512x1xf32>
    %rsqrt3A = math.rsqrt %add3A_11 : vector<512x1xf32>
    %get3A_12 = arith.constant 0 : index
    %get3A_13 = arith.constant 0 : index
    %get3A_14 = vector.load %arg1[%get3A_12, %get3A_13] : memref<512x128xf32, #tpu.memory_space<vmem>>, vector<512x128xf32>
    %get3A_15 = arith.constant 0 : index
    %get3A_16 = arith.constant 0 : index
    %get3A_17 = vector.load %arg2[%get3A_15, %get3A_16] : memref<128x128xf32, #tpu.memory_space<vmem>>, vector<128x128xf32>
    %dot_general3A = arith.constant dense<0.000000e+00> : vector<512x128xf32>
    %dot_general3A_18 = tpu.matmul %get3A_14, %get3A_17, %dot_general3A {dimension_numbers = #tpu.dot_dimension_numbers<[1], [0], [0], [1], [0, 0, 1, 1], [], []>, transpose_lhs_hint = false} : vector<512x128xf32>, vector<128x128xf32>, vector<512x128xf32> -> vector<512x128xf32>
    %mul3A = vector.broadcast %rsqrt3A : vector<512x1xf32> to vector<512x128xf32>
    %mul3A_19 = arith.mulf %dot_general3A_18, %mul3A : vector<512x128xf32>
    %swap3A = arith.constant 0 : index
    %swap3A_20 = arith.constant 0 : index
    %swap3A_21 = vector.load %arg4[%swap3A, %swap3A_20] : memref<512x128xf32, #tpu.memory_space<vmem>>, vector<512x128xf32>
    tpu.vector_store %arg4[%swap3A, %swap3A_20], %mul3A_19 {strides = array<i32>} : memref<512x128xf32, #tpu.memory_space<vmem>>, vector<512x128xf32>,
    return
  }
  func.func @transform_0(%arg0: i32) -> (i32, i32) {
    %c0_i32 = arith.constant 0 : i32
    %c0_i32_0 = arith.constant 0 : i32
    return %arg0, %c0_i32 : i32, i32
  }
  func.func @transform_1(%arg0: i32) -> (i32, i32) {
    %c0_i32 = arith.constant 0 : i32
    %c0_i32_0 = arith.constant 0 : i32
    %c0_i32_1 = arith.constant 0 : i32
    return %c0_i32, %c0_i32_0 : i32, i32
  }
  func.func @transform_2(%arg0: i32) -> (i32, i32, i32) {
    %c0_i32 = arith.constant 0 : i32
    %c0_i32_0 = arith.constant 0 : i32
    %c0_i32_1 = arith.constant 0 : i32
    return %c0_i32, %arg0, %c0_i32_0 : i32, i32, i32
  }
  func.func @transform_3(%arg0: i32) -> (i32, i32) {
    %c0_i32 = arith.constant 0 : i32
    %c0_i32_0 = arith.constant 0 : i32
    return %arg0, %c0_i32 : i32, i32
  }
}

module attributes {stable_mosaic.version = 14 : i64} {
  func.func @_dense2_body(%arg0: i32, %arg1: memref<2x512x128xf32, #tpu.memory_space<vmem>>, %arg2: memref<512x128xf32, #tpu.memory_space<vmem>>, %arg3: memref<2x512x1xf32, #tpu.memory_space<vmem>>, %arg4: memref<128x128xf32, #tpu.memory_space<vmem>>, %arg5: memref<1x128xf32, #tpu.memory_space<vmem>>, %arg6: memref<512x128xf32, #tpu.memory_space<vmem>>) attributes {dimension_semantics = [#tpu.dimension_semantics<arbitrary>], iteration_bounds = array<i64: 20>, scalar_prefetch = 0 : i64, scratch_operands = 0 : i64, tpu.core_type = #tpu.core_type<tc>, window_params = [{transform_indices = @transform_0, window_bounds = array<i64: 2, 512, 128>}, {transform_indices = @transform_1, window_bounds = array<i64: 512, 128>}, {transform_indices = @transform_2, window_bounds = array<i64: 2, 512, 1>}, {pipeline_mode = #tpu.pipeline_mode<synchronous>, transform_indices = @transform_3, window_bounds = array<i64: 128, 128>}, {pipeline_mode = #tpu.pipeline_mode<synchronous>, transform_indices = @transform_4, window_bounds = array<i64: 1, 128>}, {transform_indices = @transform_5, window_bounds = array<i64: 512, 128>}]} {
    %get3A = arith.constant 0 : index
    %get3A_0 = arith.constant 0 : index
    %get3A_1 = arith.constant 0 : index
    %get3A_2 = vector.load %arg3[%get3A, %get3A_0, %get3A_1] : memref<2x512x1xf32, #tpu.memory_space<vmem>>, vector<1x512x1xf32>
    %get3A_3 = vector.shape_cast %get3A_2 : vector<1x512x1xf32> to vector<512x1xf32>
    %get3A_4 = arith.constant 1 : index
    %get3A_5 = arith.constant 0 : index
    %get3A_6 = arith.constant 0 : index
    %get3A_7 = vector.load %arg3[%get3A_4, %get3A_5, %get3A_6] : memref<2x512x1xf32, #tpu.memory_space<vmem>>, vector<1x512x1xf32>
    %get3A_8 = vector.shape_cast %get3A_7 : vector<1x512x1xf32> to vector<512x1xf32>
    %add3A = arith.addf %get3A_3, %get3A_8 : vector<512x1xf32>
    %add3A_9 = arith.constant 1.000000e+00 : f32
    %add3A_10 = vector.broadcast %add3A_9 : f32 to vector<512x1xf32>
    %add3A_11 = arith.addf %add3A, %add3A_10 : vector<512x1xf32>
    %rsqrt3A = math.rsqrt %add3A_11 : vector<512x1xf32>
    %get3A_12 = arith.constant 0 : index
    %get3A_13 = arith.constant 0 : index
    %get3A_14 = arith.constant 0 : index
    %get3A_15 = vector.load %arg1[%get3A_12, %get3A_13, %get3A_14] : memref<2x512x128xf32, #tpu.memory_space<vmem>>, vector<1x512x128xf32>
    %get3A_16 = vector.shape_cast %get3A_15 : vector<1x512x128xf32> to vector<512x128xf32>
    %get3A_17 = arith.constant 1 : index
    %get3A_18 = arith.constant 0 : index
    %get3A_19 = arith.constant 0 : index
    %get3A_20 = vector.load %arg1[%get3A_17, %get3A_18, %get3A_19] : memref<2x512x128xf32, #tpu.memory_space<vmem>>, vector<1x512x128xf32>
    %get3A_21 = vector.shape_cast %get3A_20 : vector<1x512x128xf32> to vector<512x128xf32>
    %add3A_22 = arith.addf %get3A_16, %get3A_21 : vector<512x128xf32>
    %get3A_23 = arith.constant 0 : index
    %get3A_24 = arith.constant 0 : index
    %get3A_25 = vector.load %arg2[%get3A_23, %get3A_24] : memref<512x128xf32, #tpu.memory_space<vmem>>, vector<512x128xf32>
    %add3A_26 = arith.addf %add3A_22, %get3A_25 : vector<512x128xf32>
    %mul3A = vector.broadcast %rsqrt3A : vector<512x1xf32> to vector<512x128xf32>
    %mul3A_27 = arith.mulf %add3A_26, %mul3A : vector<512x128xf32>
    %get3A_28 = arith.constant 0 : index
    %get3A_29 = arith.constant 0 : index
    %get3A_30 = vector.load %arg5[%get3A_28, %get3A_29] : memref<1x128xf32, #tpu.memory_space<vmem>>, vector<1x128xf32>
    %add3A_31 = vector.broadcast %get3A_30 : vector<1x128xf32> to vector<512x128xf32>
    %add3A_32 = arith.addf %mul3A_27, %add3A_31 : vector<512x128xf32>
    %max3A = arith.constant 0.000000e+00 : f32
    %max3A_33 = vector.broadcast %max3A : f32 to vector<512x128xf32>
    %max3A_34 = arith.maximumf %add3A_32, %max3A_33 : vector<512x128xf32>
    %get3A_35 = arith.constant 0 : index
    %get3A_36 = arith.constant 0 : index
    %get3A_37 = vector.load %arg4[%get3A_35, %get3A_36] : memref<128x128xf32, #tpu.memory_space<vmem>>, vector<128x128xf32>
    %dot_general3A = arith.constant dense<0.000000e+00> : vector<512x128xf32>
    %dot_general3A_38 = tpu.matmul %max3A_34, %get3A_37, %dot_general3A {dimension_numbers = #tpu.dot_dimension_numbers<[1], [0], [0], [1], [0, 0, 1, 1], [], []>, transpose_lhs_hint = false} : vector<512x128xf32>, vector<128x128xf32>, vector<512x128xf32> -> vector<512x128xf32>
    %mul3A_39 = vector.broadcast %rsqrt3A : vector<512x1xf32> to vector<512x128xf32>
    %mul3A_40 = arith.mulf %dot_general3A_38, %mul3A_39 : vector<512x128xf32>
    %swap3A = arith.constant 0 : index
    %swap3A_41 = arith.constant 0 : index
    %swap3A_42 = vector.load %arg6[%swap3A, %swap3A_41] : memref<512x128xf32, #tpu.memory_space<vmem>>, vector<512x128xf32>
    tpu.vector_store %arg6[%swap3A, %swap3A_41], %mul3A_40 {strides = array<i32>} : memref<512x128xf32, #tpu.memory_space<vmem>>, vector<512x128xf32>,
    return
  }
  func.func @transform_0(%arg0: i32) -> (i32, i32, i32) {
    %c0_i32 = arith.constant 0 : i32
    %c0_i32_0 = arith.constant 0 : i32
    %c0_i32_1 = arith.constant 0 : i32
    return %c0_i32, %arg0, %c0_i32_0 : i32, i32, i32
  }
  func.func @transform_1(%arg0: i32) -> (i32, i32) {
    %c0_i32 = arith.constant 0 : i32
    %c0_i32_0 = arith.constant 0 : i32
    return %arg0, %c0_i32 : i32, i32
  }
  func.func @transform_2(%arg0: i32) -> (i32, i32, i32) {
    %c0_i32 = arith.constant 0 : i32
    %c0_i32_0 = arith.constant 0 : i32
    %c0_i32_1 = arith.constant 0 : i32
    return %c0_i32, %arg0, %c0_i32_0 : i32, i32, i32
  }
  func.func @transform_3(%arg0: i32) -> (i32, i32) {
    %c0_i32 = arith.constant 0 : i32
    %c0_i32_0 = arith.constant 0 : i32
    %c0_i32_1 = arith.constant 0 : i32
    return %c0_i32, %c0_i32_0 : i32, i32
  }
  func.func @transform_4(%arg0: i32) -> (i32, i32) {
    %c0_i32 = arith.constant 0 : i32
    %c0_i32_0 = arith.constant 0 : i32
    %c0_i32_1 = arith.constant 0 : i32
    return %c0_i32, %c0_i32_0 : i32, i32
  }
  func.func @transform_5(%arg0: i32) -> (i32, i32) {
    %c0_i32 = arith.constant 0 : i32
    %c0_i32_0 = arith.constant 0 : i32
    return %arg0, %c0_i32 : i32, i32
  }
}

module attributes {stable_mosaic.version = 14 : i64} {
  func.func @_dense3_body(%arg0: i32, %arg1: memref<2x512x128xf32, #tpu.memory_space<vmem>>, %arg2: memref<512x128xf32, #tpu.memory_space<vmem>>, %arg3: memref<2x512x1xf32, #tpu.memory_space<vmem>>, %arg4: memref<1x128xf32, #tpu.memory_space<vmem>>, %arg5: memref<1x128xf32, #tpu.memory_space<vmem>>, %arg6: memref<1x1xf32, #tpu.memory_space<vmem>>, %arg7: memref<512x1xf32, #tpu.memory_space<vmem>>) attributes {dimension_semantics = [#tpu.dimension_semantics<arbitrary>], iteration_bounds = array<i64: 20>, scalar_prefetch = 0 : i64, scratch_operands = 0 : i64, tpu.core_type = #tpu.core_type<tc>, window_params = [{transform_indices = @transform_0, window_bounds = array<i64: 2, 512, 128>}, {transform_indices = @transform_1, window_bounds = array<i64: 512, 128>}, {transform_indices = @transform_2, window_bounds = array<i64: 2, 512, 1>}, {pipeline_mode = #tpu.pipeline_mode<synchronous>, transform_indices = @transform_3, window_bounds = array<i64: 1, 128>}, {pipeline_mode = #tpu.pipeline_mode<synchronous>, transform_indices = @transform_4, window_bounds = array<i64: 1, 128>}, {pipeline_mode = #tpu.pipeline_mode<synchronous>, transform_indices = @transform_5, window_bounds = array<i64: 1, 1>}, {transform_indices = @transform_6, window_bounds = array<i64: 512, 1>}]} {
    %get3A = arith.constant 0 : index
    %get3A_0 = arith.constant 0 : index
    %get3A_1 = arith.constant 0 : index
    %get3A_2 = vector.load %arg3[%get3A, %get3A_0, %get3A_1] : memref<2x512x1xf32, #tpu.memory_space<vmem>>, vector<1x512x1xf32>
    %get3A_3 = vector.shape_cast %get3A_2 : vector<1x512x1xf32> to vector<512x1xf32>
    %get3A_4 = arith.constant 1 : index
    %get3A_5 = arith.constant 0 : index
    %get3A_6 = arith.constant 0 : index
    %get3A_7 = vector.load %arg3[%get3A_4, %get3A_5, %get3A_6] : memref<2x512x1xf32, #tpu.memory_space<vmem>>, vector<1x512x1xf32>
    %get3A_8 = vector.shape_cast %get3A_7 : vector<1x512x1xf32> to vector<512x1xf32>
    %add3A = arith.addf %get3A_3, %get3A_8 : vector<512x1xf32>
    %add3A_9 = arith.constant 1.000000e+00 : f32
    %add3A_10 = vector.broadcast %add3A_9 : f32 to vector<512x1xf32>
    %add3A_11 = arith.addf %add3A, %add3A_10 : vector<512x1xf32>
    %rsqrt3A = math.rsqrt %add3A_11 : vector<512x1xf32>
    %get3A_12 = arith.constant 0 : index
    %get3A_13 = arith.constant 0 : index
    %get3A_14 = arith.constant 0 : index
    %get3A_15 = vector.load %arg1[%get3A_12, %get3A_13, %get3A_14] : memref<2x512x128xf32, #tpu.memory_space<vmem>>, vector<1x512x128xf32>
    %get3A_16 = vector.shape_cast %get3A_15 : vector<1x512x128xf32> to vector<512x128xf32>
    %get3A_17 = arith.constant 1 : index
    %get3A_18 = arith.constant 0 : index
    %get3A_19 = arith.constant 0 : index
    %get3A_20 = vector.load %arg1[%get3A_17, %get3A_18, %get3A_19] : memref<2x512x128xf32, #tpu.memory_space<vmem>>, vector<1x512x128xf32>
    %get3A_21 = vector.shape_cast %get3A_20 : vector<1x512x128xf32> to vector<512x128xf32>
    %add3A_22 = arith.addf %get3A_16, %get3A_21 : vector<512x128xf32>
    %get3A_23 = arith.constant 0 : index
    %get3A_24 = arith.constant 0 : index
    %get3A_25 = vector.load %arg2[%get3A_23, %get3A_24] : memref<512x128xf32, #tpu.memory_space<vmem>>, vector<512x128xf32>
    %add3A_26 = arith.addf %add3A_22, %get3A_25 : vector<512x128xf32>
    %mul3A = vector.broadcast %rsqrt3A : vector<512x1xf32> to vector<512x128xf32>
    %mul3A_27 = arith.mulf %add3A_26, %mul3A : vector<512x128xf32>
    %get3A_28 = arith.constant 0 : index
    %get3A_29 = arith.constant 0 : index
    %get3A_30 = vector.load %arg4[%get3A_28, %get3A_29] : memref<1x128xf32, #tpu.memory_space<vmem>>, vector<1x128xf32>
    %add3A_31 = vector.broadcast %get3A_30 : vector<1x128xf32> to vector<512x128xf32>
    %add3A_32 = arith.addf %mul3A_27, %add3A_31 : vector<512x128xf32>
    %max3A = arith.constant 0.000000e+00 : f32
    %max3A_33 = vector.broadcast %max3A : f32 to vector<512x128xf32>
    %max3A_34 = arith.maximumf %add3A_32, %max3A_33 : vector<512x128xf32>
    %get3A_35 = arith.constant 0 : index
    %get3A_36 = arith.constant 0 : index
    %get3A_37 = vector.load %arg5[%get3A_35, %get3A_36] : memref<1x128xf32, #tpu.memory_space<vmem>>, vector<1x128xf32>
    %mul3A_38 = vector.broadcast %get3A_37 : vector<1x128xf32> to vector<512x128xf32>
    %mul3A_39 = arith.mulf %max3A_34, %mul3A_38 : vector<512x128xf32>
    %reduce_sum3A = arith.constant dense<0.000000e+00> : vector<512xf32>
    %reduce_sum3A_40 = vector.multi_reduction <add>, %mul3A_39, %reduce_sum3A [1] : vector<512x128xf32> to vector<512xf32>
    %broadcast_in_dim3A = vector.shape_cast %reduce_sum3A_40 : vector<512xf32> to vector<512x1xf32>
    %get3A_41 = arith.constant 0 : index
    %get3A_42 = arith.constant 0 : index
    %get3A_43 = vector.load %arg6[%get3A_41, %get3A_42] : memref<1x1xf32, #tpu.memory_space<vmem>>, vector<1x1xf32>
    %add3A_44 = vector.broadcast %get3A_43 : vector<1x1xf32> to vector<512x1xf32>
    %add3A_45 = arith.addf %broadcast_in_dim3A, %add3A_44 : vector<512x1xf32>
    %logistic3A = arith.negf %add3A_45 : vector<512x1xf32>
    %logistic3A_46 = math.exp %logistic3A : vector<512x1xf32>
    %logistic3A_47 = arith.constant 1.000000e+00 : f32
    %logistic3A_48 = vector.broadcast %logistic3A_47 : f32 to vector<512x1xf32>
    %logistic3A_49 = arith.addf %logistic3A_48, %logistic3A_46 : vector<512x1xf32>
    %logistic3A_50 = arith.divf %logistic3A_48, %logistic3A_49 : vector<512x1xf32>
    %swap3A = arith.constant 0 : index
    %swap3A_51 = arith.constant 0 : index
    %swap3A_52 = vector.load %arg7[%swap3A, %swap3A_51] : memref<512x1xf32, #tpu.memory_space<vmem>>, vector<512x1xf32>
    tpu.vector_store %arg7[%swap3A, %swap3A_51], %logistic3A_50 {strides = array<i32>} : memref<512x1xf32, #tpu.memory_space<vmem>>, vector<512x1xf32>,
    return
  }
  func.func @transform_0(%arg0: i32) -> (i32, i32, i32) {
    %c0_i32 = arith.constant 0 : i32
    %c0_i32_0 = arith.constant 0 : i32
    %c0_i32_1 = arith.constant 0 : i32
    return %c0_i32, %arg0, %c0_i32_0 : i32, i32, i32
  }
  func.func @transform_1(%arg0: i32) -> (i32, i32) {
    %c0_i32 = arith.constant 0 : i32
    %c0_i32_0 = arith.constant 0 : i32
    return %arg0, %c0_i32 : i32, i32
  }
  func.func @transform_2(%arg0: i32) -> (i32, i32, i32) {
    %c0_i32 = arith.constant 0 : i32
    %c0_i32_0 = arith.constant 0 : i32
    %c0_i32_1 = arith.constant 0 : i32
    return %c0_i32, %arg0, %c0_i32_0 : i32, i32, i32
  }
  func.func @transform_3(%arg0: i32) -> (i32, i32) {
    %c0_i32 = arith.constant 0 : i32
    %c0_i32_0 = arith.constant 0 : i32
    %c0_i32_1 = arith.constant 0 : i32
    return %c0_i32, %c0_i32_0 : i32, i32
  }
  func.func @transform_4(%arg0: i32) -> (i32, i32) {
    %c0_i32 = arith.constant 0 : i32
    %c0_i32_0 = arith.constant 0 : i32
    %c0_i32_1 = arith.constant 0 : i32
    return %c0_i32, %c0_i32_0 : i32, i32
  }
  func.func @transform_5(%arg0: i32) -> (i32, i32) {
    %c0_i32 = arith.constant 0 : i32
    %c0_i32_0 = arith.constant 0 : i32
    %c0_i32_1 = arith.constant 0 : i32
    return %c0_i32, %c0_i32_0 : i32, i32
  }
  func.func @transform_6(%arg0: i32) -> (i32, i32) {
    %c0_i32 = arith.constant 0 : i32
    %c0_i32_0 = arith.constant 0 : i32
    return %arg0, %c0_i32 : i32, i32
  }
}

</mosaic_0001>

<sc_bundles>
// kernel: kernel.11.cloned.1.call-start
scs
__scs_entry_jumppad:
0x0: {  	(pc) =	sbr.rel $0x88, $3  }
0x1: {  	(tag) =	ssettag $0x0;
	lr =	simm.s32 $0x1  }
0x2: {  	[smem:$0x3F99] =	sst lr;
	_ =	strace $0xD0000000  }
0x3: {  	_ = 	snop  }
0x4: {  	_ = 	snop  }
0x5: {  	_ = 	snop  }
0x6: {  	_ = 	snop  }
0x7: {  	_ = 	snop  }
__scs_overlays_trampoline_lowered:
0x8: {  	[smem:$0x3FA8] =	sst s0  }
0x9: {  	[smem:$0x3FA9] =	sst s1  }
0xa: {  	[smem:$0x3FAA] =	sst s2  }
0xb: {  	[smem:$0x3FAB] =	sst s3  }
0xc: {  	[smem:$0x3FAC] =	sst s4  }
0xd: {  	[smem:$0x3FAD] =	sst s5  }
0xe: {  	[smem:$0x3FAE] =	sst s6  }
0xf: {  	[smem:$0x3FAF] =	sst s7  }
0x10: {  	[smem:$0x3FB0] =	sst s8  }
0x11: {  	[smem:$0x3FB1] =	sst s9;
	s0 =	simm.s32 @!p0 $0x0  }
0x12: {  	s1 =	sld [smem:$0x3F97];
	s0 =	simm.s32 @p0 $0x1  }
0x13: {  	[smem:$0x3FB2] =	sst s0;
	s0 =	simm.s32 @!p1 $0x0  }
0x14: {  	s2 =	sld [smem:$0x3F96];
	s0 =	simm.s32 @p1 $0x1  }
0x15: {  	[smem:$0x3FB3] =	sst s0;
	s0 =	simm.s32 @!p2 $0x0  }
0x16: {  	s3 =	sld [smem:$0x3FDB];
	s0 =	simm.s32 @p2 $0x1  }
0x17: {  	s4 =	simm.s32 $0x1BF5;
	[smem:$0x3FB5] =	sst s0  }
0x18: {  	s0 =	sld [smem:$0x3F98];
	_ =	swait.ge [sflag:s4], $0x0  }
0x19: {  	s7 =	sld [smem:$0x3F99]  }
0x1a: {  	s8 =	sadd.s32 $0xFFFFE003, lr  }
0x1b: {  	s9 =	sadd.s32 $0xFFFFFEF7, lr;
	s5 =	simm.s32 $0xFFFFFFFF;
	p2 =	slt.u32 s8, $0xFFFFF086  }
0x1c: {  	p1 =	slt.u32 s9, $0xF7A;
	s5 =	simm.s32 @!p2 $0x0  }
0x1d: {  	s5 =	simm.s32 @p1 $0x1;
	p0 =	seq.s32 s7, s2  }
0x1e: {  	s7 =	smul.u32 @!p0 $0xF7A, s2;
	p2 =	seq.s32 @!p0 s5, $0x0  }
0x1f: {  	s9 =	smul.u32 $0xF7A, s1;
	s8 =	simm.s32 @!p0 $0x1BF5;
	p2 =	por !p2, p0  }
0x20: {  	[sflag:s8] =	ssyncset.s32 @!p0 $0xFFFFF086;
	s6 =	sadd.s32 @!p0 s3, s7;
	s7 =	simm.s32 @!p0 $0x108  }
0x21: {  	s3 =	sadd.s32 s3, s9;
	s6 =	sadd.s32 @!p0 $0x88, s6;
	s7 =	simm.s32 @p2 $0x1082  }
0x22: {  	[simem:s7], [sflag:s8] =	dma.local @!p0 [hbm:s6], $0xF7A  }
0x23: {  	s9 =	sor.u32 $0xD0000000, s2;
	s6 =	simm.s32 $0x108;
	_ =	swait.ge @!p0 [sflag:s8], $0x0  }
0x24: {  	s3 =	sadd.s32 $0x88, s3;
	s6 =	simm.s32 @!p1 $0x1082;
	[sflag:s4] =	ssyncset.s32 $0xFFFFF086  }
0x25: {  	[simem:s6], [sflag:s4] =	dma.local [hbm:s3], $0xF7A  }
0x26: {  	[smem:$0x3F99] =	sst s1;
	(tag) =	ssettag s2;
	_ =	strace s9  }
0x27: {  	s1 =	sld [smem:$0x3FA9]  }
0x28: {  	s2 =	sld [smem:$0x3FAA]  }
0x29: {  	s4 =	sld [smem:$0x3FAC]  }
0x2a: {  	p0 =	seq.s32 s5, $0x0;
	s5 =	sld [smem:$0x3FAD]  }
0x2b: {  	s6 =	sld [smem:$0x3FAE]  }
0x2c: {  	s7 =	sld [smem:$0x3FAF]  }
0x2d: {  	s3 =	simm.s32 $0x108;
	s8 =	sld [smem:$0x3FB0]  }
0x2e: {  	s3 =	simm.s32 @!p0 $0x1082;
	s9 =	sld [smem:$0x3FB1]  }
0x2f: {  	lr =	sadd.s32 s0, s3;
	s0 =	sld [smem:$0x3FA8]  }
0x30: {  	s3 =	sld [smem:$0x3FAB]  }
0x31: {  	[smem:$0x3FB4] =	sst s10  }
0x32: {  	s10 =	sld [smem:$0x3FB2];
	_ =	sdelay $0x3  }
0x33: {  	p0 =	seq.s32 s10, $0x1;
	s10 =	sld [smem:$0x3FB4];
	_ =	sdelay $0x3  }
0x34: {  	[smem:$0x3FB4] =	sst s10  }
0x35: {  	s10 =	sld [smem:$0x3FB3];
	_ =	sdelay $0x3  }
0x36: {  	p1 =	seq.s32 s10, $0x1;
	s10 =	sld [smem:$0x3FB4];
	_ =	sdelay $0x3  }
0x37: {  	[smem:$0x3FB4] =	sst s10  }
0x38: {  	s10 =	sld [smem:$0x3FB5]  }
0x39: {  	_ = 	snop;
	(pc) =	sbr.ind lr, $3  }
0x3a: {  	_ = 	snop  }
0x3b: {  	_ = 	snop  }
0x3c: {  	p2 =	seq.s32 s10, $0x1;
	s10 =	sld [smem:$0x3FB4]  }
0x3d: {  	_ =	shalt  }
0x3e: {  	_ =	shalt  }
0x3f: {  	_ =	shalt  }
0x40: {  	_ =	shalt  }
0x41: {  	_ =	shalt  }
0x42: {  	_ =	shalt  }
0x43: {  	_ =	shalt  }
0x44: {  	_ =	shalt  }
0x45: {  	_ =	shalt  }
0x46: {  	_ =	shalt  }
0x47: {  	_ =	shalt  }
0x48: {  	_ =	shalt  }
0x49: {  	_ =	shalt  }
0x4a: {  	_ =	shalt  }
0x4b: {  	_ =	shalt  }
0x4c: {  	_ =	shalt  }
0x4d: {  	_ =	shalt  }
0x4e: {  	_ =	shalt  }
0x4f: {  	_ =	shalt  }
0x50: {  	_ =	shalt  }
0x51: {  	_ =	shalt  }
0x52: {  	_ =	shalt  }
0x53: {  	_ =	shalt  }
0x54: {  	_ =	shalt  }
0x55: {  	_ =	shalt  }
0x56: {  	_ =	shalt  }
0x57: {  	_ =	shalt  }
0x58: {  	_ =	shalt  }
0x59: {  	_ =	shalt  }
0x5a: {  	_ =	shalt  }
0x5b: {  	_ =	shalt  }
0x5c: {  	_ =	shalt  }
0x5d: {  	_ =	shalt  }
0x5e: {  	_ =	shalt  }
0x5f: {  	_ =	shalt  }
0x60: {  	_ =	shalt  }
0x61: {  	_ =	shalt  }
0x62: {  	_ =	shalt  }
0x63: {  	_ =	shalt  }
0x64: {  	_ =	shalt  }
0x65: {  	_ =	shalt  }
0x66: {  	_ =	shalt  }
0x67: {  	_ =	shalt  }
0x68: {  	_ =	shalt  }
0x69: {  	_ =	shalt  }
0x6a: {  	_ =	shalt  }
0x6b: {  	_ =	shalt  }
0x6c: {  	_ =	shalt  }
0x6d: {  	_ =	shalt  }
0x6e: {  	_ =	shalt  }
0x6f: {  	_ =	shalt  }
0x70: {  	_ =	shalt  }
0x71: {  	_ =	shalt  }
0x72: {  	_ =	shalt  }
0x73: {  	_ =	shalt  }
0x74: {  	_ =	shalt  }
0x75: {  	_ =	shalt  }
0x76: {  	_ =	shalt  }
0x77: {  	_ =	shalt  }
0x78: {  	_ =	shalt  }
0x79: {  	_ =	shalt  }
0x7a: {  	_ =	shalt  }
0x7b: {  	_ =	shalt  }
0x7c: {  	_ =	shalt  }
0x7d: {  	_ =	shalt  }
0x7e: {  	_ =	shalt  }
0x7f: {  	_ =	shalt  }
0x80: {  	_ =	shalt  }
0x81: {  	_ =	shalt  }
0x82: {  	_ =	shalt  }
0x83: {  	_ =	shalt  }
0x84: {  	_ =	shalt  }
0x85: {  	_ =	shalt  }
0x86: {  	_ =	shalt  }
0x87: {  	_ =	shalt  }
.Lfunc_end0:
.L_simem_size_0:
called_computation.1_lowered:
.L_overlay_start_0:
0x88: {  	s2 =	sld [smem:$0x3FD9]  }
0x89: {  	s3 =	sld [smem:$0x3FFE];
	_ =	sdelay $0x1  }
0x8a: {  	s1 =	srdreg.scid  }
0x8b: {  	s0 =	sand.u32 $0x1, s1  }
0x8c: {  	s16 =	sshll.u32 s0, $0xA;
	s2 =	sadd.s32 s3, s2  }
0x8d: {  	s2 =	sadd.s32 s2, s16  }
0x8e: {  	[smem:$0x3FC0] =	sst s2  }
0x8f: {  	_ = 	snop  }
0x90: {  	(tm) =	ssettm $0x1  }
0x91: {  	s17 =	sld [smem:$0x3FFB];
	_ =	sdelay $0x3  }
0x92: {  	_ =	strace s17  }
0x93: {  	s2 =	sld [smem:$0x3FFC];
	_ =	sdelay $0x3  }
0x94: {  	_ =	strace s2  }
0x95: {  	s2 =	sld [smem:$0x3FFD];
	_ =	sdelay $0x3  }
0x96: {  	_ =	strace s2  }
0x97: {  	_ =	strace $0x8FFFFFFF  }
0x98: {  	s18 =	sld [smem:$0x3FDB];
	_ =	sdelay $0x1  }
0x99: {  	s19 =	simm.s32 $_scs_section_size  }
0x9a: {  	s4 =	simm.s32 $_size__tile_overlayer_lowered;
	s5 =	simm.s32 $_tile_overlayer_lowered  }
0x9b: {  	s22 =	simm.s32 $0x1BFF;
	s21 =	sshll.u32 s5, $0x1;
	s2 =	sadd.s32 s19, s18  }
0x9c: {  	s6 =	simm.s32 $0x0;
	s20 =	sshll.u32 s4, $0x1;
	s4 =	sadd.s32 s21, s2  }
0x9d: {  	[timem:s6], [sflag:s22] =	dma.local [hbm:s4], s20  }
0x9e: {  	_ =	swait.ge [sflag:s22], s20  }
0x9f: {  	s3 =	ssub.s32 $0x0, s20;
	[sflag:s22] =	ssyncset.done $0x0  }
0xa0: {  	[sflag:s22] =	ssyncadd.s32 s3;
	_ =	sdelay $0x1  }
0xa1: {  	s23 =	simm.s32 $0x1B8B  }
0xa2: {  	_ =	swait.ge [sflag:s23], $0x1  }
0xa3: {  	[sflag:s23] =	ssyncset.done $0x0  }
0xa4: {  	s25 =	simm.s32 $0x1B8E;
	s24 =	sld [smem:$0x3FFE];
	[sflag:s23] =	ssyncadd.s32 $0xFFFFFFFF  }
0xa5: {  	s26 =	simm.s32 $execute0_lowered;
	[smem:$0x3FD2] =	sst s25  }
0xa6: {  	s4 =	sshll.u32 s26, $0x1;
	_ =	strace $0x80000049;
	[dreg:$0x1] =	wrdreg $0xFFFFFFFF  }
0xa7: {  	s28 =	simm.s32 $_size_execute0_lowered;
	s2 =	sadd.s32 s2, s4;
	[dreg:$0x0] =	wrdreg $0x0  }
0xa8: {  	s4 =	sshll.u32 s28, $0x1;
	[dreg:$0x2] =	wrdreg s2  }
0xa9: {  	[dreg:$0x3] =	wrdreg s4  }
0xaa: {  	[dreg:$0x4] =	wrdreg $0xC0  }
0xab: {  	_ =	task [dreg:s6], $0x5FFFF  }
0xac: {  	[dreg:$0x1] =	wrdreg $0xFFFFFFFF  }
0xad: {  	[dreg:$0x0] =	wrdreg $0x60  }
0xae: {  	[dreg:$0x2] =	wrdreg s24  }
0xaf: {  	[dreg:$0x3] =	wrdreg $0xA0000  }
0xb0: {  	[dreg:$0x4] =	wrdreg $0x9  }
0xb1: {  	_ =	task.clear_ibuf [dreg:s6], $0x5FFFF;
	_ =	strace $0x90000049  }
0xb2: {  	s29 =	simm.s32 $0x9;
	_ =	strace $0x8000004B  }
0xb3: {  	_ =	swait.ge [sflag:s29], $0x1  }
0xb4: {  	[sflag:s29] =	ssyncadd.s32 $0xFFFFFFFF  }
0xb5: {  	_ =	strace $0x9000004B  }
0xb6: {  	_ =	sfence  }
0xb7: {  	s30 =	sld [smem:$0x0];
	_ =	sdelay $0x2  }
0xb8: {  	s31 =	sshll.u32 s1, $0xD;
	s1 =	sshrl.u32 s1, $0x2  }
0xb9: {  	s3 =	sand.u32 $0x4000, s31;
	s1 =	sadd.s32 s1, s30  }
0xba: {  	s0 =	sor.u32 s3, s0;
	s1 =	sshll.u32 s1, $0x11  }
0xbb: {  	s0 =	sor.u32 s1, s0  }
0xbc: {  	s0 =	sadd.s32 $0x8F2B, s0  }
0xbd: {  	[sflag:s0] =	ssyncadd.remote.s32 $0x1  }
0xbe: {  	_ =	sfence.sel $0xFFFF  }
0xbf: {  	[dreg:$0x0] =	wrdreg $0xFFFFFFFF;
	(pc) =	sbr.abs _section_cstart, $3  }
0xc0: {  	[dreg:$0x1] =	wrdreg $0xFFFFFFFF  }
0xc1: {  	_ =	task.clear_ibuf [dreg:s6], $0x2FFFF;
	_ =	strace $0x9FFFFFFF  }
0xc2: {  	(tm) =	ssettm $0x7FFFFFFF  }
0xc3: {  	_ =	shalt  }
tec
execute0_lowered:
.L_overlay_start_1:
0x0: {  	(tag) =	ssettag $0x1  }
0x1: {  	s0 =	rddreg [dreg:$0x0]  }
0x2: {  	s1 =	rddreg [dreg:$0x1];
	s3 =	simm.s32 $0x0;
	s4 =	srdreg.scid  }
0x3: {  	s2 =	stileid.u32;
	s21 =	simm.s32 $0x1000;
	s22 =	simm.s32 $0x80  }
0x4: {  	s23 =	simm.s32 $0x6000;
	s24 =	simm.s32 $0x1;
	s28 =	simm.s32 $0x0  }
0x5: {  	[smem:$0x7FF] =	sst s3;
	s9 =	sand.u32 $0x1, s4;
	s8 =	smul.u32 $0x50000, s2  }
0x6: {  	s4 =	sadd.s32 $0x6A400, s0;
	s5 =	sadd.s32 $0xE400, s0;
	s12 =	smul.u32 $0x14000, s2  }
0x7: {  	s6 =	sadd.s32 $0x1A00, s0;
	s0 =	sadd.s32 $0x92400, s0;
	_ =	strace $0x8000004A  }
0x8: {  	s7 =	ssub.s32 $0x2, s9;
	s25 =	sshll.u32 s9, $0x4;
	s17 =	smul.u32 $0x140000, s9  }
0x9: {  	s10 =	sshrl.u32 s7, $0x1;
	s8 =	sshrl.u32 s8, $0x2;
	s13 =	sadd.s32 $0x4000, s12  }
0xa: {  	s14 =	sor.u32 s2, s25;
	s15 =	sadd.s32 $0x8000, s12;
	s16 =	sadd.s32 $0xC000, s12  }
0xb: {  	s19 =	sadd.s32 $0x10000, s12;
	s25 =	simm.s32 $0x2;
	s18 =	ssub.s32 s7, s10  }
0xc: {  	s7 =	sadd.s32 s8, s1;
	s8 =	sadd.s32 s13, s1;
	s9 =	sadd.s32 s15, s1  }
0xd: {  	s10 =	sadd.s32 s16, s1;
	s11 =	sadd.s32 s19, s1;
	s20 =	sadd.s32 s12, s17  }
0xe: {  	s13 =	sadd.s32 s17, s13;
	s12 =	smul.u32 $0x3000, s14;
	s15 =	sadd.s32 s17, s15  }
0xf: {  	s16 =	sadd.s32 s17, s16;
	s17 =	sadd.s32 s17, s19;
	s19 =	simm.s32 $0x2000  }
0x10: {  	s26 =	sshrl.u32 s20, $0x3;
	s29 =	sshrl.u32 s13, $0x3;
	s15 =	sshrl.u32 s15, $0x3  }
0x11: {  	s16 =	sshrl.u32 s16, $0x3;
	s17 =	sshrl.u32 s17, $0x3;
	s18 =	smax.u32 s18, $0x1  }
0x12: {  	s20 =	simm.s32 $0x3;
	s30 =	sadd.s32 s0, s26;
	s31 =	sadd.s32 s0, s29  }
0x13: {  	s15 =	sadd.s32 s0, s15;
	s16 =	sadd.s32 s0, s16;
	[dreg:$0x3] =	wrdreg s30  }
0x14: {  	v0 =	vimm.f32 $0.0e+00;
	s17 =	sadd.s32 s0, s17;
	s26 =	simm.s32 $0x1D00;
	[dreg:$0x4] =	wrdreg s31  }
.LBB2_1:
0x15: {  	s29 =	simm.s32 $0x0;
	s30 =	simm.s32 $0x200  }
.LBB2_2:
0x16: {  	p0 =	sne.s32 s30, $0xFE00;
	[tilespmem:s29+$0x2070] =	vst v0  }
0x17: {  	[tilespmem:s29+$0x2000] =	vst v0  }
0x18: {  	[tilespmem:s29+$0x2010] =	vst v0  }
.Ltmp0:
0x19: {  	[tilespmem:s29+$0x2020] =	vst v0;
	(pc) =	sbr.rel @p0 .LBB2_2-.Ltmp0, $4  }
0x1a: {  	[tilespmem:s29+$0x2030] =	vst v0  }
0x1b: {  	[tilespmem:s29+$0x2040] =	vst v0  }
0x1c: {  	[tilespmem:s29+$0x2050] =	vst v0  }
0x1d: {  	[tilespmem:s29+$0x2060] =	vst v0;
	s29 =	sshra.s32 s30, $0x2;
	s30 =	sadd.s32 $0x200, s30  }
0x1e: {  	[tilespmem:s29+$0x2070] =	vst v0  }
0x1f: {  	[tilespmem:s29+$0x2000] =	vst v0  }
0x20: {  	[tilespmem:s29+$0x2010] =	vst v0  }
0x21: {  	[tilespmem:s29+$0x2020] =	vst v0  }
0x22: {  	[tilespmem:s29+$0x2030] =	vst v0  }
0x23: {  	[tilespmem:s29+$0x2040] =	vst v0  }
0x24: {  	[tilespmem:s29+$0x2050] =	vst v0  }
0x25: {  	[tilespmem:s29+$0x2060] =	vst v0  }
0x26: {  	[spmem:s7] =	stream.linear.scatter [tilespmem:s19], [sflag:$0x3], $0x4000, $0x38;
	[tilespmem:$0x1E000] =	vst v63  }
0x27: {  	_ =	swait.ge [sflag:s20], $0x4000  }
0x28: {  	[sflag:s20] =	ssyncset.done $0x0  }
0x29: {  	[sflag:s20] =	ssyncadd.s32 $0xFFFFC000  }
0x2a: {  	[spmem:s8] =	stream.linear.scatter [tilespmem:s19], [sflag:$0x3], $0x4000, $0x38;
	[tilespmem:$0x1E000] =	vst v63  }
0x2b: {  	_ =	swait.ge [sflag:s20], $0x4000  }
0x2c: {  	[sflag:s20] =	ssyncset.done $0x0  }
0x2d: {  	[sflag:s20] =	ssyncadd.s32 $0xFFFFC000  }
0x2e: {  	[spmem:s9] =	stream.linear.scatter [tilespmem:s19], [sflag:$0x3], $0x4000, $0x38;
	[tilespmem:$0x1E000] =	vst v63  }
0x2f: {  	_ =	swait.ge [sflag:s20], $0x4000  }
0x30: {  	[sflag:s20] =	ssyncset.done $0x0  }
0x31: {  	[sflag:s20] =	ssyncadd.s32 $0xFFFFC000  }
0x32: {  	[spmem:s10] =	stream.linear.scatter [tilespmem:s19], [sflag:$0x3], $0x4000, $0x38;
	[tilespmem:$0x1E000] =	vst v63  }
0x33: {  	_ =	swait.ge [sflag:s20], $0x4000  }
0x34: {  	[sflag:s20] =	ssyncset.done $0x0  }
0x35: {  	[sflag:s20] =	ssyncadd.s32 $0xFFFFC000  }
0x36: {  	[spmem:s11] =	stream.linear.scatter [tilespmem:s19], [sflag:$0x3], $0x4000, $0x38;
	[tilespmem:$0x1E000] =	vst v63  }
0x37: {  	_ =	swait.ge [sflag:s20], $0x4000  }
0x38: {  	[sflag:s20] =	ssyncset.done $0x0  }
0x39: {  	[sflag:s20] =	ssyncadd.s32 $0xFFFFC000  }
0x3a: {  	s29 =	simm.s32 $0x0;
	s30 =	simm.s32 $0x0;
	[bflag:$0x0] =	sbarrier.arrive $0xFFFF  }
.LBB2_4:
0x3b: {  	s0 =	sshll.u32 s30, $0xC  }
0x3c: {  	s0 =	sadd.s32 s12, s0  }
0x3d: {  	s0 =	sshrl.u32 s0, $0x3  }
0x3e: {  	s31 =	sadd.s32 s5, s0  }
0x3f: {  	[tilespmem:s29], [sflag:$0x3] =	stream.linear.gather [hbm4b:s31+s29], $0xD80, $0x38;
	[tilespmem:$0x1E000] =	vst v63  }
0x40: {  	_ =	swait.ge [sflag:s20], $0xD80  }
0x41: {  	[sflag:s20] =	ssyncset.done $0x0  }
0x42: {  	s0 =	sadd.s32 s6, s0;
	[sflag:s20] =	ssyncadd.s32 $0xFFFFF280  }
0x43: {  	[tilespmem:s21], [sflag:$0x3] =	stream.linear.gather [hbm4b:s0+s29], $0xD80, $0x38;
	[tilespmem:$0x1E000] =	vst v63  }
0x44: {  	_ =	swait.ge [sflag:s20], $0xD80  }
0x45: {  	[sflag:s20] =	ssyncset.done $0x0  }
0x46: {  	[sflag:s20] =	ssyncadd.s32 $0xFFFFF280  }
0x47: {  	[tilespmem:s19], [sflag:$0x1] =	stream.indirect.gather [hbm4b:s4+s22], $0x80, s29, s22, $0xb8;
	[tilespmem:$0x1E000] =	vst v63  }
0x48: {  	s14 =	simm.s32 $0x80  }
0x49: {  	[tilespmem:s23], [sflag:$0x2] =	stream.indirect.gather [hbm4b:s4+s22], $0x80, s14, s22, $0xb8;
	[tilespmem:$0x1E000] =	vst v63  }
0x4a: {  	_ =	swait.ge [sflag:s24], $0x4000  }
0x4b: {  	[sflag:s24] =	ssyncset.done $0x0  }
0x4c: {  	s2 =	simm.s32 $0x1000;
	[sflag:s24] =	ssyncadd.s32 $0xFFFFC000  }
0x4d: {  	[spmem:s1] =	stream.indirect.scatter.add.f32 [tilespmem:s19], [sflag:$0x3], $0x80, s2, s22, $0xb8;
	[tilespmem:$0x1E000] =	vst v63  }
0x4e: {  	_ =	swait.ge [sflag:s20], $0x4000  }
0x4f: {  	[sflag:s20] =	ssyncset.done $0x0  }
0x50: {  	s13 =	simm.s32 $0x100;
	[sflag:s20] =	ssyncadd.s32 $0xFFFFC000  }
0x51: {  	[tilespmem:s19], [sflag:$0x1] =	stream.indirect.gather [hbm4b:s4+s22], $0x80, s13, s22, $0xb8;
	[tilespmem:$0x1E000] =	vst v63  }
0x52: {  	_ =	swait.ge [sflag:s25], $0x4000  }
0x53: {  	[sflag:s25] =	ssyncset.done $0x0  }
0x54: {  	s14 =	simm.s32 $0x1080;
	[sflag:s25] =	ssyncadd.s32 $0xFFFFC000  }
0x55: {  	[spmem:s1] =	stream.indirect.scatter.add.f32 [tilespmem:s23], [sflag:$0x3], $0x80, s14, s22, $0xb8;
	[tilespmem:$0x1E000] =	vst v63  }
0x56: {  	_ =	swait.ge [sflag:s20], $0x4000  }
0x57: {  	s31 =	simm.s32 $0x100;
	s0 =	simm.s32 $0x800;
	[sflag:s20] =	ssyncset.done $0x0  }
.LBB2_5:
0x58: {  	s2 =	sadd.s32 $0x80, s31  }
0x59: {  	[sflag:s20] =	ssyncadd.s32 $0xFFFFC000;
	s13 =	smov.u32 s0;
	s14 =	sadd.s32 $0x400, s0  }
0x5a: {  	[tilespmem:s23], [sflag:$0x2] =	stream.indirect.gather [hbm4b:s4+s22], $0x80, s2, s22, $0xb8;
	[tilespmem:$0x1E000] =	vst v63  }
0x5b: {  	p0 =	sne.s32 s0, $0x3000;
	_ =	swait.ge [sflag:s24], $0x4000  }
0x5c: {  	[sflag:s24] =	ssyncset.done $0x0  }
0x5d: {  	s0 =	sadd.s32 $0x1000, s31;
	[sflag:s24] =	ssyncadd.s32 $0xFFFFC000  }
0x5e: {  	[spmem:s1] =	stream.indirect.scatter.add.f32 [tilespmem:s19], [sflag:$0x3], $0x80, s0, s22, $0xb8;
	[tilespmem:$0x1E000] =	vst v63  }
0x5f: {  	_ =	swait.ge [sflag:s20], $0x4000  }
0x60: {  	[sflag:s20] =	ssyncset.done $0x0  }
0x61: {  	s0 =	sadd.s32 $0x100, s31;
	[sflag:s20] =	ssyncadd.s32 $0xFFFFC000  }
0x62: {  	[tilespmem:s19], [sflag:$0x1] =	stream.indirect.gather [hbm4b:s4+s22], $0x80, s0, s22, $0xb8;
	[tilespmem:$0x1E000] =	vst v63  }
0x63: {  	_ =	swait.ge [sflag:s25], $0x4000  }
.Ltmp1:
0x64: {  	[sflag:s25] =	ssyncset.done $0x0;
	(pc) =	sbr.rel @p0 .LBB2_5-.Ltmp1, $4  }
0x65: {  	s0 =	sadd.s32 $0x1080, s31;
	[sflag:s25] =	ssyncadd.s32 $0xFFFFC000  }
0x66: {  	[spmem:s1] =	stream.indirect.scatter.add.f32 [tilespmem:s23], [sflag:$0x3], $0x80, s0, s22, $0xb8;
	[tilespmem:$0x1E000] =	vst v63  }
0x67: {  	_ =	swait.ge [sflag:s20], $0x4000  }
0x68: {  	s31 =	sshra.s32 s13, $0x2;
	s0 =	smov.u32 s14;
	[sflag:s20] =	ssyncset.done $0x0  }
0x69: {  	s0 =	sadd.s32 $0x80, s31;
	[sflag:s20] =	ssyncadd.s32 $0xFFFFC000  }
0x6a: {  	[tilespmem:s23], [sflag:$0x2] =	stream.indirect.gather [hbm4b:s4+s22], $0x80, s0, s22, $0xb8;
	[tilespmem:$0x1E000] =	vst v63  }
0x6b: {  	_ =	swait.ge [sflag:s24], $0x4000  }
0x6c: {  	[sflag:s24] =	ssyncset.done $0x0  }
0x6d: {  	s13 =	sadd.s32 $0x1000, s31;
	[sflag:s24] =	ssyncadd.s32 $0xFFFFC000  }
0x6e: {  	[spmem:s1] =	stream.indirect.scatter.add.f32 [tilespmem:s19], [sflag:$0x3], $0x80, s13, s22, $0xb8;
	[tilespmem:$0x1E000] =	vst v63  }
0x6f: {  	_ =	swait.ge [sflag:s20], $0x4000  }
0x70: {  	[sflag:s20] =	ssyncset.done $0x0  }
0x71: {  	s14 =	sadd.s32 $0x100, s31;
	[sflag:s20] =	ssyncadd.s32 $0xFFFFC000  }
0x72: {  	[tilespmem:s19], [sflag:$0x1] =	stream.indirect.gather [hbm4b:s4+s22], $0x80, s14, s22, $0xb8;
	[tilespmem:$0x1E000] =	vst v63  }
0x73: {  	_ =	swait.ge [sflag:s25], $0x4000  }
0x74: {  	[sflag:s25] =	ssyncset.done $0x0  }
0x75: {  	s31 =	sadd.s32 $0x1080, s31;
	[sflag:s25] =	ssyncadd.s32 $0xFFFFC000  }
0x76: {  	[spmem:s1] =	stream.indirect.scatter.add.f32 [tilespmem:s23], [sflag:$0x3], $0x80, s31, s22, $0xb8;
	[tilespmem:$0x1E000] =	vst v63  }
0x77: {  	_ =	swait.ge [sflag:s20], $0x4000  }
0x78: {  	[sflag:s20] =	ssyncset.done $0x0  }
0x79: {  	[sflag:s20] =	ssyncadd.s32 $0xFFFFC000  }
0x7a: {  	s30 =	sadd.s32 $0x1, s30;
	_ =	swait.ge [sflag:s24], $0x4000  }
0x7b: {  	p0 =	sne.s32 s30, $0x3;
	[sflag:s24] =	ssyncset.done $0x0  }
.Ltmp2:
0x7c: {  	[sflag:s24] =	ssyncadd.s32 $0xFFFFC000;
	(pc) =	sbr.rel @p0 .LBB2_4-.Ltmp2, $4  }
0x7d: {  	[spmem:s1] =	stream.indirect.scatter.add.f32 [tilespmem:s19], [sflag:$0x3], $0x80, s26, s22, $0xb8;
	[tilespmem:$0x1E000] =	vst v63  }
0x7e: {  	_ =	swait.ge [sflag:s20], $0x4000  }
0x7f: {  	[sflag:s20] =	ssyncset.done $0x0  }
0x80: {  	[sflag:s20] =	ssyncadd.s32 $0xFFFFC000  }
0x81: {  	[bflag:$0x0] =	sbarrier.arrive $0xFFFF  }
0x82: {  	[tilespmem:s19], [sflag:$0x3] =	stream.linear.gather [spmem:s7], $0x4000, $0x38;
	[tilespmem:$0x1E000] =	vst v63  }
0x83: {  	_ =	swait.ge [sflag:s20], $0x4000  }
0x84: {  	[sflag:s20] =	ssyncset.done $0x0  }
0x85: {  	s0 =	rddreg [dreg:$0x3];
	[sflag:s20] =	ssyncadd.s32 $0xFFFFC000  }
0x86: {  	[hbm4b:s0+s3] =	stream.linear.scatter [tilespmem:s19], [sflag:$0x3], $0x4000, $0x38;
	[tilespmem:$0x1E000] =	vst v63  }
0x87: {  	_ =	swait.ge [sflag:s20], $0x4000  }
0x88: {  	[sflag:s20] =	ssyncset.done $0x0  }
0x89: {  	[sflag:s20] =	ssyncadd.s32 $0xFFFFC000  }
0x8a: {  	[tilespmem:s19], [sflag:$0x3] =	stream.linear.gather [spmem:s8], $0x4000, $0x38;
	[tilespmem:$0x1E000] =	vst v63  }
0x8b: {  	_ =	swait.ge [sflag:s20], $0x4000  }
0x8c: {  	[sflag:s20] =	ssyncset.done $0x0  }
0x8d: {  	s31 =	rddreg [dreg:$0x4];
	[sflag:s20] =	ssyncadd.s32 $0xFFFFC000  }
0x8e: {  	[hbm4b:s31+s3] =	stream.linear.scatter [tilespmem:s19], [sflag:$0x3], $0x4000, $0x38;
	[tilespmem:$0x1E000] =	vst v63  }
0x8f: {  	_ =	swait.ge [sflag:s20], $0x4000  }
0x90: {  	[sflag:s20] =	ssyncset.done $0x0  }
0x91: {  	[sflag:s20] =	ssyncadd.s32 $0xFFFFC000  }
0x92: {  	[tilespmem:s19], [sflag:$0x3] =	stream.linear.gather [spmem:s9], $0x4000, $0x38;
	[tilespmem:$0x1E000] =	vst v63  }
0x93: {  	_ =	swait.ge [sflag:s20], $0x4000  }
0x94: {  	[sflag:s20] =	ssyncset.done $0x0  }
0x95: {  	[sflag:s20] =	ssyncadd.s32 $0xFFFFC000  }
0x96: {  	[hbm4b:s15+s3] =	stream.linear.scatter [tilespmem:s19], [sflag:$0x3], $0x4000, $0x38;
	[tilespmem:$0x1E000] =	vst v63  }
0x97: {  	_ =	swait.ge [sflag:s20], $0x4000  }
0x98: {  	[sflag:s20] =	ssyncset.done $0x0  }
0x99: {  	[sflag:s20] =	ssyncadd.s32 $0xFFFFC000  }
0x9a: {  	[tilespmem:s19], [sflag:$0x3] =	stream.linear.gather [spmem:s10], $0x4000, $0x38;
	[tilespmem:$0x1E000] =	vst v63  }
0x9b: {  	_ =	swait.ge [sflag:s20], $0x4000  }
0x9c: {  	[sflag:s20] =	ssyncset.done $0x0  }
0x9d: {  	[sflag:s20] =	ssyncadd.s32 $0xFFFFC000  }
0x9e: {  	[hbm4b:s16+s3] =	stream.linear.scatter [tilespmem:s19], [sflag:$0x3], $0x4000, $0x38;
	[tilespmem:$0x1E000] =	vst v63  }
0x9f: {  	_ =	swait.ge [sflag:s20], $0x4000  }
0xa0: {  	[sflag:s20] =	ssyncset.done $0x0  }
0xa1: {  	[sflag:s20] =	ssyncadd.s32 $0xFFFFC000  }
0xa2: {  	[tilespmem:s19], [sflag:$0x3] =	stream.linear.gather [spmem:s11], $0x4000, $0x38;
	[tilespmem:$0x1E000] =	vst v63  }
0xa3: {  	s28 =	sadd.s32 $0x1, s28;
	_ =	swait.ge [sflag:s20], $0x4000  }
0xa4: {  	p0 =	sne.s32 s28, s18;
	[sflag:s20] =	ssyncset.done $0x0  }
.Ltmp3:
0xa5: {  	[sflag:s20] =	ssyncadd.s32 $0xFFFFC000;
	(pc) =	sbr.rel @p0 .LBB2_1-.Ltmp3, $4  }
0xa6: {  	[hbm4b:s17+s3] =	stream.linear.scatter [tilespmem:s19], [sflag:$0x3], $0x4000, $0x38;
	[tilespmem:$0x1E000] =	vst v63  }
0xa7: {  	_ =	swait.ge [sflag:s20], $0x4000  }
0xa8: {  	[sflag:s20] =	ssyncset.done $0x0  }
0xa9: {  	[sflag:s20] =	ssyncadd.s32 $0xFFFFC000  }
0xaa: {  	_ =	sfence.sel $0x180000  }
0xab: {  	[bflag:$0x0] =	sbarrier.arrive $0xFFFF  }
0xac: {  	_ =	strace $0x9000004A  }
0xad: {  	s0 =	stileid.u32;
	[bflag:$0x2] =	sbarrier.arrive $0xFFFF  }
0xae: {  	p0 =	sne.s32 s0, $0x0;
	s0 =	rddreg [dreg:$0x2]  }
0xaf: {  	s0 =	sadd.s32 @!p0 $0x100000, s0  }
0xb0: {  	[sflag:s0] =	ssyncadd.tile.s32 @!p0 $0x1;
	_ =	shalt  }
.Lfunc_end2:
_tile_overlayer_lowered:
.L_overlay_start_2:
0xb1: {  	(tag) =	ssettag $0x2  }
0xb2: {  	s0 =	rddreg [dreg:$0x0];
	s2 =	stileid.u32  }
0xb3: {  	s1 =	rddreg [dreg:$0x1];
	p0 =	sne.s32 s2, $0x0  }
0xb4: {  	s3 =	rddreg [dreg:$0x2];
	[bflag:$0x3] =	sbarrier.arrive $0xFFFF;
	s2 =	simm.s32 @!p0 $0x1C03  }
0xb5: {  	[timem:s3], [sflag:s2] =	dma.local @!p0 [hbm:s0], s1  }
0xb6: {  	s0 =	simm.s32 @!p0 $0x3  }
0xb7: {  	_ =	swait.ge @!p0 [sflag:s0], s1  }
0xb8: {  	s1 =	ssub.s32 @!p0 $0x0, s1;
	[sflag:s0] =	ssyncset.done @!p0 $0x0  }
0xb9: {  	[sflag:s0] =	ssyncadd.s32 @!p0 s1  }
0xba: {  	[bflag:$0x3] =	sbarrier.arrive $0xFFFF  }
0xbb: {  	_ =	shalt  }

// kernel: kernel.14.cloned.1.call-start
scs
__scs_entry_jumppad:
0x0: {  	(pc) =	sbr.rel $0x88, $3  }
0x1: {  	(tag) =	ssettag $0x0;
	lr =	simm.s32 $0x1  }
0x2: {  	[smem:$0x3F99] =	sst lr;
	_ =	strace $0xD0000000  }
0x3: {  	_ = 	snop  }
0x4: {  	_ = 	snop  }
0x5: {  	_ = 	snop  }
0x6: {  	_ = 	snop  }
0x7: {  	_ = 	snop  }
__scs_overlays_trampoline_lowered:
0x8: {  	[smem:$0x3FA8] =	sst s0  }
0x9: {  	[smem:$0x3FA9] =	sst s1  }
0xa: {  	[smem:$0x3FAA] =	sst s2  }
0xb: {  	[smem:$0x3FAB] =	sst s3  }
0xc: {  	[smem:$0x3FAC] =	sst s4  }
0xd: {  	[smem:$0x3FAD] =	sst s5  }
0xe: {  	[smem:$0x3FAE] =	sst s6  }
0xf: {  	[smem:$0x3FAF] =	sst s7  }
0x10: {  	[smem:$0x3FB0] =	sst s8  }
0x11: {  	[smem:$0x3FB1] =	sst s9;
	s0 =	simm.s32 @!p0 $0x0  }
0x12: {  	s1 =	sld [smem:$0x3F97];
	s0 =	simm.s32 @p0 $0x1  }
0x13: {  	[smem:$0x3FB2] =	sst s0;
	s0 =	simm.s32 @!p1 $0x0  }
0x14: {  	s2 =	sld [smem:$0x3F96];
	s0 =	simm.s32 @p1 $0x1  }
0x15: {  	[smem:$0x3FB3] =	sst s0;
	s0 =	simm.s32 @!p2 $0x0  }
0x16: {  	s3 =	sld [smem:$0x3FDB];
	s0 =	simm.s32 @p2 $0x1  }
0x17: {  	s4 =	simm.s32 $0x1BF5;
	[smem:$0x3FB5] =	sst s0  }
0x18: {  	s0 =	sld [smem:$0x3F98];
	_ =	swait.ge [sflag:s4], $0x0  }
0x19: {  	s7 =	sld [smem:$0x3F99]  }
0x1a: {  	s8 =	sadd.s32 $0xFFFFE003, lr  }
0x1b: {  	s9 =	sadd.s32 $0xFFFFFEF7, lr;
	s5 =	simm.s32 $0xFFFFFFFF;
	p2 =	slt.u32 s8, $0xFFFFF086  }
0x1c: {  	p1 =	slt.u32 s9, $0xF7A;
	s5 =	simm.s32 @!p2 $0x0  }
0x1d: {  	s5 =	simm.s32 @p1 $0x1;
	p0 =	seq.s32 s7, s2  }
0x1e: {  	s7 =	smul.u32 @!p0 $0xF7A, s2;
	p2 =	seq.s32 @!p0 s5, $0x0  }
0x1f: {  	s9 =	smul.u32 $0xF7A, s1;
	s8 =	simm.s32 @!p0 $0x1BF5;
	p2 =	por !p2, p0  }
0x20: {  	[sflag:s8] =	ssyncset.s32 @!p0 $0xFFFFF086;
	s6 =	sadd.s32 @!p0 s3, s7;
	s7 =	simm.s32 @!p0 $0x108  }
0x21: {  	s3 =	sadd.s32 s3, s9;
	s6 =	sadd.s32 @!p0 $0x88, s6;
	s7 =	simm.s32 @p2 $0x1082  }
0x22: {  	[simem:s7], [sflag:s8] =	dma.local @!p0 [hbm:s6], $0xF7A  }
0x23: {  	s9 =	sor.u32 $0xD0000000, s2;
	s6 =	simm.s32 $0x108;
	_ =	swait.ge @!p0 [sflag:s8], $0x0  }
0x24: {  	s3 =	sadd.s32 $0x88, s3;
	s6 =	simm.s32 @!p1 $0x1082;
	[sflag:s4] =	ssyncset.s32 $0xFFFFF086  }
0x25: {  	[simem:s6], [sflag:s4] =	dma.local [hbm:s3], $0xF7A  }
0x26: {  	[smem:$0x3F99] =	sst s1;
	(tag) =	ssettag s2;
	_ =	strace s9  }
0x27: {  	s1 =	sld [smem:$0x3FA9]  }
0x28: {  	s2 =	sld [smem:$0x3FAA]  }
0x29: {  	s4 =	sld [smem:$0x3FAC]  }
0x2a: {  	p0 =	seq.s32 s5, $0x0;
	s5 =	sld [smem:$0x3FAD]  }
0x2b: {  	s6 =	sld [smem:$0x3FAE]  }
0x2c: {  	s7 =	sld [smem:$0x3FAF]  }
0x2d: {  	s3 =	simm.s32 $0x108;
	s8 =	sld [smem:$0x3FB0]  }
0x2e: {  	s3 =	simm.s32 @!p0 $0x1082;
	s9 =	sld [smem:$0x3FB1]  }
0x2f: {  	lr =	sadd.s32 s0, s3;
	s0 =	sld [smem:$0x3FA8]  }
0x30: {  	s3 =	sld [smem:$0x3FAB]  }
0x31: {  	[smem:$0x3FB4] =	sst s10  }
0x32: {  	s10 =	sld [smem:$0x3FB2];
	_ =	sdelay $0x3  }
0x33: {  	p0 =	seq.s32 s10, $0x1;
	s10 =	sld [smem:$0x3FB4];
	_ =	sdelay $0x3  }
0x34: {  	[smem:$0x3FB4] =	sst s10  }
0x35: {  	s10 =	sld [smem:$0x3FB3];
	_ =	sdelay $0x3  }
0x36: {  	p1 =	seq.s32 s10, $0x1;
	s10 =	sld [smem:$0x3FB4];
	_ =	sdelay $0x3  }
0x37: {  	[smem:$0x3FB4] =	sst s10  }
0x38: {  	s10 =	sld [smem:$0x3FB5]  }
0x39: {  	_ = 	snop;
	(pc) =	sbr.ind lr, $3  }
0x3a: {  	_ = 	snop  }
0x3b: {  	_ = 	snop  }
0x3c: {  	p2 =	seq.s32 s10, $0x1;
	s10 =	sld [smem:$0x3FB4]  }
0x3d: {  	_ =	shalt  }
0x3e: {  	_ =	shalt  }
0x3f: {  	_ =	shalt  }
0x40: {  	_ =	shalt  }
0x41: {  	_ =	shalt  }
0x42: {  	_ =	shalt  }
0x43: {  	_ =	shalt  }
0x44: {  	_ =	shalt  }
0x45: {  	_ =	shalt  }
0x46: {  	_ =	shalt  }
0x47: {  	_ =	shalt  }
0x48: {  	_ =	shalt  }
0x49: {  	_ =	shalt  }
0x4a: {  	_ =	shalt  }
0x4b: {  	_ =	shalt  }
0x4c: {  	_ =	shalt  }
0x4d: {  	_ =	shalt  }
0x4e: {  	_ =	shalt  }
0x4f: {  	_ =	shalt  }
0x50: {  	_ =	shalt  }
0x51: {  	_ =	shalt  }
0x52: {  	_ =	shalt  }
0x53: {  	_ =	shalt  }
0x54: {  	_ =	shalt  }
0x55: {  	_ =	shalt  }
0x56: {  	_ =	shalt  }
0x57: {  	_ =	shalt  }
0x58: {  	_ =	shalt  }
0x59: {  	_ =	shalt  }
0x5a: {  	_ =	shalt  }
0x5b: {  	_ =	shalt  }
0x5c: {  	_ =	shalt  }
0x5d: {  	_ =	shalt  }
0x5e: {  	_ =	shalt  }
0x5f: {  	_ =	shalt  }
0x60: {  	_ =	shalt  }
0x61: {  	_ =	shalt  }
0x62: {  	_ =	shalt  }
0x63: {  	_ =	shalt  }
0x64: {  	_ =	shalt  }
0x65: {  	_ =	shalt  }
0x66: {  	_ =	shalt  }
0x67: {  	_ =	shalt  }
0x68: {  	_ =	shalt  }
0x69: {  	_ =	shalt  }
0x6a: {  	_ =	shalt  }
0x6b: {  	_ =	shalt  }
0x6c: {  	_ =	shalt  }
0x6d: {  	_ =	shalt  }
0x6e: {  	_ =	shalt  }
0x6f: {  	_ =	shalt  }
0x70: {  	_ =	shalt  }
0x71: {  	_ =	shalt  }
0x72: {  	_ =	shalt  }
0x73: {  	_ =	shalt  }
0x74: {  	_ =	shalt  }
0x75: {  	_ =	shalt  }
0x76: {  	_ =	shalt  }
0x77: {  	_ =	shalt  }
0x78: {  	_ =	shalt  }
0x79: {  	_ =	shalt  }
0x7a: {  	_ =	shalt  }
0x7b: {  	_ =	shalt  }
0x7c: {  	_ =	shalt  }
0x7d: {  	_ =	shalt  }
0x7e: {  	_ =	shalt  }
0x7f: {  	_ =	shalt  }
0x80: {  	_ =	shalt  }
0x81: {  	_ =	shalt  }
0x82: {  	_ =	shalt  }
0x83: {  	_ =	shalt  }
0x84: {  	_ =	shalt  }
0x85: {  	_ =	shalt  }
0x86: {  	_ =	shalt  }
0x87: {  	_ =	shalt  }
.Lfunc_end0:
.L_simem_size_0:
called_computation.2_lowered:
.L_overlay_start_0:
0x88: {  	s2 =	sld [smem:$0x3FD9]  }
0x89: {  	s3 =	sld [smem:$0x3FFE];
	_ =	sdelay $0x1  }
0x8a: {  	s1 =	srdreg.scid  }
0x8b: {  	s0 =	sand.u32 $0x1, s1  }
0x8c: {  	s16 =	sshll.u32 s0, $0xA;
	s2 =	sadd.s32 s3, s2  }
0x8d: {  	s2 =	sadd.s32 s2, s16  }
0x8e: {  	[smem:$0x3FC0] =	sst s2  }
0x8f: {  	_ = 	snop  }
0x90: {  	(tm) =	ssettm $0x1  }
0x91: {  	s17 =	sld [smem:$0x3FFB];
	_ =	sdelay $0x3  }
0x92: {  	_ =	strace s17  }
0x93: {  	s2 =	sld [smem:$0x3FFC];
	_ =	sdelay $0x3  }
0x94: {  	_ =	strace s2  }
0x95: {  	s2 =	sld [smem:$0x3FFD];
	_ =	sdelay $0x3  }
0x96: {  	_ =	strace s2  }
0x97: {  	_ =	strace $0x8FFFFFFF  }
0x98: {  	s18 =	sld [smem:$0x3FDB];
	_ =	sdelay $0x1  }
0x99: {  	s19 =	simm.s32 $_scs_section_size  }
0x9a: {  	s4 =	simm.s32 $_size__tile_overlayer_lowered;
	s5 =	simm.s32 $_tile_overlayer_lowered  }
0x9b: {  	s22 =	simm.s32 $0x1BFF;
	s21 =	sshll.u32 s5, $0x1;
	s2 =	sadd.s32 s19, s18  }
0x9c: {  	s6 =	simm.s32 $0x0;
	s20 =	sshll.u32 s4, $0x1;
	s4 =	sadd.s32 s21, s2  }
0x9d: {  	[timem:s6], [sflag:s22] =	dma.local [hbm:s4], s20  }
0x9e: {  	_ =	swait.ge [sflag:s22], s20  }
0x9f: {  	s3 =	ssub.s32 $0x0, s20;
	[sflag:s22] =	ssyncset.done $0x0  }
0xa0: {  	[sflag:s22] =	ssyncadd.s32 s3;
	_ =	sdelay $0x1  }
0xa1: {  	s23 =	simm.s32 $0x1B8B  }
0xa2: {  	_ =	swait.ge [sflag:s23], $0x1  }
0xa3: {  	[sflag:s23] =	ssyncset.done $0x0  }
0xa4: {  	s25 =	simm.s32 $0x1B8E;
	s24 =	sld [smem:$0x3FFE];
	[sflag:s23] =	ssyncadd.s32 $0xFFFFFFFF  }
0xa5: {  	s26 =	simm.s32 $execute0_lowered;
	[smem:$0x3FD2] =	sst s25  }
0xa6: {  	s4 =	sshll.u32 s26, $0x1;
	_ =	strace $0x8000004C;
	[dreg:$0x1] =	wrdreg $0xFFFFFFFF  }
0xa7: {  	s28 =	simm.s32 $_size_execute0_lowered;
	s2 =	sadd.s32 s2, s4;
	[dreg:$0x0] =	wrdreg $0x0  }
0xa8: {  	s4 =	sshll.u32 s28, $0x1;
	[dreg:$0x2] =	wrdreg s2  }
0xa9: {  	[dreg:$0x3] =	wrdreg s4  }
0xaa: {  	[dreg:$0x4] =	wrdreg $0xC0  }
0xab: {  	_ =	task [dreg:s6], $0x5FFFF  }
0xac: {  	[dreg:$0x1] =	wrdreg $0xFFFFFFFF  }
0xad: {  	[dreg:$0x0] =	wrdreg $0x60  }
0xae: {  	[dreg:$0x2] =	wrdreg s24  }
0xaf: {  	[dreg:$0x3] =	wrdreg $0xA0000  }
0xb0: {  	[dreg:$0x4] =	wrdreg $0x9  }
0xb1: {  	_ =	task.clear_ibuf [dreg:s6], $0x5FFFF;
	_ =	strace $0x9000004C  }
0xb2: {  	s29 =	simm.s32 $0x9;
	_ =	strace $0x8000004E  }
0xb3: {  	_ =	swait.ge [sflag:s29], $0x1  }
0xb4: {  	[sflag:s29] =	ssyncadd.s32 $0xFFFFFFFF  }
0xb5: {  	_ =	strace $0x9000004E  }
0xb6: {  	_ =	sfence  }
0xb7: {  	s30 =	sld [smem:$0x0];
	_ =	sdelay $0x2  }
0xb8: {  	s31 =	sshll.u32 s1, $0xD;
	s1 =	sshrl.u32 s1, $0x2  }
0xb9: {  	s3 =	sand.u32 $0x4000, s31;
	s1 =	sadd.s32 s1, s30  }
0xba: {  	s0 =	sor.u32 s3, s0;
	s1 =	sshll.u32 s1, $0x11  }
0xbb: {  	s0 =	sor.u32 s1, s0  }
0xbc: {  	s0 =	sadd.s32 $0x8F2B, s0  }
0xbd: {  	[sflag:s0] =	ssyncadd.remote.s32 $0x1  }
0xbe: {  	_ =	sfence.sel $0xFFFF  }
0xbf: {  	[dreg:$0x0] =	wrdreg $0xFFFFFFFF;
	(pc) =	sbr.abs _section_cstart, $3  }
0xc0: {  	[dreg:$0x1] =	wrdreg $0xFFFFFFFF  }
0xc1: {  	_ =	task.clear_ibuf [dreg:s6], $0x2FFFF;
	_ =	strace $0x9FFFFFFF  }
0xc2: {  	(tm) =	ssettm $0x7FFFFFFF  }
0xc3: {  	_ =	shalt  }
tec
execute0_lowered:
.L_overlay_start_1:
0x0: {  	(tag) =	ssettag $0x1  }
0x1: {  	s0 =	rddreg [dreg:$0x0]  }
0x2: {  	s1 =	rddreg [dreg:$0x1];
	s3 =	simm.s32 $0x0;
	s4 =	srdreg.scid  }
0x3: {  	s2 =	stileid.u32;
	s21 =	simm.s32 $0x1000;
	s22 =	simm.s32 $0x80  }
0x4: {  	s23 =	simm.s32 $0x6000;
	s24 =	simm.s32 $0x1;
	s28 =	simm.s32 $0x0  }
0x5: {  	[smem:$0x7FF] =	sst s3;
	s9 =	sand.u32 $0x1, s4;
	s8 =	smul.u32 $0x50000, s2  }
0x6: {  	s4 =	sadd.s32 $0x6A400, s0;
	s5 =	sadd.s32 $0xE400, s0;
	s12 =	smul.u32 $0x14000, s2  }
0x7: {  	s6 =	sadd.s32 $0x1A00, s0;
	s0 =	sadd.s32 $0x92400, s0;
	_ =	strace $0x8000004D  }
0x8: {  	s7 =	ssub.s32 $0x2, s9;
	s25 =	sshll.u32 s9, $0x4;
	s17 =	smul.u32 $0x140000, s9  }
0x9: {  	s10 =	sshrl.u32 s7, $0x1;
	s8 =	sshrl.u32 s8, $0x2;
	s13 =	sadd.s32 $0x4000, s12  }
0xa: {  	s14 =	sor.u32 s2, s25;
	s15 =	sadd.s32 $0x8000, s12;
	s16 =	sadd.s32 $0xC000, s12  }
0xb: {  	s19 =	sadd.s32 $0x10000, s12;
	s25 =	simm.s32 $0x2;
	s18 =	ssub.s32 s7, s10  }
0xc: {  	s7 =	sadd.s32 s8, s1;
	s8 =	sadd.s32 s13, s1;
	s9 =	sadd.s32 s15, s1  }
0xd: {  	s10 =	sadd.s32 s16, s1;
	s11 =	sadd.s32 s19, s1;
	s20 =	sadd.s32 s12, s17  }
0xe: {  	s13 =	sadd.s32 s17, s13;
	s12 =	smul.u32 $0x3000, s14;
	s15 =	sadd.s32 s17, s15  }
0xf: {  	s16 =	sadd.s32 s17, s16;
	s17 =	sadd.s32 s17, s19;
	s19 =	simm.s32 $0x2000  }
0x10: {  	s26 =	sshrl.u32 s20, $0x3;
	s29 =	sshrl.u32 s13, $0x3;
	s15 =	sshrl.u32 s15, $0x3  }
0x11: {  	s16 =	sshrl.u32 s16, $0x3;
	s17 =	sshrl.u32 s17, $0x3;
	s18 =	smax.u32 s18, $0x1  }
0x12: {  	s20 =	simm.s32 $0x3;
	s30 =	sadd.s32 s0, s26;
	s31 =	sadd.s32 s0, s29  }
0x13: {  	s15 =	sadd.s32 s0, s15;
	s16 =	sadd.s32 s0, s16;
	[dreg:$0x3] =	wrdreg s30  }
0x14: {  	v0 =	vimm.f32 $0.0e+00;
	s17 =	sadd.s32 s0, s17;
	s26 =	simm.s32 $0x1D00;
	[dreg:$0x4] =	wrdreg s31  }
.LBB2_1:
0x15: {  	s29 =	simm.s32 $0x0;
	s30 =	simm.s32 $0x200  }
.LBB2_2:
0x16: {  	p0 =	sne.s32 s30, $0xFE00;
	[tilespmem:s29+$0x2070] =	vst v0  }
0x17: {  	[tilespmem:s29+$0x2000] =	vst v0  }
0x18: {  	[tilespmem:s29+$0x2010] =	vst v0  }
.Ltmp0:
0x19: {  	[tilespmem:s29+$0x2020] =	vst v0;
	(pc) =	sbr.rel @p0 .LBB2_2-.Ltmp0, $4  }
0x1a: {  	[tilespmem:s29+$0x2030] =	vst v0  }
0x1b: {  	[tilespmem:s29+$0x2040] =	vst v0  }
0x1c: {  	[tilespmem:s29+$0x2050] =	vst v0  }
0x1d: {  	[tilespmem:s29+$0x2060] =	vst v0;
	s29 =	sshra.s32 s30, $0x2;
	s30 =	sadd.s32 $0x200, s30  }
0x1e: {  	[tilespmem:s29+$0x2070] =	vst v0  }
0x1f: {  	[tilespmem:s29+$0x2000] =	vst v0  }
0x20: {  	[tilespmem:s29+$0x2010] =	vst v0  }
0x21: {  	[tilespmem:s29+$0x2020] =	vst v0  }
0x22: {  	[tilespmem:s29+$0x2030] =	vst v0  }
0x23: {  	[tilespmem:s29+$0x2040] =	vst v0  }
0x24: {  	[tilespmem:s29+$0x2050] =	vst v0  }
0x25: {  	[tilespmem:s29+$0x2060] =	vst v0  }
0x26: {  	[spmem:s7] =	stream.linear.scatter [tilespmem:s19], [sflag:$0x3], $0x4000, $0x38;
	[tilespmem:$0x1E000] =	vst v63  }
0x27: {  	_ =	swait.ge [sflag:s20], $0x4000  }
0x28: {  	[sflag:s20] =	ssyncset.done $0x0  }
0x29: {  	[sflag:s20] =	ssyncadd.s32 $0xFFFFC000  }
0x2a: {  	[spmem:s8] =	stream.linear.scatter [tilespmem:s19], [sflag:$0x3], $0x4000, $0x38;
	[tilespmem:$0x1E000] =	vst v63  }
0x2b: {  	_ =	swait.ge [sflag:s20], $0x4000  }
0x2c: {  	[sflag:s20] =	ssyncset.done $0x0  }
0x2d: {  	[sflag:s20] =	ssyncadd.s32 $0xFFFFC000  }
0x2e: {  	[spmem:s9] =	stream.linear.scatter [tilespmem:s19], [sflag:$0x3], $0x4000, $0x38;
	[tilespmem:$0x1E000] =	vst v63  }
0x2f: {  	_ =	swait.ge [sflag:s20], $0x4000  }
0x30: {  	[sflag:s20] =	ssyncset.done $0x0  }
0x31: {  	[sflag:s20] =	ssyncadd.s32 $0xFFFFC000  }
0x32: {  	[spmem:s10] =	stream.linear.scatter [tilespmem:s19], [sflag:$0x3], $0x4000, $0x38;
	[tilespmem:$0x1E000] =	vst v63  }
0x33: {  	_ =	swait.ge [sflag:s20], $0x4000  }
0x34: {  	[sflag:s20] =	ssyncset.done $0x0  }
0x35: {  	[sflag:s20] =	ssyncadd.s32 $0xFFFFC000  }
0x36: {  	[spmem:s11] =	stream.linear.scatter [tilespmem:s19], [sflag:$0x3], $0x4000, $0x38;
	[tilespmem:$0x1E000] =	vst v63  }
0x37: {  	_ =	swait.ge [sflag:s20], $0x4000  }
0x38: {  	[sflag:s20] =	ssyncset.done $0x0  }
0x39: {  	[sflag:s20] =	ssyncadd.s32 $0xFFFFC000  }
0x3a: {  	s29 =	simm.s32 $0x0;
	s30 =	simm.s32 $0x0;
	[bflag:$0x0] =	sbarrier.arrive $0xFFFF  }
.LBB2_4:
0x3b: {  	s0 =	sshll.u32 s30, $0xC  }
0x3c: {  	s0 =	sadd.s32 s12, s0  }
0x3d: {  	s0 =	sshrl.u32 s0, $0x3  }
0x3e: {  	s31 =	sadd.s32 s5, s0  }
0x3f: {  	[tilespmem:s29], [sflag:$0x3] =	stream.linear.gather [hbm4b:s31+s29], $0xD80, $0x38;
	[tilespmem:$0x1E000] =	vst v63  }
0x40: {  	_ =	swait.ge [sflag:s20], $0xD80  }
0x41: {  	[sflag:s20] =	ssyncset.done $0x0  }
0x42: {  	s0 =	sadd.s32 s6, s0;
	[sflag:s20] =	ssyncadd.s32 $0xFFFFF280  }
0x43: {  	[tilespmem:s21], [sflag:$0x3] =	stream.linear.gather [hbm4b:s0+s29], $0xD80, $0x38;
	[tilespmem:$0x1E000] =	vst v63  }
0x44: {  	_ =	swait.ge [sflag:s20], $0xD80  }
0x45: {  	[sflag:s20] =	ssyncset.done $0x0  }
0x46: {  	[sflag:s20] =	ssyncadd.s32 $0xFFFFF280  }
0x47: {  	[tilespmem:s19], [sflag:$0x1] =	stream.indirect.gather [hbm4b:s4+s22], $0x80, s29, s22, $0xb8;
	[tilespmem:$0x1E000] =	vst v63  }
0x48: {  	s14 =	simm.s32 $0x80  }
0x49: {  	[tilespmem:s23], [sflag:$0x2] =	stream.indirect.gather [hbm4b:s4+s22], $0x80, s14, s22, $0xb8;
	[tilespmem:$0x1E000] =	vst v63  }
0x4a: {  	_ =	swait.ge [sflag:s24], $0x4000  }
0x4b: {  	[sflag:s24] =	ssyncset.done $0x0  }
0x4c: {  	s2 =	simm.s32 $0x1000;
	[sflag:s24] =	ssyncadd.s32 $0xFFFFC000  }
0x4d: {  	[spmem:s1] =	stream.indirect.scatter.add.f32 [tilespmem:s19], [sflag:$0x3], $0x80, s2, s22, $0xb8;
	[tilespmem:$0x1E000] =	vst v63  }
0x4e: {  	_ =	swait.ge [sflag:s20], $0x4000  }
0x4f: {  	[sflag:s20] =	ssyncset.done $0x0  }
0x50: {  	s13 =	simm.s32 $0x100;
	[sflag:s20] =	ssyncadd.s32 $0xFFFFC000  }
0x51: {  	[tilespmem:s19], [sflag:$0x1] =	stream.indirect.gather [hbm4b:s4+s22], $0x80, s13, s22, $0xb8;
	[tilespmem:$0x1E000] =	vst v63  }
0x52: {  	_ =	swait.ge [sflag:s25], $0x4000  }
0x53: {  	[sflag:s25] =	ssyncset.done $0x0  }
0x54: {  	s14 =	simm.s32 $0x1080;
	[sflag:s25] =	ssyncadd.s32 $0xFFFFC000  }
0x55: {  	[spmem:s1] =	stream.indirect.scatter.add.f32 [tilespmem:s23], [sflag:$0x3], $0x80, s14, s22, $0xb8;
	[tilespmem:$0x1E000] =	vst v63  }
0x56: {  	_ =	swait.ge [sflag:s20], $0x4000  }
0x57: {  	s31 =	simm.s32 $0x100;
	s0 =	simm.s32 $0x800;
	[sflag:s20] =	ssyncset.done $0x0  }
.LBB2_5:
0x58: {  	s2 =	sadd.s32 $0x80, s31  }
0x59: {  	[sflag:s20] =	ssyncadd.s32 $0xFFFFC000;
	s13 =	smov.u32 s0;
	s14 =	sadd.s32 $0x400, s0  }
0x5a: {  	[tilespmem:s23], [sflag:$0x2] =	stream.indirect.gather [hbm4b:s4+s22], $0x80, s2, s22, $0xb8;
	[tilespmem:$0x1E000] =	vst v63  }
0x5b: {  	p0 =	sne.s32 s0, $0x3000;
	_ =	swait.ge [sflag:s24], $0x4000  }
0x5c: {  	[sflag:s24] =	ssyncset.done $0x0  }
0x5d: {  	s0 =	sadd.s32 $0x1000, s31;
	[sflag:s24] =	ssyncadd.s32 $0xFFFFC000  }
0x5e: {  	[spmem:s1] =	stream.indirect.scatter.add.f32 [tilespmem:s19], [sflag:$0x3], $0x80, s0, s22, $0xb8;
	[tilespmem:$0x1E000] =	vst v63  }
0x5f: {  	_ =	swait.ge [sflag:s20], $0x4000  }
0x60: {  	[sflag:s20] =	ssyncset.done $0x0  }
0x61: {  	s0 =	sadd.s32 $0x100, s31;
	[sflag:s20] =	ssyncadd.s32 $0xFFFFC000  }
0x62: {  	[tilespmem:s19], [sflag:$0x1] =	stream.indirect.gather [hbm4b:s4+s22], $0x80, s0, s22, $0xb8;
	[tilespmem:$0x1E000] =	vst v63  }
0x63: {  	_ =	swait.ge [sflag:s25], $0x4000  }
.Ltmp1:
0x64: {  	[sflag:s25] =	ssyncset.done $0x0;
	(pc) =	sbr.rel @p0 .LBB2_5-.Ltmp1, $4  }
0x65: {  	s0 =	sadd.s32 $0x1080, s31;
	[sflag:s25] =	ssyncadd.s32 $0xFFFFC000  }
0x66: {  	[spmem:s1] =	stream.indirect.scatter.add.f32 [tilespmem:s23], [sflag:$0x3], $0x80, s0, s22, $0xb8;
	[tilespmem:$0x1E000] =	vst v63  }
0x67: {  	_ =	swait.ge [sflag:s20], $0x4000  }
0x68: {  	s31 =	sshra.s32 s13, $0x2;
	s0 =	smov.u32 s14;
	[sflag:s20] =	ssyncset.done $0x0  }
0x69: {  	s0 =	sadd.s32 $0x80, s31;
	[sflag:s20] =	ssyncadd.s32 $0xFFFFC000  }
0x6a: {  	[tilespmem:s23], [sflag:$0x2] =	stream.indirect.gather [hbm4b:s4+s22], $0x80, s0, s22, $0xb8;
	[tilespmem:$0x1E000] =	vst v63  }
0x6b: {  	_ =	swait.ge [sflag:s24], $0x4000  }
0x6c: {  	[sflag:s24] =	ssyncset.done $0x0  }
0x6d: {  	s13 =	sadd.s32 $0x1000, s31;
	[sflag:s24] =	ssyncadd.s32 $0xFFFFC000  }
0x6e: {  	[spmem:s1] =	stream.indirect.scatter.add.f32 [tilespmem:s19], [sflag:$0x3], $0x80, s13, s22, $0xb8;
	[tilespmem:$0x1E000] =	vst v63  }
0x6f: {  	_ =	swait.ge [sflag:s20], $0x4000  }
0x70: {  	[sflag:s20] =	ssyncset.done $0x0  }
0x71: {  	s14 =	sadd.s32 $0x100, s31;
	[sflag:s20] =	ssyncadd.s32 $0xFFFFC000  }
0x72: {  	[tilespmem:s19], [sflag:$0x1] =	stream.indirect.gather [hbm4b:s4+s22], $0x80, s14, s22, $0xb8;
	[tilespmem:$0x1E000] =	vst v63  }
0x73: {  	_ =	swait.ge [sflag:s25], $0x4000  }
0x74: {  	[sflag:s25] =	ssyncset.done $0x0  }
0x75: {  	s31 =	sadd.s32 $0x1080, s31;
	[sflag:s25] =	ssyncadd.s32 $0xFFFFC000  }
0x76: {  	[spmem:s1] =	stream.indirect.scatter.add.f32 [tilespmem:s23], [sflag:$0x3], $0x80, s31, s22, $0xb8;
	[tilespmem:$0x1E000] =	vst v63  }
0x77: {  	_ =	swait.ge [sflag:s20], $0x4000  }
0x78: {  	[sflag:s20] =	ssyncset.done $0x0  }
0x79: {  	[sflag:s20] =	ssyncadd.s32 $0xFFFFC000  }
0x7a: {  	s30 =	sadd.s32 $0x1, s30;
	_ =	swait.ge [sflag:s24], $0x4000  }
0x7b: {  	p0 =	sne.s32 s30, $0x3;
	[sflag:s24] =	ssyncset.done $0x0  }
.Ltmp2:
0x7c: {  	[sflag:s24] =	ssyncadd.s32 $0xFFFFC000;
	(pc) =	sbr.rel @p0 .LBB2_4-.Ltmp2, $4  }
0x7d: {  	[spmem:s1] =	stream.indirect.scatter.add.f32 [tilespmem:s19], [sflag:$0x3], $0x80, s26, s22, $0xb8;
	[tilespmem:$0x1E000] =	vst v63  }
0x7e: {  	_ =	swait.ge [sflag:s20], $0x4000  }
0x7f: {  	[sflag:s20] =	ssyncset.done $0x0  }
0x80: {  	[sflag:s20] =	ssyncadd.s32 $0xFFFFC000  }
0x81: {  	[bflag:$0x0] =	sbarrier.arrive $0xFFFF  }
0x82: {  	[tilespmem:s19], [sflag:$0x3] =	stream.linear.gather [spmem:s7], $0x4000, $0x38;
	[tilespmem:$0x1E000] =	vst v63  }
0x83: {  	_ =	swait.ge [sflag:s20], $0x4000  }
0x84: {  	[sflag:s20] =	ssyncset.done $0x0  }
0x85: {  	s0 =	rddreg [dreg:$0x3];
	[sflag:s20] =	ssyncadd.s32 $0xFFFFC000  }
0x86: {  	[hbm4b:s0+s3] =	stream.linear.scatter [tilespmem:s19], [sflag:$0x3], $0x4000, $0x38;
	[tilespmem:$0x1E000] =	vst v63  }
0x87: {  	_ =	swait.ge [sflag:s20], $0x4000  }
0x88: {  	[sflag:s20] =	ssyncset.done $0x0  }
0x89: {  	[sflag:s20] =	ssyncadd.s32 $0xFFFFC000  }
0x8a: {  	[tilespmem:s19], [sflag:$0x3] =	stream.linear.gather [spmem:s8], $0x4000, $0x38;
	[tilespmem:$0x1E000] =	vst v63  }
0x8b: {  	_ =	swait.ge [sflag:s20], $0x4000  }
0x8c: {  	[sflag:s20] =	ssyncset.done $0x0  }
0x8d: {  	s31 =	rddreg [dreg:$0x4];
	[sflag:s20] =	ssyncadd.s32 $0xFFFFC000  }
0x8e: {  	[hbm4b:s31+s3] =	stream.linear.scatter [tilespmem:s19], [sflag:$0x3], $0x4000, $0x38;
	[tilespmem:$0x1E000] =	vst v63  }
0x8f: {  	_ =	swait.ge [sflag:s20], $0x4000  }
0x90: {  	[sflag:s20] =	ssyncset.done $0x0  }
0x91: {  	[sflag:s20] =	ssyncadd.s32 $0xFFFFC000  }
0x92: {  	[tilespmem:s19], [sflag:$0x3] =	stream.linear.gather [spmem:s9], $0x4000, $0x38;
	[tilespmem:$0x1E000] =	vst v63  }
0x93: {  	_ =	swait.ge [sflag:s20], $0x4000  }
0x94: {  	[sflag:s20] =	ssyncset.done $0x0  }
0x95: {  	[sflag:s20] =	ssyncadd.s32 $0xFFFFC000  }
0x96: {  	[hbm4b:s15+s3] =	stream.linear.scatter [tilespmem:s19], [sflag:$0x3], $0x4000, $0x38;
	[tilespmem:$0x1E000] =	vst v63  }
0x97: {  	_ =	swait.ge [sflag:s20], $0x4000  }
0x98: {  	[sflag:s20] =	ssyncset.done $0x0  }
0x99: {  	[sflag:s20] =	ssyncadd.s32 $0xFFFFC000  }
0x9a: {  	[tilespmem:s19], [sflag:$0x3] =	stream.linear.gather [spmem:s10], $0x4000, $0x38;
	[tilespmem:$0x1E000] =	vst v63  }
0x9b: {  	_ =	swait.ge [sflag:s20], $0x4000  }
0x9c: {  	[sflag:s20] =	ssyncset.done $0x0  }
0x9d: {  	[sflag:s20] =	ssyncadd.s32 $0xFFFFC000  }
0x9e: {  	[hbm4b:s16+s3] =	stream.linear.scatter [tilespmem:s19], [sflag:$0x3], $0x4000, $0x38;
	[tilespmem:$0x1E000] =	vst v63  }
0x9f: {  	_ =	swait.ge [sflag:s20], $0x4000  }
0xa0: {  	[sflag:s20] =	ssyncset.done $0x0  }
0xa1: {  	[sflag:s20] =	ssyncadd.s32 $0xFFFFC000  }
0xa2: {  	[tilespmem:s19], [sflag:$0x3] =	stream.linear.gather [spmem:s11], $0x4000, $0x38;
	[tilespmem:$0x1E000] =	vst v63  }
0xa3: {  	s28 =	sadd.s32 $0x1, s28;
	_ =	swait.ge [sflag:s20], $0x4000  }
0xa4: {  	p0 =	sne.s32 s28, s18;
	[sflag:s20] =	ssyncset.done $0x0  }
.Ltmp3:
0xa5: {  	[sflag:s20] =	ssyncadd.s32 $0xFFFFC000;
	(pc) =	sbr.rel @p0 .LBB2_1-.Ltmp3, $4  }
0xa6: {  	[hbm4b:s17+s3] =	stream.linear.scatter [tilespmem:s19], [sflag:$0x3], $0x4000, $0x38;
	[tilespmem:$0x1E000] =	vst v63  }
0xa7: {  	_ =	swait.ge [sflag:s20], $0x4000  }
0xa8: {  	[sflag:s20] =	ssyncset.done $0x0  }
0xa9: {  	[sflag:s20] =	ssyncadd.s32 $0xFFFFC000  }
0xaa: {  	_ =	sfence.sel $0x180000  }
0xab: {  	[bflag:$0x0] =	sbarrier.arrive $0xFFFF  }
0xac: {  	_ =	strace $0x9000004D  }
0xad: {  	s0 =	stileid.u32;
	[bflag:$0x2] =	sbarrier.arrive $0xFFFF  }
0xae: {  	p0 =	sne.s32 s0, $0x0;
	s0 =	rddreg [dreg:$0x2]  }
0xaf: {  	s0 =	sadd.s32 @!p0 $0x100000, s0  }
0xb0: {  	[sflag:s0] =	ssyncadd.tile.s32 @!p0 $0x1;
	_ =	shalt  }
.Lfunc_end2:
_tile_overlayer_lowered:
.L_overlay_start_2:
0xb1: {  	(tag) =	ssettag $0x2  }
0xb2: {  	s0 =	rddreg [dreg:$0x0];
	s2 =	stileid.u32  }
0xb3: {  	s1 =	rddreg [dreg:$0x1];
	p0 =	sne.s32 s2, $0x0  }
0xb4: {  	s3 =	rddreg [dreg:$0x2];
	[bflag:$0x3] =	sbarrier.arrive $0xFFFF;
	s2 =	simm.s32 @!p0 $0x1C03  }
0xb5: {  	[timem:s3], [sflag:s2] =	dma.local @!p0 [hbm:s0], s1  }
0xb6: {  	s0 =	simm.s32 @!p0 $0x3  }
0xb7: {  	_ =	swait.ge @!p0 [sflag:s0], s1  }
0xb8: {  	s1 =	ssub.s32 @!p0 $0x0, s1;
	[sflag:s0] =	ssyncset.done @!p0 $0x0  }
0xb9: {  	[sflag:s0] =	ssyncadd.s32 @!p0 s1  }
0xba: {  	[bflag:$0x3] =	sbarrier.arrive $0xFFFF  }
0xbb: {  	_ =	shalt  }

// kernel: kernel.8.cloned.1.call-start
scs
__scs_entry_jumppad:
0x0: {  	(pc) =	sbr.rel $0x88, $3  }
0x1: {  	(tag) =	ssettag $0x0;
	lr =	simm.s32 $0x1  }
0x2: {  	[smem:$0x3F99] =	sst lr;
	_ =	strace $0xD0000000  }
0x3: {  	_ = 	snop  }
0x4: {  	_ = 	snop  }
0x5: {  	_ = 	snop  }
0x6: {  	_ = 	snop  }
0x7: {  	_ = 	snop  }
__scs_overlays_trampoline_lowered:
0x8: {  	[smem:$0x3FA8] =	sst s0  }
0x9: {  	[smem:$0x3FA9] =	sst s1  }
0xa: {  	[smem:$0x3FAA] =	sst s2  }
0xb: {  	[smem:$0x3FAB] =	sst s3  }
0xc: {  	[smem:$0x3FAC] =	sst s4  }
0xd: {  	[smem:$0x3FAD] =	sst s5  }
0xe: {  	[smem:$0x3FAE] =	sst s6  }
0xf: {  	[smem:$0x3FAF] =	sst s7  }
0x10: {  	[smem:$0x3FB0] =	sst s8  }
0x11: {  	[smem:$0x3FB1] =	sst s9;
	s0 =	simm.s32 @!p0 $0x0  }
0x12: {  	s1 =	sld [smem:$0x3F97];
	s0 =	simm.s32 @p0 $0x1  }
0x13: {  	[smem:$0x3FB2] =	sst s0;
	s0 =	simm.s32 @!p1 $0x0  }
0x14: {  	s2 =	sld [smem:$0x3F96];
	s0 =	simm.s32 @p1 $0x1  }
0x15: {  	[smem:$0x3FB3] =	sst s0;
	s0 =	simm.s32 @!p2 $0x0  }
0x16: {  	s3 =	sld [smem:$0x3FDB];
	s0 =	simm.s32 @p2 $0x1  }
0x17: {  	s4 =	simm.s32 $0x1BF5;
	[smem:$0x3FB5] =	sst s0  }
0x18: {  	s0 =	sld [smem:$0x3F98];
	_ =	swait.ge [sflag:s4], $0x0  }
0x19: {  	s7 =	sld [smem:$0x3F99]  }
0x1a: {  	s8 =	sadd.s32 $0xFFFFE003, lr  }
0x1b: {  	s9 =	sadd.s32 $0xFFFFFEF7, lr;
	s5 =	simm.s32 $0xFFFFFFFF;
	p2 =	slt.u32 s8, $0xFFFFF086  }
0x1c: {  	p1 =	slt.u32 s9, $0xF7A;
	s5 =	simm.s32 @!p2 $0x0  }
0x1d: {  	s5 =	simm.s32 @p1 $0x1;
	p0 =	seq.s32 s7, s2  }
0x1e: {  	s7 =	smul.u32 @!p0 $0xF7A, s2;
	p2 =	seq.s32 @!p0 s5, $0x0  }
0x1f: {  	s9 =	smul.u32 $0xF7A, s1;
	s8 =	simm.s32 @!p0 $0x1BF5;
	p2 =	por !p2, p0  }
0x20: {  	[sflag:s8] =	ssyncset.s32 @!p0 $0xFFFFF086;
	s6 =	sadd.s32 @!p0 s3, s7;
	s7 =	simm.s32 @!p0 $0x108  }
0x21: {  	s3 =	sadd.s32 s3, s9;
	s6 =	sadd.s32 @!p0 $0x88, s6;
	s7 =	simm.s32 @p2 $0x1082  }
0x22: {  	[simem:s7], [sflag:s8] =	dma.local @!p0 [hbm:s6], $0xF7A  }
0x23: {  	s9 =	sor.u32 $0xD0000000, s2;
	s6 =	simm.s32 $0x108;
	_ =	swait.ge @!p0 [sflag:s8], $0x0  }
0x24: {  	s3 =	sadd.s32 $0x88, s3;
	s6 =	simm.s32 @!p1 $0x1082;
	[sflag:s4] =	ssyncset.s32 $0xFFFFF086  }
0x25: {  	[simem:s6], [sflag:s4] =	dma.local [hbm:s3], $0xF7A  }
0x26: {  	[smem:$0x3F99] =	sst s1;
	(tag) =	ssettag s2;
	_ =	strace s9  }
0x27: {  	s1 =	sld [smem:$0x3FA9]  }
0x28: {  	s2 =	sld [smem:$0x3FAA]  }
0x29: {  	s4 =	sld [smem:$0x3FAC]  }
0x2a: {  	p0 =	seq.s32 s5, $0x0;
	s5 =	sld [smem:$0x3FAD]  }
0x2b: {  	s6 =	sld [smem:$0x3FAE]  }
0x2c: {  	s7 =	sld [smem:$0x3FAF]  }
0x2d: {  	s3 =	simm.s32 $0x108;
	s8 =	sld [smem:$0x3FB0]  }
0x2e: {  	s3 =	simm.s32 @!p0 $0x1082;
	s9 =	sld [smem:$0x3FB1]  }
0x2f: {  	lr =	sadd.s32 s0, s3;
	s0 =	sld [smem:$0x3FA8]  }
0x30: {  	s3 =	sld [smem:$0x3FAB]  }
0x31: {  	[smem:$0x3FB4] =	sst s10  }
0x32: {  	s10 =	sld [smem:$0x3FB2];
	_ =	sdelay $0x3  }
0x33: {  	p0 =	seq.s32 s10, $0x1;
	s10 =	sld [smem:$0x3FB4];
	_ =	sdelay $0x3  }
0x34: {  	[smem:$0x3FB4] =	sst s10  }
0x35: {  	s10 =	sld [smem:$0x3FB3];
	_ =	sdelay $0x3  }
0x36: {  	p1 =	seq.s32 s10, $0x1;
	s10 =	sld [smem:$0x3FB4];
	_ =	sdelay $0x3  }
0x37: {  	[smem:$0x3FB4] =	sst s10  }
0x38: {  	s10 =	sld [smem:$0x3FB5]  }
0x39: {  	_ = 	snop;
	(pc) =	sbr.ind lr, $3  }
0x3a: {  	_ = 	snop  }
0x3b: {  	_ = 	snop  }
0x3c: {  	p2 =	seq.s32 s10, $0x1;
	s10 =	sld [smem:$0x3FB4]  }
0x3d: {  	_ =	shalt  }
0x3e: {  	_ =	shalt  }
0x3f: {  	_ =	shalt  }
0x40: {  	_ =	shalt  }
0x41: {  	_ =	shalt  }
0x42: {  	_ =	shalt  }
0x43: {  	_ =	shalt  }
0x44: {  	_ =	shalt  }
0x45: {  	_ =	shalt  }
0x46: {  	_ =	shalt  }
0x47: {  	_ =	shalt  }
0x48: {  	_ =	shalt  }
0x49: {  	_ =	shalt  }
0x4a: {  	_ =	shalt  }
0x4b: {  	_ =	shalt  }
0x4c: {  	_ =	shalt  }
0x4d: {  	_ =	shalt  }
0x4e: {  	_ =	shalt  }
0x4f: {  	_ =	shalt  }
0x50: {  	_ =	shalt  }
0x51: {  	_ =	shalt  }
0x52: {  	_ =	shalt  }
0x53: {  	_ =	shalt  }
0x54: {  	_ =	shalt  }
0x55: {  	_ =	shalt  }
0x56: {  	_ =	shalt  }
0x57: {  	_ =	shalt  }
0x58: {  	_ =	shalt  }
0x59: {  	_ =	shalt  }
0x5a: {  	_ =	shalt  }
0x5b: {  	_ =	shalt  }
0x5c: {  	_ =	shalt  }
0x5d: {  	_ =	shalt  }
0x5e: {  	_ =	shalt  }
0x5f: {  	_ =	shalt  }
0x60: {  	_ =	shalt  }
0x61: {  	_ =	shalt  }
0x62: {  	_ =	shalt  }
0x63: {  	_ =	shalt  }
0x64: {  	_ =	shalt  }
0x65: {  	_ =	shalt  }
0x66: {  	_ =	shalt  }
0x67: {  	_ =	shalt  }
0x68: {  	_ =	shalt  }
0x69: {  	_ =	shalt  }
0x6a: {  	_ =	shalt  }
0x6b: {  	_ =	shalt  }
0x6c: {  	_ =	shalt  }
0x6d: {  	_ =	shalt  }
0x6e: {  	_ =	shalt  }
0x6f: {  	_ =	shalt  }
0x70: {  	_ =	shalt  }
0x71: {  	_ =	shalt  }
0x72: {  	_ =	shalt  }
0x73: {  	_ =	shalt  }
0x74: {  	_ =	shalt  }
0x75: {  	_ =	shalt  }
0x76: {  	_ =	shalt  }
0x77: {  	_ =	shalt  }
0x78: {  	_ =	shalt  }
0x79: {  	_ =	shalt  }
0x7a: {  	_ =	shalt  }
0x7b: {  	_ =	shalt  }
0x7c: {  	_ =	shalt  }
0x7d: {  	_ =	shalt  }
0x7e: {  	_ =	shalt  }
0x7f: {  	_ =	shalt  }
0x80: {  	_ =	shalt  }
0x81: {  	_ =	shalt  }
0x82: {  	_ =	shalt  }
0x83: {  	_ =	shalt  }
0x84: {  	_ =	shalt  }
0x85: {  	_ =	shalt  }
0x86: {  	_ =	shalt  }
0x87: {  	_ =	shalt  }
.Lfunc_end0:
.L_simem_size_0:
called_computation_lowered:
.L_overlay_start_0:
0x88: {  	s2 =	sld [smem:$0x3FD9]  }
0x89: {  	s3 =	sld [smem:$0x3FFE];
	_ =	sdelay $0x1  }
0x8a: {  	s1 =	srdreg.scid  }
0x8b: {  	s0 =	sand.u32 $0x1, s1  }
0x8c: {  	s16 =	sshll.u32 s0, $0xA;
	s2 =	sadd.s32 s3, s2  }
0x8d: {  	s2 =	sadd.s32 s2, s16  }
0x8e: {  	[smem:$0x3FC0] =	sst s2  }
0x8f: {  	_ = 	snop  }
0x90: {  	(tm) =	ssettm $0x1  }
0x91: {  	s17 =	sld [smem:$0x3FFB];
	_ =	sdelay $0x3  }
0x92: {  	_ =	strace s17  }
0x93: {  	s2 =	sld [smem:$0x3FFC];
	_ =	sdelay $0x3  }
0x94: {  	_ =	strace s2  }
0x95: {  	s2 =	sld [smem:$0x3FFD];
	_ =	sdelay $0x3  }
0x96: {  	_ =	strace s2  }
0x97: {  	_ =	strace $0x8FFFFFFF  }
0x98: {  	s18 =	sld [smem:$0x3FDB];
	_ =	sdelay $0x1  }
0x99: {  	s19 =	simm.s32 $_scs_section_size  }
0x9a: {  	s4 =	simm.s32 $_size__tile_overlayer_lowered;
	s5 =	simm.s32 $_tile_overlayer_lowered  }
0x9b: {  	s22 =	simm.s32 $0x1BFF;
	s21 =	sshll.u32 s5, $0x1;
	s2 =	sadd.s32 s19, s18  }
0x9c: {  	s6 =	simm.s32 $0x0;
	s20 =	sshll.u32 s4, $0x1;
	s4 =	sadd.s32 s21, s2  }
0x9d: {  	[timem:s6], [sflag:s22] =	dma.local [hbm:s4], s20  }
0x9e: {  	_ =	swait.ge [sflag:s22], s20  }
0x9f: {  	s3 =	ssub.s32 $0x0, s20;
	[sflag:s22] =	ssyncset.done $0x0  }
0xa0: {  	[sflag:s22] =	ssyncadd.s32 s3;
	_ =	sdelay $0x1  }
0xa1: {  	s23 =	simm.s32 $0x1B8B  }
0xa2: {  	_ =	swait.ge [sflag:s23], $0x1  }
0xa3: {  	[sflag:s23] =	ssyncset.done $0x0  }
0xa4: {  	s25 =	simm.s32 $0x1B8E;
	s24 =	sld [smem:$0x3FFE];
	[sflag:s23] =	ssyncadd.s32 $0xFFFFFFFF  }
0xa5: {  	s26 =	simm.s32 $execute0_lowered;
	[smem:$0x3FD2] =	sst s25  }
0xa6: {  	s4 =	sshll.u32 s26, $0x1;
	_ =	strace $0x80000046;
	[dreg:$0x1] =	wrdreg $0xFFFFFFFF  }
0xa7: {  	s28 =	simm.s32 $_size_execute0_lowered;
	s2 =	sadd.s32 s2, s4;
	[dreg:$0x0] =	wrdreg $0x0  }
0xa8: {  	s4 =	sshll.u32 s28, $0x1;
	[dreg:$0x2] =	wrdreg s2  }
0xa9: {  	[dreg:$0x3] =	wrdreg s4  }
0xaa: {  	[dreg:$0x4] =	wrdreg $0xC0  }
0xab: {  	_ =	task [dreg:s6], $0x5FFFF  }
0xac: {  	[dreg:$0x1] =	wrdreg $0xFFFFFFFF  }
0xad: {  	[dreg:$0x0] =	wrdreg $0x60  }
0xae: {  	[dreg:$0x2] =	wrdreg s24  }
0xaf: {  	[dreg:$0x3] =	wrdreg $0x13000  }
0xb0: {  	[dreg:$0x4] =	wrdreg $0x9  }
0xb1: {  	_ =	task.clear_ibuf [dreg:s6], $0x5FFFF;
	_ =	strace $0x90000046  }
0xb2: {  	s29 =	simm.s32 $0x9;
	_ =	strace $0x80000048  }
0xb3: {  	_ =	swait.ge [sflag:s29], $0x1  }
0xb4: {  	[sflag:s29] =	ssyncadd.s32 $0xFFFFFFFF  }
0xb5: {  	_ =	strace $0x90000048  }
0xb6: {  	_ =	sfence  }
0xb7: {  	s30 =	sld [smem:$0x0];
	_ =	sdelay $0x2  }
0xb8: {  	s31 =	sshll.u32 s1, $0xD;
	s1 =	sshrl.u32 s1, $0x2  }
0xb9: {  	s3 =	sand.u32 $0x4000, s31;
	s1 =	sadd.s32 s1, s30  }
0xba: {  	s0 =	sor.u32 s3, s0;
	s1 =	sshll.u32 s1, $0x11  }
0xbb: {  	s0 =	sor.u32 s1, s0  }
0xbc: {  	s0 =	sadd.s32 $0x8F2B, s0  }
0xbd: {  	[sflag:s0] =	ssyncadd.remote.s32 $0x1  }
0xbe: {  	_ =	sfence.sel $0xFFFF  }
0xbf: {  	[dreg:$0x0] =	wrdreg $0xFFFFFFFF;
	(pc) =	sbr.abs _section_cstart, $3  }
0xc0: {  	[dreg:$0x1] =	wrdreg $0xFFFFFFFF  }
0xc1: {  	_ =	task.clear_ibuf [dreg:s6], $0x2FFFF;
	_ =	strace $0x9FFFFFFF  }
0xc2: {  	(tm) =	ssettm $0x7FFFFFFF  }
0xc3: {  	_ =	shalt  }
tec
execute0_lowered:
.L_overlay_start_1:
0x0: {  	(tag) =	ssettag $0x1  }
0x1: {  	s0 =	srdreg.scid  }
0x2: {  	s3 =	stileid.u32;
	s4 =	rddreg [dreg:$0x0]  }
0x3: {  	s2 =	rddreg [dreg:$0x1];
	s8 =	simm.s32 $0x3;
	s23 =	simm.s32 $0x100  }
0x4: {  	s9 =	simm.s32 $0x80;
	s24 =	simm.s32 $0x180;
	s10 =	simm.s32 $0x1000  }
0x5: {  	s25 =	simm.s32 $0x200;
	s11 =	simm.s32 $0x1;
	s26 =	simm.s32 $0x280  }
0x6: {  	s12 =	simm.s32 $0x2;
	s13 =	simm.s32 $0x300;
	s14 =	simm.s32 $0x380  }
0x7: {  	s15 =	simm.s32 $0x400;
	s16 =	simm.s32 $0x480;
	s17 =	simm.s32 $0x500  }
0x8: {  	s18 =	simm.s32 $0x580;
	s19 =	simm.s32 $0x600;
	s5 =	smul.u32 $0x3000, s3  }
0x9: {  	s20 =	simm.s32 $0x680;
	s6 =	smul.u32 $0x280, s3;
	s3 =	simm.s32 $0x0  }
0xa: {  	s28 =	simm.s32 $0xA00;
	s29 =	simm.s32 $0xA80;
	[smem:$0x7FF] =	sst s3  }
0xb: {  	s0 =	sand.u32 $0x1, s0;
	_ =	strace $0x80000047;
	[dreg:$0x4] =	wrdreg s23  }
0xc: {  	s30 =	simm.s32 $0xB00;
	s1 =	smul.u32 $0x30000, s0;
	[dreg:$0x5] =	wrdreg s24  }
0xd: {  	s7 =	smul.u32 $0x2800, s0;
	s0 =	ssub.s32 $0x2, s0;
	[dreg:$0x6] =	wrdreg s25  }
0xe: {  	s31 =	simm.s32 $0xB80;
	s22 =	sshrl.u32 s0, $0x1;
	[dreg:$0x7] =	wrdreg s26  }
0xf: {  	s23 =	simm.s32 $0x800;
	s24 =	simm.s32 $0x880;
	s25 =	simm.s32 $0x900  }
0x10: {  	s26 =	simm.s32 $0x980;
	s1 =	sadd.s32 s5, s1;
	s21 =	sadd.s32 s6, s7  }
0x11: {  	s0 =	ssub.s32 s0, s22;
	s1 =	sshrl.u32 s1, $0x3;
	s5 =	sshrl.u32 s21, $0x3  }
0x12: {  	s0 =	smax.u32 s0, $0x1;
	s1 =	sadd.s32 s1, s4;
	s5 =	sadd.s32 s5, s4  }
0x13: {  	s4 =	sadd.s32 s6, s2;
	[dreg:$0xa] =	wrdreg s0;
	s6 =	simm.s32 $0x0  }
0x14: {  	s7 =	simm.s32 $0x1080;
	s22 =	simm.s32 $0x780;
	[dreg:$0xb] =	wrdreg s6  }
0x15: {  	s21 =	simm.s32 $0x700;
	s5 =	sadd.s32 $0xDA00, s5;
	[dreg:$0x8] =	wrdreg s4  }
0x16: {  	s0 =	simm.s32 $0xC80;
	s1 =	sadd.s32 $0x1A00, s1;
	[dreg:$0x9] =	wrdreg s5  }
0x17: {  	v0 =	vimm.f32 $1.000000000e+00;
	v1 =	vimm.f32 $0.0e+00;
	[dreg:$0x3] =	wrdreg s1;
	s1 =	simm.s32 $0xC00;
	s5 =	simm.s32 $0xD00  }
.LBB2_1:
0x18: {  	[tilespmem:$0x1000] =	vst v0  }
0x19: {  	[tilespmem:$0x1010] =	vst v0  }
0x1a: {  	[tilespmem:$0x1020] =	vst v0  }
0x1b: {  	[tilespmem:$0x1030] =	vst v0  }
0x1c: {  	[tilespmem:$0x1040] =	vst v0  }
0x1d: {  	[tilespmem:$0x1050] =	vst v0  }
0x1e: {  	[tilespmem:$0x1060] =	vst v0  }
0x1f: {  	[tilespmem:$0x1070] =	vst v0  }
0x20: {  	[tilespmem:$0x1080] =	vst v1  }
0x21: {  	[tilespmem:$0x1090] =	vst v1  }
0x22: {  	[tilespmem:$0x10A0] =	vst v1  }
0x23: {  	[tilespmem:$0x10B0] =	vst v1  }
0x24: {  	[tilespmem:$0x10C0] =	vst v1  }
0x25: {  	[tilespmem:$0x10D0] =	vst v1  }
0x26: {  	[tilespmem:$0x10E0] =	vst v1  }
0x27: {  	[tilespmem:$0x10F0] =	vst v1  }
0x28: {  	[tilespmem:$0x1100] =	vst v1  }
0x29: {  	[tilespmem:$0x1110] =	vst v1  }
0x2a: {  	[tilespmem:$0x1120] =	vst v1  }
0x2b: {  	[tilespmem:$0x1130] =	vst v1  }
0x2c: {  	[tilespmem:$0x1140] =	vst v1  }
0x2d: {  	[tilespmem:$0x1150] =	vst v1  }
0x2e: {  	[tilespmem:$0x1160] =	vst v1  }
0x2f: {  	[tilespmem:$0x1170] =	vst v1  }
0x30: {  	[tilespmem:$0x1180] =	vst v1  }
0x31: {  	[tilespmem:$0x1190] =	vst v1  }
0x32: {  	[tilespmem:$0x11A0] =	vst v1  }
0x33: {  	[tilespmem:$0x11B0] =	vst v1  }
0x34: {  	[tilespmem:$0x11C0] =	vst v1  }
0x35: {  	[tilespmem:$0x11D0] =	vst v1  }
0x36: {  	[tilespmem:$0x11E0] =	vst v1  }
0x37: {  	[tilespmem:$0x11F0] =	vst v1  }
0x38: {  	[tilespmem:$0x1200] =	vst v1  }
0x39: {  	[tilespmem:$0x1210] =	vst v1  }
0x3a: {  	[tilespmem:$0x1220] =	vst v1  }
0x3b: {  	[tilespmem:$0x1230] =	vst v1  }
0x3c: {  	[tilespmem:$0x1240] =	vst v1  }
0x3d: {  	[tilespmem:$0x1250] =	vst v1  }
0x3e: {  	[tilespmem:$0x1260] =	vst v1  }
0x3f: {  	[tilespmem:$0x1270] =	vst v1  }
0x40: {  	[tilespmem:$0x1280] =	vst v1  }
0x41: {  	[tilespmem:$0x1290] =	vst v1  }
0x42: {  	[tilespmem:$0x12A0] =	vst v1  }
0x43: {  	[tilespmem:$0x12B0] =	vst v1  }
0x44: {  	[tilespmem:$0x12C0] =	vst v1  }
0x45: {  	[tilespmem:$0x12D0] =	vst v1  }
0x46: {  	[tilespmem:$0x12E0] =	vst v1  }
0x47: {  	[tilespmem:$0x12F0] =	vst v1  }
0x48: {  	[spmem:s4] =	stream.linear.scatter [tilespmem:s7], [sflag:$0x3], $0x280, $0x38;
	[tilespmem:$0x1580] =	vst v63  }
0x49: {  	_ =	swait.ge [sflag:s8], $0x280  }
0x4a: {  	[sflag:s8] =	ssyncset.done $0x0  }
0x4b: {  	[sflag:s8] =	ssyncadd.s32 $0xFFFFFD80  }
0x4c: {  	[bflag:$0x0] =	sbarrier.arrive $0xFFFF  }
0x4d: {  	s6 =	rddreg [dreg:$0x3]  }
0x4e: {  	s7 =	sadd.s32 $0x0, s6  }
0x4f: {  	[tilespmem:s3], [sflag:$0x3] =	stream.linear.gather [hbm4b:s7+s3], $0xD80, $0x38;
	[tilespmem:$0x1580] =	vst v63  }
0x50: {  	_ =	swait.ge [sflag:s8], $0xD80  }
0x51: {  	[sflag:s8] =	ssyncset.done $0x0  }
0x52: {  	[sflag:s8] =	ssyncadd.s32 $0xFFFFF280  }
0x53: {  	[spmem:s2] =	stream.indirect.scatter.add.f32 [tilespmem:s10], [sflag:$0x1], $0x1, s3, s9, $0xb8;
	[tilespmem:$0x1580] =	vst v63  }
0x54: {  	_ = 	snop  }
0x55: {  	[spmem:s2] =	stream.indirect.scatter.add.f32 [tilespmem:s10], [sflag:$0x2], $0x1, s9, s9, $0xb8;
	[tilespmem:$0x1580] =	vst v63  }
0x56: {  	_ =	swait.ge [sflag:s11], $0x80  }
0x57: {  	[sflag:s11] =	ssyncset.done $0x0  }
0x58: {  	s4 =	rddreg [dreg:$0x4];
	[sflag:s11] =	ssyncadd.s32 $0xFFFFFF80  }
0x59: {  	[spmem:s2] =	stream.indirect.scatter.add.f32 [tilespmem:s10], [sflag:$0x1], $0x1, s4, s9, $0xb8;
	[tilespmem:$0x1580] =	vst v63  }
0x5a: {  	_ =	swait.ge [sflag:s12], $0x80  }
0x5b: {  	[sflag:s12] =	ssyncset.done $0x0  }
0x5c: {  	s6 =	rddreg [dreg:$0x5];
	[sflag:s12] =	ssyncadd.s32 $0xFFFFFF80  }
0x5d: {  	[spmem:s2] =	stream.indirect.scatter.add.f32 [tilespmem:s10], [sflag:$0x2], $0x1, s6, s9, $0xb8;
	[tilespmem:$0x1580] =	vst v63  }
0x5e: {  	_ =	swait.ge [sflag:s11], $0x80  }
0x5f: {  	[sflag:s11] =	ssyncset.done $0x0  }
0x60: {  	s4 =	rddreg [dreg:$0x6];
	[sflag:s11] =	ssyncadd.s32 $0xFFFFFF80  }
0x61: {  	[spmem:s2] =	stream.indirect.scatter.add.f32 [tilespmem:s10], [sflag:$0x1], $0x1, s4, s9, $0xb8;
	[tilespmem:$0x1580] =	vst v63  }
0x62: {  	_ =	swait.ge [sflag:s12], $0x80  }
0x63: {  	[sflag:s12] =	ssyncset.done $0x0  }
0x64: {  	s6 =	rddreg [dreg:$0x7];
	[sflag:s12] =	ssyncadd.s32 $0xFFFFFF80  }
0x65: {  	[spmem:s2] =	stream.indirect.scatter.add.f32 [tilespmem:s10], [sflag:$0x2], $0x1, s6, s9, $0xb8;
	[tilespmem:$0x1580] =	vst v63  }
0x66: {  	_ =	swait.ge [sflag:s11], $0x80  }
0x67: {  	[sflag:s11] =	ssyncset.done $0x0  }
0x68: {  	[sflag:s11] =	ssyncadd.s32 $0xFFFFFF80  }
0x69: {  	[spmem:s2] =	stream.indirect.scatter.add.f32 [tilespmem:s10], [sflag:$0x1], $0x1, s13, s9, $0xb8;
	[tilespmem:$0x1580] =	vst v63  }
0x6a: {  	_ =	swait.ge [sflag:s12], $0x80  }
0x6b: {  	[sflag:s12] =	ssyncset.done $0x0  }
0x6c: {  	[sflag:s12] =	ssyncadd.s32 $0xFFFFFF80  }
0x6d: {  	[spmem:s2] =	stream.indirect.scatter.add.f32 [tilespmem:s10], [sflag:$0x2], $0x1, s14, s9, $0xb8;
	[tilespmem:$0x1580] =	vst v63  }
0x6e: {  	_ =	swait.ge [sflag:s11], $0x80  }
0x6f: {  	[sflag:s11] =	ssyncset.done $0x0  }
0x70: {  	[sflag:s11] =	ssyncadd.s32 $0xFFFFFF80  }
0x71: {  	[spmem:s2] =	stream.indirect.scatter.add.f32 [tilespmem:s10], [sflag:$0x1], $0x1, s15, s9, $0xb8;
	[tilespmem:$0x1580] =	vst v63  }
0x72: {  	_ =	swait.ge [sflag:s12], $0x80  }
0x73: {  	[sflag:s12] =	ssyncset.done $0x0  }
0x74: {  	[sflag:s12] =	ssyncadd.s32 $0xFFFFFF80  }
0x75: {  	[spmem:s2] =	stream.indirect.scatter.add.f32 [tilespmem:s10], [sflag:$0x2], $0x1, s16, s9, $0xb8;
	[tilespmem:$0x1580] =	vst v63  }
0x76: {  	_ =	swait.ge [sflag:s11], $0x80  }
0x77: {  	[sflag:s11] =	ssyncset.done $0x0  }
0x78: {  	[sflag:s11] =	ssyncadd.s32 $0xFFFFFF80  }
0x79: {  	[spmem:s2] =	stream.indirect.scatter.add.f32 [tilespmem:s10], [sflag:$0x1], $0x1, s17, s9, $0xb8;
	[tilespmem:$0x1580] =	vst v63  }
0x7a: {  	_ =	swait.ge [sflag:s12], $0x80  }
0x7b: {  	[sflag:s12] =	ssyncset.done $0x0  }
0x7c: {  	[sflag:s12] =	ssyncadd.s32 $0xFFFFFF80  }
0x7d: {  	[spmem:s2] =	stream.indirect.scatter.add.f32 [tilespmem:s10], [sflag:$0x2], $0x1, s18, s9, $0xb8;
	[tilespmem:$0x1580] =	vst v63  }
0x7e: {  	_ =	swait.ge [sflag:s11], $0x80  }
0x7f: {  	[sflag:s11] =	ssyncset.done $0x0  }
0x80: {  	[sflag:s11] =	ssyncadd.s32 $0xFFFFFF80  }
0x81: {  	[spmem:s2] =	stream.indirect.scatter.add.f32 [tilespmem:s10], [sflag:$0x1], $0x1, s19, s9, $0xb8;
	[tilespmem:$0x1580] =	vst v63  }
0x82: {  	_ =	swait.ge [sflag:s12], $0x80  }
0x83: {  	[sflag:s12] =	ssyncset.done $0x0  }
0x84: {  	[sflag:s12] =	ssyncadd.s32 $0xFFFFFF80  }
0x85: {  	[spmem:s2] =	stream.indirect.scatter.add.f32 [tilespmem:s10], [sflag:$0x2], $0x1, s20, s9, $0xb8;
	[tilespmem:$0x1580] =	vst v63  }
0x86: {  	_ =	swait.ge [sflag:s11], $0x80  }
0x87: {  	[sflag:s11] =	ssyncset.done $0x0  }
0x88: {  	[sflag:s11] =	ssyncadd.s32 $0xFFFFFF80  }
0x89: {  	[spmem:s2] =	stream.indirect.scatter.add.f32 [tilespmem:s10], [sflag:$0x1], $0x1, s21, s9, $0xb8;
	[tilespmem:$0x1580] =	vst v63  }
0x8a: {  	_ =	swait.ge [sflag:s12], $0x80  }
0x8b: {  	[sflag:s12] =	ssyncset.done $0x0  }
0x8c: {  	[sflag:s12] =	ssyncadd.s32 $0xFFFFFF80  }
0x8d: {  	[spmem:s2] =	stream.indirect.scatter.add.f32 [tilespmem:s10], [sflag:$0x2], $0x1, s22, s9, $0xb8;
	[tilespmem:$0x1580] =	vst v63  }
0x8e: {  	_ =	swait.ge [sflag:s11], $0x80  }
0x8f: {  	[sflag:s11] =	ssyncset.done $0x0  }
0x90: {  	[sflag:s11] =	ssyncadd.s32 $0xFFFFFF80  }
0x91: {  	[spmem:s2] =	stream.indirect.scatter.add.f32 [tilespmem:s10], [sflag:$0x1], $0x1, s23, s9, $0xb8;
	[tilespmem:$0x1580] =	vst v63  }
0x92: {  	_ =	swait.ge [sflag:s12], $0x80  }
0x93: {  	[sflag:s12] =	ssyncset.done $0x0  }
0x94: {  	[sflag:s12] =	ssyncadd.s32 $0xFFFFFF80  }
0x95: {  	[spmem:s2] =	stream.indirect.scatter.add.f32 [tilespmem:s10], [sflag:$0x2], $0x1, s24, s9, $0xb8;
	[tilespmem:$0x1580] =	vst v63  }
0x96: {  	_ =	swait.ge [sflag:s11], $0x80  }
0x97: {  	[sflag:s11] =	ssyncset.done $0x0  }
0x98: {  	[sflag:s11] =	ssyncadd.s32 $0xFFFFFF80  }
0x99: {  	[spmem:s2] =	stream.indirect.scatter.add.f32 [tilespmem:s10], [sflag:$0x1], $0x1, s25, s9, $0xb8;
	[tilespmem:$0x1580] =	vst v63  }
0x9a: {  	_ =	swait.ge [sflag:s12], $0x80  }
0x9b: {  	[sflag:s12] =	ssyncset.done $0x0  }
0x9c: {  	[sflag:s12] =	ssyncadd.s32 $0xFFFFFF80  }
0x9d: {  	[spmem:s2] =	stream.indirect.scatter.add.f32 [tilespmem:s10], [sflag:$0x2], $0x1, s26, s9, $0xb8;
	[tilespmem:$0x1580] =	vst v63  }
0x9e: {  	_ =	swait.ge [sflag:s11], $0x80  }
0x9f: {  	[sflag:s11] =	ssyncset.done $0x0  }
0xa0: {  	[sflag:s11] =	ssyncadd.s32 $0xFFFFFF80  }
0xa1: {  	[spmem:s2] =	stream.indirect.scatter.add.f32 [tilespmem:s10], [sflag:$0x1], $0x1, s28, s9, $0xb8;
	[tilespmem:$0x1580] =	vst v63  }
0xa2: {  	_ =	swait.ge [sflag:s12], $0x80  }
0xa3: {  	[sflag:s12] =	ssyncset.done $0x0  }
0xa4: {  	[sflag:s12] =	ssyncadd.s32 $0xFFFFFF80  }
0xa5: {  	[spmem:s2] =	stream.indirect.scatter.add.f32 [tilespmem:s10], [sflag:$0x2], $0x1, s29, s9, $0xb8;
	[tilespmem:$0x1580] =	vst v63  }
0xa6: {  	_ =	swait.ge [sflag:s11], $0x80  }
0xa7: {  	[sflag:s11] =	ssyncset.done $0x0  }
0xa8: {  	[sflag:s11] =	ssyncadd.s32 $0xFFFFFF80  }
0xa9: {  	[spmem:s2] =	stream.indirect.scatter.add.f32 [tilespmem:s10], [sflag:$0x1], $0x1, s30, s9, $0xb8;
	[tilespmem:$0x1580] =	vst v63  }
0xaa: {  	_ =	swait.ge [sflag:s12], $0x80  }
0xab: {  	[sflag:s12] =	ssyncset.done $0x0  }
0xac: {  	[sflag:s12] =	ssyncadd.s32 $0xFFFFFF80  }
0xad: {  	[spmem:s2] =	stream.indirect.scatter.add.f32 [tilespmem:s10], [sflag:$0x2], $0x1, s31, s9, $0xb8;
	[tilespmem:$0x1580] =	vst v63  }
0xae: {  	_ =	swait.ge [sflag:s11], $0x80  }
0xaf: {  	[sflag:s11] =	ssyncset.done $0x0  }
0xb0: {  	[sflag:s11] =	ssyncadd.s32 $0xFFFFFF80  }
0xb1: {  	[spmem:s2] =	stream.indirect.scatter.add.f32 [tilespmem:s10], [sflag:$0x1], $0x1, s1, s9, $0xb8;
	[tilespmem:$0x1580] =	vst v63  }
0xb2: {  	_ =	swait.ge [sflag:s12], $0x80  }
0xb3: {  	[sflag:s12] =	ssyncset.done $0x0  }
0xb4: {  	[sflag:s12] =	ssyncadd.s32 $0xFFFFFF80  }
0xb5: {  	[spmem:s2] =	stream.indirect.scatter.add.f32 [tilespmem:s10], [sflag:$0x2], $0x1, s0, s9, $0xb8;
	[tilespmem:$0x1580] =	vst v63  }
0xb6: {  	_ =	swait.ge [sflag:s11], $0x80  }
0xb7: {  	[sflag:s11] =	ssyncset.done $0x0  }
0xb8: {  	[sflag:s11] =	ssyncadd.s32 $0xFFFFFF80  }
0xb9: {  	[spmem:s2] =	stream.indirect.scatter.add.f32 [tilespmem:s10], [sflag:$0x1], $0x1, s5, s9, $0xb8;
	[tilespmem:$0x1580] =	vst v63  }
0xba: {  	_ =	swait.ge [sflag:s12], $0x80  }
0xbb: {  	[sflag:s12] =	ssyncset.done $0x0  }
0xbc: {  	[sflag:s12] =	ssyncadd.s32 $0xFFFFFF80  }
0xbd: {  	_ =	swait.ge [sflag:s11], $0x80  }
0xbe: {  	s7 =	simm.s32 $0x200;
	[sflag:s11] =	ssyncset.done $0x0  }
.LBB2_2:
0xbf: {  	s4 =	rddreg [dreg:$0x3];
	s6 =	smov.u32 s7  }
0xc0: {  	[sflag:s11] =	ssyncadd.s32 $0xFFFFFF80;
	s4 =	sadd.s32 s6, s4  }
0xc1: {  	[tilespmem:s3], [sflag:$0x3] =	stream.linear.gather [hbm4b:s4+s3], $0xD80, $0x38;
	[tilespmem:$0x1580] =	vst v63  }
0xc2: {  	_ =	swait.ge [sflag:s8], $0xD80  }
0xc3: {  	[sflag:s8] =	ssyncset.done $0x0  }
0xc4: {  	[sflag:s8] =	ssyncadd.s32 $0xFFFFF280  }
0xc5: {  	[spmem:s2] =	stream.indirect.scatter.add.f32 [tilespmem:s10], [sflag:$0x1], $0x1, s3, s9, $0xb8;
	[tilespmem:$0x1580] =	vst v63  }
0xc6: {  	_ = 	snop  }
0xc7: {  	[spmem:s2] =	stream.indirect.scatter.add.f32 [tilespmem:s10], [sflag:$0x2], $0x1, s9, s9, $0xb8;
	[tilespmem:$0x1580] =	vst v63  }
0xc8: {  	_ =	swait.ge [sflag:s11], $0x80  }
0xc9: {  	[sflag:s11] =	ssyncset.done $0x0  }
0xca: {  	s6 =	rddreg [dreg:$0x4];
	[sflag:s11] =	ssyncadd.s32 $0xFFFFFF80  }
0xcb: {  	[spmem:s2] =	stream.indirect.scatter.add.f32 [tilespmem:s10], [sflag:$0x1], $0x1, s6, s9, $0xb8;
	[tilespmem:$0x1580] =	vst v63  }
0xcc: {  	_ =	swait.ge [sflag:s12], $0x80  }
0xcd: {  	[sflag:s12] =	ssyncset.done $0x0  }
0xce: {  	s6 =	rddreg [dreg:$0x5];
	[sflag:s12] =	ssyncadd.s32 $0xFFFFFF80  }
0xcf: {  	[spmem:s2] =	stream.indirect.scatter.add.f32 [tilespmem:s10], [sflag:$0x2], $0x1, s6, s9, $0xb8;
	[tilespmem:$0x1580] =	vst v63  }
0xd0: {  	_ =	swait.ge [sflag:s11], $0x80  }
0xd1: {  	[sflag:s11] =	ssyncset.done $0x0  }
0xd2: {  	s6 =	rddreg [dreg:$0x6];
	[sflag:s11] =	ssyncadd.s32 $0xFFFFFF80  }
0xd3: {  	[spmem:s2] =	stream.indirect.scatter.add.f32 [tilespmem:s10], [sflag:$0x1], $0x1, s6, s9, $0xb8;
	[tilespmem:$0x1580] =	vst v63  }
0xd4: {  	_ =	swait.ge [sflag:s12], $0x80  }
0xd5: {  	[sflag:s12] =	ssyncset.done $0x0  }
0xd6: {  	s6 =	rddreg [dreg:$0x7];
	[sflag:s12] =	ssyncadd.s32 $0xFFFFFF80  }
0xd7: {  	[spmem:s2] =	stream.indirect.scatter.add.f32 [tilespmem:s10], [sflag:$0x2], $0x1, s6, s9, $0xb8;
	[tilespmem:$0x1580] =	vst v63  }
0xd8: {  	_ =	swait.ge [sflag:s11], $0x80  }
0xd9: {  	[sflag:s11] =	ssyncset.done $0x0  }
0xda: {  	[sflag:s11] =	ssyncadd.s32 $0xFFFFFF80  }
0xdb: {  	[spmem:s2] =	stream.indirect.scatter.add.f32 [tilespmem:s10], [sflag:$0x1], $0x1, s13, s9, $0xb8;
	[tilespmem:$0x1580] =	vst v63  }
0xdc: {  	_ =	swait.ge [sflag:s12], $0x80  }
0xdd: {  	[sflag:s12] =	ssyncset.done $0x0  }
0xde: {  	[sflag:s12] =	ssyncadd.s32 $0xFFFFFF80  }
0xdf: {  	[spmem:s2] =	stream.indirect.scatter.add.f32 [tilespmem:s10], [sflag:$0x2], $0x1, s14, s9, $0xb8;
	[tilespmem:$0x1580] =	vst v63  }
0xe0: {  	_ =	swait.ge [sflag:s11], $0x80  }
0xe1: {  	[sflag:s11] =	ssyncset.done $0x0  }
0xe2: {  	[sflag:s11] =	ssyncadd.s32 $0xFFFFFF80  }
0xe3: {  	[spmem:s2] =	stream.indirect.scatter.add.f32 [tilespmem:s10], [sflag:$0x1], $0x1, s15, s9, $0xb8;
	[tilespmem:$0x1580] =	vst v63  }
0xe4: {  	_ =	swait.ge [sflag:s12], $0x80  }
0xe5: {  	[sflag:s12] =	ssyncset.done $0x0  }
0xe6: {  	[sflag:s12] =	ssyncadd.s32 $0xFFFFFF80  }
0xe7: {  	[spmem:s2] =	stream.indirect.scatter.add.f32 [tilespmem:s10], [sflag:$0x2], $0x1, s16, s9, $0xb8;
	[tilespmem:$0x1580] =	vst v63  }
0xe8: {  	_ =	swait.ge [sflag:s11], $0x80  }
0xe9: {  	[sflag:s11] =	ssyncset.done $0x0  }
0xea: {  	[sflag:s11] =	ssyncadd.s32 $0xFFFFFF80  }
0xeb: {  	[spmem:s2] =	stream.indirect.scatter.add.f32 [tilespmem:s10], [sflag:$0x1], $0x1, s17, s9, $0xb8;
	[tilespmem:$0x1580] =	vst v63  }
0xec: {  	_ =	swait.ge [sflag:s12], $0x80  }
0xed: {  	[sflag:s12] =	ssyncset.done $0x0  }
0xee: {  	[sflag:s12] =	ssyncadd.s32 $0xFFFFFF80  }
0xef: {  	[spmem:s2] =	stream.indirect.scatter.add.f32 [tilespmem:s10], [sflag:$0x2], $0x1, s18, s9, $0xb8;
	[tilespmem:$0x1580] =	vst v63  }
0xf0: {  	_ =	swait.ge [sflag:s11], $0x80  }
0xf1: {  	[sflag:s11] =	ssyncset.done $0x0  }
0xf2: {  	[sflag:s11] =	ssyncadd.s32 $0xFFFFFF80  }
0xf3: {  	[spmem:s2] =	stream.indirect.scatter.add.f32 [tilespmem:s10], [sflag:$0x1], $0x1, s19, s9, $0xb8;
	[tilespmem:$0x1580] =	vst v63  }
0xf4: {  	_ =	swait.ge [sflag:s12], $0x80  }
0xf5: {  	[sflag:s12] =	ssyncset.done $0x0  }
0xf6: {  	[sflag:s12] =	ssyncadd.s32 $0xFFFFFF80  }
0xf7: {  	[spmem:s2] =	stream.indirect.scatter.add.f32 [tilespmem:s10], [sflag:$0x2], $0x1, s20, s9, $0xb8;
	[tilespmem:$0x1580] =	vst v63  }
0xf8: {  	_ =	swait.ge [sflag:s11], $0x80  }
0xf9: {  	[sflag:s11] =	ssyncset.done $0x0  }
0xfa: {  	[sflag:s11] =	ssyncadd.s32 $0xFFFFFF80  }
0xfb: {  	[spmem:s2] =	stream.indirect.scatter.add.f32 [tilespmem:s10], [sflag:$0x1], $0x1, s21, s9, $0xb8;
	[tilespmem:$0x1580] =	vst v63  }
0xfc: {  	_ =	swait.ge [sflag:s12], $0x80  }
0xfd: {  	[sflag:s12] =	ssyncset.done $0x0  }
0xfe: {  	[sflag:s12] =	ssyncadd.s32 $0xFFFFFF80  }
0xff: {  	[spmem:s2] =	stream.indirect.scatter.add.f32 [tilespmem:s10], [sflag:$0x2], $0x1, s22, s9, $0xb8;
	[tilespmem:$0x1580] =	vst v63  }
0x100: {  	_ =	swait.ge [sflag:s11], $0x80  }
0x101: {  	[sflag:s11] =	ssyncset.done $0x0  }
0x102: {  	[sflag:s11] =	ssyncadd.s32 $0xFFFFFF80  }
0x103: {  	[spmem:s2] =	stream.indirect.scatter.add.f32 [tilespmem:s10], [sflag:$0x1], $0x1, s23, s9, $0xb8;
	[tilespmem:$0x1580] =	vst v63  }
0x104: {  	_ =	swait.ge [sflag:s12], $0x80  }
0x105: {  	[sflag:s12] =	ssyncset.done $0x0  }
0x106: {  	[sflag:s12] =	ssyncadd.s32 $0xFFFFFF80  }
0x107: {  	[spmem:s2] =	stream.indirect.scatter.add.f32 [tilespmem:s10], [sflag:$0x2], $0x1, s24, s9, $0xb8;
	[tilespmem:$0x1580] =	vst v63  }
0x108: {  	_ =	swait.ge [sflag:s11], $0x80  }
0x109: {  	[sflag:s11] =	ssyncset.done $0x0  }
0x10a: {  	[sflag:s11] =	ssyncadd.s32 $0xFFFFFF80  }
0x10b: {  	[spmem:s2] =	stream.indirect.scatter.add.f32 [tilespmem:s10], [sflag:$0x1], $0x1, s25, s9, $0xb8;
	[tilespmem:$0x1580] =	vst v63  }
0x10c: {  	_ =	swait.ge [sflag:s12], $0x80  }
0x10d: {  	[sflag:s12] =	ssyncset.done $0x0  }
0x10e: {  	[sflag:s12] =	ssyncadd.s32 $0xFFFFFF80  }
0x10f: {  	[spmem:s2] =	stream.indirect.scatter.add.f32 [tilespmem:s10], [sflag:$0x2], $0x1, s26, s9, $0xb8;
	[tilespmem:$0x1580] =	vst v63  }
0x110: {  	_ =	swait.ge [sflag:s11], $0x80  }
0x111: {  	[sflag:s11] =	ssyncset.done $0x0  }
0x112: {  	[sflag:s11] =	ssyncadd.s32 $0xFFFFFF80  }
0x113: {  	[spmem:s2] =	stream.indirect.scatter.add.f32 [tilespmem:s10], [sflag:$0x1], $0x1, s28, s9, $0xb8;
	[tilespmem:$0x1580] =	vst v63  }
0x114: {  	_ =	swait.ge [sflag:s12], $0x80  }
0x115: {  	[sflag:s12] =	ssyncset.done $0x0  }
0x116: {  	[sflag:s12] =	ssyncadd.s32 $0xFFFFFF80  }
0x117: {  	[spmem:s2] =	stream.indirect.scatter.add.f32 [tilespmem:s10], [sflag:$0x2], $0x1, s29, s9, $0xb8;
	[tilespmem:$0x1580] =	vst v63  }
0x118: {  	_ =	swait.ge [sflag:s11], $0x80  }
0x119: {  	[sflag:s11] =	ssyncset.done $0x0  }
0x11a: {  	[sflag:s11] =	ssyncadd.s32 $0xFFFFFF80  }
0x11b: {  	[spmem:s2] =	stream.indirect.scatter.add.f32 [tilespmem:s10], [sflag:$0x1], $0x1, s30, s9, $0xb8;
	[tilespmem:$0x1580] =	vst v63  }
0x11c: {  	_ =	swait.ge [sflag:s12], $0x80  }
0x11d: {  	[sflag:s12] =	ssyncset.done $0x0  }
0x11e: {  	[sflag:s12] =	ssyncadd.s32 $0xFFFFFF80  }
0x11f: {  	[spmem:s2] =	stream.indirect.scatter.add.f32 [tilespmem:s10], [sflag:$0x2], $0x1, s31, s9, $0xb8;
	[tilespmem:$0x1580] =	vst v63  }
0x120: {  	_ =	swait.ge [sflag:s11], $0x80  }
0x121: {  	[sflag:s11] =	ssyncset.done $0x0  }
0x122: {  	[sflag:s11] =	ssyncadd.s32 $0xFFFFFF80  }
0x123: {  	[spmem:s2] =	stream.indirect.scatter.add.f32 [tilespmem:s10], [sflag:$0x1], $0x1, s1, s9, $0xb8;
	[tilespmem:$0x1580] =	vst v63  }
0x124: {  	_ =	swait.ge [sflag:s12], $0x80  }
0x125: {  	[sflag:s12] =	ssyncset.done $0x0  }
0x126: {  	[sflag:s12] =	ssyncadd.s32 $0xFFFFFF80  }
0x127: {  	[spmem:s2] =	stream.indirect.scatter.add.f32 [tilespmem:s10], [sflag:$0x2], $0x1, s0, s9, $0xb8;
	[tilespmem:$0x1580] =	vst v63  }
0x128: {  	_ =	swait.ge [sflag:s11], $0x80  }
0x129: {  	[sflag:s11] =	ssyncset.done $0x0  }
0x12a: {  	p0 =	sne.s32 s7, $0x400;
	[sflag:s11] =	ssyncadd.s32 $0xFFFFFF80  }
0x12b: {  	[spmem:s2] =	stream.indirect.scatter.add.f32 [tilespmem:s10], [sflag:$0x1], $0x1, s5, s9, $0xb8;
	[tilespmem:$0x1580] =	vst v63  }
.Ltmp0:
0x12c: {  	_ =	swait.ge [sflag:s12], $0x80;
	(pc) =	sbr.rel @p0 .LBB2_2-.Ltmp0, $4  }
0x12d: {  	[sflag:s12] =	ssyncset.done $0x0  }
0x12e: {  	[sflag:s12] =	ssyncadd.s32 $0xFFFFFF80  }
0x12f: {  	_ =	swait.ge [sflag:s11], $0x80  }
0x130: {  	s7 =	sadd.s32 $0x200, s7;
	[sflag:s11] =	ssyncset.done $0x0  }
0x131: {  	[sflag:s11] =	ssyncadd.s32 $0xFFFFFF80  }
0x132: {  	[bflag:$0x0] =	sbarrier.arrive $0xFFFF  }
0x133: {  	s4 =	simm.s32 $0x1080;
	s7 =	rddreg [dreg:$0x8]  }
0x134: {  	[tilespmem:s4], [sflag:$0x3] =	stream.linear.gather [spmem:s7], $0x280, $0x38;
	[tilespmem:$0x1580] =	vst v63  }
0x135: {  	_ =	swait.ge [sflag:s8], $0x280  }
0x136: {  	[sflag:s8] =	ssyncset.done $0x0  }
0x137: {  	s6 =	rddreg [dreg:$0x9];
	[sflag:s8] =	ssyncadd.s32 $0xFFFFFD80  }
0x138: {  	[hbm4b:s6+s3] =	stream.linear.scatter [tilespmem:s4], [sflag:$0x3], $0x280, $0x38;
	[tilespmem:$0x1580] =	vst v63  }
0x139: {  	_ =	swait.ge [sflag:s8], $0x280  }
0x13a: {  	s6 =	rddreg [dreg:$0xb]  }
0x13b: {  	s4 =	sadd.s32 $0x1, s6;
	s6 =	rddreg [dreg:$0xa]  }
0x13c: {  	p0 =	sne.s32 s4, s6  }
.Ltmp1:
0x13d: {  	_ = 	snop;
	(pc) =	sbr.rel @p0 .LBB2_1-.Ltmp1, $4  }
0x13e: {  	_ = 	snop  }
0x13f: {  	[sflag:s8] =	ssyncset.done $0x0  }
0x140: {  	[sflag:s8] =	ssyncadd.s32 $0xFFFFFD80  }
0x141: {  	[dreg:$0xb] =	wrdreg s4;
	s4 =	smov.u32 s7;
	s7 =	simm.s32 $0x1080  }
0x142: {  	_ =	sfence.sel $0x180000  }
0x143: {  	[bflag:$0x0] =	sbarrier.arrive $0xFFFF  }
0x144: {  	_ =	strace $0x90000047  }
0x145: {  	s0 =	stileid.u32;
	[bflag:$0x2] =	sbarrier.arrive $0xFFFF  }
0x146: {  	p0 =	sne.s32 s0, $0x0;
	s0 =	rddreg [dreg:$0x2]  }
0x147: {  	s0 =	sadd.s32 @!p0 $0x100000, s0  }
0x148: {  	[sflag:s0] =	ssyncadd.tile.s32 @!p0 $0x1;
	_ =	shalt  }
.Lfunc_end2:
_tile_overlayer_lowered:
.L_overlay_start_2:
0x149: {  	(tag) =	ssettag $0x2  }
0x14a: {  	s0 =	rddreg [dreg:$0x0];
	s2 =	stileid.u32  }
0x14b: {  	s1 =	rddreg [dreg:$0x1];
	p0 =	sne.s32 s2, $0x0  }
0x14c: {  	s3 =	rddreg [dreg:$0x2];
	[bflag:$0x3] =	sbarrier.arrive $0xFFFF;
	s2 =	simm.s32 @!p0 $0x1C03  }
0x14d: {  	[timem:s3], [sflag:s2] =	dma.local @!p0 [hbm:s0], s1  }
0x14e: {  	s0 =	simm.s32 @!p0 $0x3  }
0x14f: {  	_ =	swait.ge @!p0 [sflag:s0], s1  }
0x150: {  	s1 =	ssub.s32 @!p0 $0x0, s1;
	[sflag:s0] =	ssyncset.done @!p0 $0x0  }
0x151: {  	[sflag:s0] =	ssyncadd.s32 @!p0 s1  }
0x152: {  	[bflag:$0x3] =	sbarrier.arrive $0xFFFF  }
0x153: {  	_ =	shalt  }

</sc_bundles>
